<compile_context>
chip_gen: v7x
topology: tpu7x:2x2x1
jax: 0.10.2.dev20260603
libtpu: 0.0.44.dev20260713+nightly
codegen_flags: <defaults>
</compile_context>

<pallas_src>
import functools

import jax
import jax.numpy as jnp
from jax import lax
from jax.experimental import pallas as pl
from jax.experimental.pallas import tpu as pltpu
from jax.experimental.pallas import tpu_sc as plsc

B, S, D, V = 4096, 200, 128, 1000
N = B * S
NC, NS, L = 2, 16, 16
NW = NC * NS
PER_W = N // NW
CHUNK = S
NCHUNK = PER_W // CHUNK
NBUF = 3
IA = 128
IB = CHUNK - IA

_mesh = plsc.VectorSubcoreMesh(
    core_axis_name="c", subcore_axis_name="s", num_cores=NC, num_subcores=NS
)

_scratch = (
    [pltpu.VMEM((PER_W,), jnp.int32)]
    + [pltpu.VMEM((S, D), jnp.float32)]
    + [pltpu.VMEM((CHUNK, D), jnp.float32)] * NBUF
    + [pltpu.SemaphoreType.DMA] * (2 * NBUF)
)


@functools.partial(
    pl.kernel,
    out_type=jax.ShapeDtypeStruct((N, D), jnp.float32),
    mesh=_mesh,
    scratch_types=_scratch,
)
def _embed_sc(x_hbm, emb_hbm, pos_hbm, out_hbm,
              idx_v, pos_v, r0, r1, r2, g0, g1, g2, s0, s1, s2):
    rows = (r0, r1, r2)
    gsem = (g0, g1, g2)
    ssem = (s0, s1, s2)

    wid = lax.axis_index("s") * NC + lax.axis_index("c")
    base = wid * PER_W

    pltpu.sync_copy(x_hbm.at[pl.ds(base, PER_W)], idx_v)
    pltpu.sync_copy(pos_hbm.at[pl.ds(0, S)], pos_v)

    def gather_descs(k, b):
        off = pl.multiple_of(k * CHUNK, 8)
        da = pltpu.make_async_copy(
            emb_hbm.at[idx_v.at[pl.ds(off, IA)]],
            rows[b].at[pl.ds(0, IA)], gsem[b])
        db = pltpu.make_async_copy(
            emb_hbm.at[idx_v.at[pl.ds(off + IA, IB)]],
            rows[b].at[pl.ds(IA, IB)], gsem[b])
        return da, db

    def start_gather(k, b):
        da, db = gather_descs(k, b)
        da.start()
        db.start()

    def wait_gather(k, b):
        da, db = gather_descs(k, b)
        da.wait()
        db.wait()

    def scatter_desc(k, b):
        off = pl.multiple_of(base + k * CHUNK, 8)
        return pltpu.make_async_copy(
            rows[b], out_hbm.at[pl.ds(off, CHUNK)], ssem[b])

    def add_pos(b):
        r = rows[b]

        def sbody(i, carry):
            for u in range(2):
                srow = i * 2 + u
                for d in range(D // L):
                    sl = pl.ds(d * L, L)
                    plsc.addupdate(r.at[srow, sl], pos_v[srow, sl])
            return carry

        lax.fori_loop(0, S // 2, sbody, 0)

    def process(k, b):
        wait_gather(k, b)
        add_pos(b)
        scatter_desc(k, b).start()

    start_gather(0, 0)
    for k in range(NBUF):
        k1 = k + 1
        b1 = k1 % NBUF
        if k1 >= NBUF:
            scatter_desc(k1 - NBUF, b1).wait()
        start_gather(k1, b1)
        process(k, k % NBUF)

    def group(g, carry):
        for b in range(NBUF):
            k = g * NBUF + b
            k1 = k + 1
            b1 = (b + 1) % NBUF
            scatter_desc(k1 - NBUF, b1).wait()
            start_gather(k1, b1)
            process(k, b)
        return carry

    groups_end = (NCHUNK - 2) // NBUF
    lax.fori_loop(1, groups_end, group, 0)

    k = NCHUNK - 2
    scatter_desc(k + 1 - NBUF, (k + 1) % NBUF).wait()
    start_gather(k + 1, (k + 1) % NBUF)
    process(k, k % NBUF)
    process(k + 1, (k + 1) % NBUF)
    for j in range(NCHUNK - NBUF, NCHUNK):
        scatter_desc(j, j % NBUF).wait()


def kernel(x, emb_table, pos_table):
    flat = x.astype(jnp.int32).reshape(N)
    out = _embed_sc(flat, emb_table, pos_table)
    return out.reshape(B, S, D)

# --- scband reference (transcript-rebuilt; emitter-appended) ---
"""Pipeline reference for scband-protein-embedding-39831526703129 (READ-ONLY COPY).

The authoritative reference and input builder live on the scoring server;
editing this copy changes nothing except your own understanding.
"""

import jax, jax.numpy as jnp
import numpy as np

VOCAB = 1000
EMBED_DIM = 128
MAX_LEN = 1000
BATCH = 4096
SEQ = 200


def setup_inputs(seed: int = 0) -> dict:
    key = jax.random.key(seed)
    k1, k2, k3 = jax.random.split(key, 3)
    x = jax.random.randint(k1, (BATCH, SEQ), 0, VOCAB, dtype=jnp.int64) if jax.config.jax_enable_x64 else jax.random.randint(k1, (BATCH, SEQ), 0, VOCAB, dtype=jnp.int32)
    emb_table = jax.random.normal(k2, (VOCAB, EMBED_DIM), dtype=jnp.float32)
    # padding_idx=0: PyTorch initializes the padding row to zeros
    emb_table = emb_table.at[0].set(0.0)
    pos_table = jax.random.normal(k3, (MAX_LEN, EMBED_DIM), dtype=jnp.float32)
    return {"x": x, "emb_table": emb_table, "pos_table": pos_table}


def reference(x, emb_table, pos_table):
    # embeddings = self.embedding(x) + self.position_encoding(positions)
    positions = jnp.arange(x.shape[1])  # [S]
    tok = jnp.take(emb_table, x, axis=0)               # [B, S, D] gather
    pos = jnp.take(pos_table, positions, axis=0)       # [S, D] gather
    return tok + pos[None, :, :]

if __name__ == "__main__":
    import jax
    _d = setup_inputs()
    print(jax.jit(kernel)(*tuple(_d.values())))

</pallas_src>

<mosaic_0001>
#map = affine_map<(d0, d1) -> (0)>
#map1 = affine_map<(d0, d1) -> (0, 0)>
module attributes {stable_mosaic.version = 14 : i64} {
  func.func @_embed_sc(%arg0: i32, %arg1: i32, %arg2: memref<819200xi32, #tpu.memory_space<hbm>>, %arg3: memref<1000x128xf32, #tpu.memory_space<hbm>>, %arg4: memref<1000x128xf32, #tpu.memory_space<hbm>>, %arg5: memref<819200x128xf32, #tpu.memory_space<hbm>>, %arg6: memref<25600xi32, #tpu.memory_space<vmem>>, %arg7: memref<200x128xf32, #tpu.memory_space<vmem>>, %arg8: memref<200x128xf32, #tpu.memory_space<vmem>>, %arg9: memref<200x128xf32, #tpu.memory_space<vmem>>, %arg10: memref<200x128xf32, #tpu.memory_space<vmem>>, %arg11: memref<!tpu.dma_semaphore, #tpu.memory_space<semaphore_mem>>, %arg12: memref<!tpu.dma_semaphore, #tpu.memory_space<semaphore_mem>>, %arg13: memref<!tpu.dma_semaphore, #tpu.memory_space<semaphore_mem>>, %arg14: memref<!tpu.dma_semaphore, #tpu.memory_space<semaphore_mem>>, %arg15: memref<!tpu.dma_semaphore, #tpu.memory_space<semaphore_mem>>, %arg16: memref<!tpu.dma_semaphore, #tpu.memory_space<semaphore_mem>>) attributes {dimension_semantics = [#tpu.dimension_semantics<core_parallel>, #tpu.dimension_semantics<subcore_parallel>], iteration_bounds = array<i64: 2, 16>, scalar_prefetch = 0 : i64, scratch_operands = 11 : i64, tpu.core_type = #tpu.core_type<sc_vector_subcore>, window_params = [{transform_indices = #map}, {transform_indices = #map1}, {transform_indices = #map1}, {transform_indices = #map1}]} {
    %mul3A = arith.constant 2 : i32
    %mul3A_0 = arith.muli %arg1, %mul3A : i32
    %add3A = arith.addi %mul3A_0, %arg0 : i32
    %mul3A_1 = arith.constant 25600 : i32
    %mul3A_2 = arith.muli %add3A, %mul3A_1 : i32
    "tpu.region"() ({
      %run_scoped3A = tpu.sem_alloc : memref<!tpu.dma_semaphore, #tpu.memory_space<semaphore_mem>>
      %dma_start3A_285 = tpu.memref_slice %arg2[%mul3A_2] : memref<819200xi32, #tpu.memory_space<hbm>> -> memref<25600xi32, #tpu.memory_space<hbm>>
      %dma_start3A_286 = tpu.memref_slice %arg2[%mul3A_2] : memref<819200xi32, #tpu.memory_space<hbm>> -> memref<25600xi32, #tpu.memory_space<hbm>>
      tpu.enqueue_dma source(%dma_start3A_286 : memref<25600xi32, #tpu.memory_space<hbm>>) target(%arg6 : memref<25600xi32, #tpu.memory_space<vmem>>) target_semaphore(%run_scoped3A : memref<!tpu.dma_semaphore, #tpu.memory_space<semaphore_mem>>)
      %dma_wait3A_287 = tpu.memref_slice %arg2[%mul3A_2] : memref<819200xi32, #tpu.memory_space<hbm>> -> memref<25600xi32, #tpu.memory_space<hbm>>
      %dma_wait3A_288 = tpu.memref_slice %arg2[%mul3A_2] : memref<819200xi32, #tpu.memory_space<hbm>> -> memref<25600xi32, #tpu.memory_space<hbm>>
      tpu.wait_dma2 semaphore(%run_scoped3A : memref<!tpu.dma_semaphore, #tpu.memory_space<semaphore_mem>>) src(%dma_wait3A_288 : memref<25600xi32, #tpu.memory_space<hbm>>) dst(%arg6 : memref<25600xi32, #tpu.memory_space<vmem>>)
      tpu.yield
    }) : () -> ()
    "tpu.region"() ({
      %run_scoped3A = tpu.sem_alloc : memref<!tpu.dma_semaphore, #tpu.memory_space<semaphore_mem>>
      %dma_start3A_285 = arith.constant 0 : i32
      %dma_start3A_286 = arith.constant 0 : i32
      %dma_start3A_287 = tpu.memref_slice %arg4[%dma_start3A_285, %dma_start3A_286] : memref<1000x128xf32, #tpu.memory_space<hbm>> -> memref<200x128xf32, #tpu.memory_space<hbm>>
      %dma_start3A_288 = arith.constant 0 : i32
      %dma_start3A_289 = arith.constant 0 : i32
      %dma_start3A_290 = tpu.memref_slice %arg4[%dma_start3A_288, %dma_start3A_289] : memref<1000x128xf32, #tpu.memory_space<hbm>> -> memref<200x128xf32, #tpu.memory_space<hbm>>
      tpu.enqueue_dma source(%dma_start3A_290 : memref<200x128xf32, #tpu.memory_space<hbm>>) target(%arg7 : memref<200x128xf32, #tpu.memory_space<vmem>>) target_semaphore(%run_scoped3A : memref<!tpu.dma_semaphore, #tpu.memory_space<semaphore_mem>>)
      %dma_wait3A_291 = arith.constant 0 : i32
      %dma_wait3A_292 = arith.constant 0 : i32
      %dma_wait3A_293 = tpu.memref_slice %arg4[%dma_wait3A_291, %dma_wait3A_292] : memref<1000x128xf32, #tpu.memory_space<hbm>> -> memref<200x128xf32, #tpu.memory_space<hbm>>
      %dma_wait3A_294 = arith.constant 0 : i32
      %dma_wait3A_295 = arith.constant 0 : i32
      %dma_wait3A_296 = tpu.memref_slice %arg4[%dma_wait3A_294, %dma_wait3A_295] : memref<1000x128xf32, #tpu.memory_space<hbm>> -> memref<200x128xf32, #tpu.memory_space<hbm>>
      tpu.wait_dma2 semaphore(%run_scoped3A : memref<!tpu.dma_semaphore, #tpu.memory_space<semaphore_mem>>) src(%dma_wait3A_296 : memref<200x128xf32, #tpu.memory_space<hbm>>) dst(%arg7 : memref<200x128xf32, #tpu.memory_space<vmem>>)
      tpu.yield
    }) : () -> ()
    %multiple_of3A = arith.constant 0 : i32
    %multiple_of3A_3 = tpu.assume_multiple %multiple_of3A, 8 : i32
    %add3A_4 = arith.constant 128 : i32
    %add3A_5 = arith.addi %multiple_of3A_3, %add3A_4 : i32
    %dma_start3A = arith.constant 0 : i32
    %dma_start3A_6 = arith.constant 0 : i32
    %dma_start3A_7 = tpu.memref_slice %arg8[%dma_start3A, %dma_start3A_6] : memref<200x128xf32, #tpu.memory_space<vmem>> -> memref<128x128xf32, #tpu.memory_space<vmem>>
    %dma_start3A_8 = tpu.memref_slice %arg6[%multiple_of3A_3] : memref<25600xi32, #tpu.memory_space<vmem>> -> memref<128xi32, #tpu.memory_space<vmem>>
    %dma_start3A_9 = arith.constant 0 : i32
    %dma_start3A_10 = arith.constant 0 : i32
    %dma_start3A_11 = tpu.memref_slice %arg3[%dma_start3A_9, %dma_start3A_10] : memref<1000x128xf32, #tpu.memory_space<hbm>> -> memref<1000x128xf32, #tpu.memory_space<hbm>>
    tpu.enqueue_indirect_dma source(%dma_start3A_11 : memref<1000x128xf32, #tpu.memory_space<hbm>>) target(%dma_start3A_7 : memref<128x128xf32, #tpu.memory_space<vmem>>) offsets(%dma_start3A_8 : memref<128xi32, #tpu.memory_space<vmem>>) semaphore(%arg11 : memref<!tpu.dma_semaphore, #tpu.memory_space<semaphore_mem>>)
    %dma_start3A_12 = arith.constant 128 : i32
    %dma_start3A_13 = arith.constant 0 : i32
    %dma_start3A_14 = tpu.memref_slice %arg8[%dma_start3A_12, %dma_start3A_13] : memref<200x128xf32, #tpu.memory_space<vmem>> -> memref<72x128xf32, #tpu.memory_space<vmem>>
    %dma_start3A_15 = tpu.memref_slice %arg6[%add3A_5] : memref<25600xi32, #tpu.memory_space<vmem>> -> memref<72xi32, #tpu.memory_space<vmem>>
    %dma_start3A_16 = arith.constant 0 : i32
    %dma_start3A_17 = arith.constant 0 : i32
    %dma_start3A_18 = tpu.memref_slice %arg3[%dma_start3A_16, %dma_start3A_17] : memref<1000x128xf32, #tpu.memory_space<hbm>> -> memref<1000x128xf32, #tpu.memory_space<hbm>>
    tpu.enqueue_indirect_dma source(%dma_start3A_18 : memref<1000x128xf32, #tpu.memory_space<hbm>>) target(%dma_start3A_14 : memref<72x128xf32, #tpu.memory_space<vmem>>) offsets(%dma_start3A_15 : memref<72xi32, #tpu.memory_space<vmem>>) semaphore(%arg11 : memref<!tpu.dma_semaphore, #tpu.memory_space<semaphore_mem>>)
    %multiple_of3A_19 = arith.constant 200 : i32
    %multiple_of3A_20 = tpu.assume_multiple %multiple_of3A_19, 8 : i32
    %add3A_21 = arith.constant 128 : i32
    %add3A_22 = arith.addi %multiple_of3A_20, %add3A_21 : i32
    %dma_start3A_23 = arith.constant 0 : i32
    %dma_start3A_24 = arith.constant 0 : i32
    %dma_start3A_25 = tpu.memref_slice %arg9[%dma_start3A_23, %dma_start3A_24] : memref<200x128xf32, #tpu.memory_space<vmem>> -> memref<128x128xf32, #tpu.memory_space<vmem>>
    %dma_start3A_26 = tpu.memref_slice %arg6[%multiple_of3A_20] : memref<25600xi32, #tpu.memory_space<vmem>> -> memref<128xi32, #tpu.memory_space<vmem>>
    %dma_start3A_27 = arith.constant 0 : i32
    %dma_start3A_28 = arith.constant 0 : i32
    %dma_start3A_29 = tpu.memref_slice %arg3[%dma_start3A_27, %dma_start3A_28] : memref<1000x128xf32, #tpu.memory_space<hbm>> -> memref<1000x128xf32, #tpu.memory_space<hbm>>
    tpu.enqueue_indirect_dma source(%dma_start3A_29 : memref<1000x128xf32, #tpu.memory_space<hbm>>) target(%dma_start3A_25 : memref<128x128xf32, #tpu.memory_space<vmem>>) offsets(%dma_start3A_26 : memref<128xi32, #tpu.memory_space<vmem>>) semaphore(%arg12 : memref<!tpu.dma_semaphore, #tpu.memory_space<semaphore_mem>>)
    %dma_start3A_30 = arith.constant 128 : i32
    %dma_start3A_31 = arith.constant 0 : i32
    %dma_start3A_32 = tpu.memref_slice %arg9[%dma_start3A_30, %dma_start3A_31] : memref<200x128xf32, #tpu.memory_space<vmem>> -> memref<72x128xf32, #tpu.memory_space<vmem>>
    %dma_start3A_33 = tpu.memref_slice %arg6[%add3A_22] : memref<25600xi32, #tpu.memory_space<vmem>> -> memref<72xi32, #tpu.memory_space<vmem>>
    %dma_start3A_34 = arith.constant 0 : i32
    %dma_start3A_35 = arith.constant 0 : i32
    %dma_start3A_36 = tpu.memref_slice %arg3[%dma_start3A_34, %dma_start3A_35] : memref<1000x128xf32, #tpu.memory_space<hbm>> -> memref<1000x128xf32, #tpu.memory_space<hbm>>
    tpu.enqueue_indirect_dma source(%dma_start3A_36 : memref<1000x128xf32, #tpu.memory_space<hbm>>) target(%dma_start3A_32 : memref<72x128xf32, #tpu.memory_space<vmem>>) offsets(%dma_start3A_33 : memref<72xi32, #tpu.memory_space<vmem>>) semaphore(%arg12 : memref<!tpu.dma_semaphore, #tpu.memory_space<semaphore_mem>>)
    %multiple_of3A_37 = arith.constant 0 : i32
    %multiple_of3A_38 = tpu.assume_multiple %multiple_of3A_37, 8 : i32
    %add3A_39 = arith.constant 128 : i32
    %add3A_40 = arith.addi %multiple_of3A_38, %add3A_39 : i32
    %dma_wait3A = arith.constant 0 : i32
    %dma_wait3A_41 = arith.constant 0 : i32
    %dma_wait3A_42 = tpu.memref_slice %arg8[%dma_wait3A, %dma_wait3A_41] : memref<200x128xf32, #tpu.memory_space<vmem>> -> memref<128x128xf32, #tpu.memory_space<vmem>>
    %dma_wait3A_43 = tpu.memref_slice %arg6[%multiple_of3A_38] : memref<25600xi32, #tpu.memory_space<vmem>> -> memref<128xi32, #tpu.memory_space<vmem>>
    %dma_wait3A_44 = arith.constant 0 : i32
    %dma_wait3A_45 = arith.constant 0 : i32
    %dma_wait3A_46 = tpu.memref_slice %arg3[%dma_wait3A_44, %dma_wait3A_45] : memref<1000x128xf32, #tpu.memory_space<hbm>> -> memref<1000x128xf32, #tpu.memory_space<hbm>>
    tpu.wait_indirect_dma semaphore(%arg11 : memref<!tpu.dma_semaphore, #tpu.memory_space<semaphore_mem>>) src(%dma_wait3A_46 : memref<1000x128xf32, #tpu.memory_space<hbm>>) dst(%dma_wait3A_42 : memref<128x128xf32, #tpu.memory_space<vmem>>)
    %dma_wait3A_47 = arith.constant 128 : i32
    %dma_wait3A_48 = arith.constant 0 : i32
    %dma_wait3A_49 = tpu.memref_slice %arg8[%dma_wait3A_47, %dma_wait3A_48] : memref<200x128xf32, #tpu.memory_space<vmem>> -> memref<72x128xf32, #tpu.memory_space<vmem>>
    %dma_wait3A_50 = tpu.memref_slice %arg6[%add3A_40] : memref<25600xi32, #tpu.memory_space<vmem>> -> memref<72xi32, #tpu.memory_space<vmem>>
    %dma_wait3A_51 = arith.constant 0 : i32
    %dma_wait3A_52 = arith.constant 0 : i32
    %dma_wait3A_53 = tpu.memref_slice %arg3[%dma_wait3A_51, %dma_wait3A_52] : memref<1000x128xf32, #tpu.memory_space<hbm>> -> memref<1000x128xf32, #tpu.memory_space<hbm>>
    tpu.wait_indirect_dma semaphore(%arg11 : memref<!tpu.dma_semaphore, #tpu.memory_space<semaphore_mem>>) src(%dma_wait3A_53 : memref<1000x128xf32, #tpu.memory_space<hbm>>) dst(%dma_wait3A_49 : memref<72x128xf32, #tpu.memory_space<vmem>>)
    %scan3A = arith.constant 0 : i32
    %scan3A_54 = arith.constant 0 : i32
    %scan3A_55 = arith.constant 100 : i32
    %scan3A_56 = arith.addi %scan3A_54, %scan3A_55 : i32
    %scan3A_57 = arith.constant 1 : i32
    scf.for %scan3A_285 = %scan3A_54 to %scan3A_56 step %scan3A_57  : i32 {
      %mul3A_286 = arith.constant 2 : i32
      %mul3A_287 = arith.muli %scan3A_285, %mul3A_286 : i32
      %add3A_288 = arith.constant 0 : i32
      %add3A_289 = arith.addi %mul3A_287, %add3A_288 : i32
      %get3A = arith.index_cast %add3A_289 : i32 to index
      %get3A_290 = arith.constant 0 : index
      %get3A_291 = tpu.vector_load %arg7[%get3A, %get3A_290] {strides = array<i32>} : memref<200x128xf32, #tpu.memory_space<vmem>>, vector<1x16xf32>,
      %get3A_292 = vector.shape_cast %get3A_291 : vector<1x16xf32> to vector<16xf32>
      %swap3A = arith.index_cast %add3A_289 : i32 to index
      %swap3A_293 = arith.constant 0 : index
      %swap3A_294 = tpu.vector_load %arg8[%swap3A, %swap3A_293] {strides = array<i32>} : memref<200x128xf32, #tpu.memory_space<vmem>>, vector<1x16xf32>,
      %swap3A_295 = vector.shape_cast %swap3A_294 : vector<1x16xf32> to vector<16xf32>
      %swap3A_296 = vector.shape_cast %get3A_292 : vector<16xf32> to vector<1x16xf32>
      tpu.vector_store %arg8[%swap3A, %swap3A_293], %swap3A_296 {add = true, strides = array<i32>} : memref<200x128xf32, #tpu.memory_space<vmem>>, vector<1x16xf32>,
      %get3A_297 = arith.index_cast %add3A_289 : i32 to index
      %get3A_298 = arith.constant 16 : index
      %get3A_299 = tpu.vector_load %arg7[%get3A_297, %get3A_298] {strides = array<i32>} : memref<200x128xf32, #tpu.memory_space<vmem>>, vector<1x16xf32>,
      %get3A_300 = vector.shape_cast %get3A_299 : vector<1x16xf32> to vector<16xf32>
      %swap3A_301 = arith.index_cast %add3A_289 : i32 to index
      %swap3A_302 = arith.constant 16 : index
      %swap3A_303 = tpu.vector_load %arg8[%swap3A_301, %swap3A_302] {strides = array<i32>} : memref<200x128xf32, #tpu.memory_space<vmem>>, vector<1x16xf32>,
      %swap3A_304 = vector.shape_cast %swap3A_303 : vector<1x16xf32> to vector<16xf32>
      %swap3A_305 = vector.shape_cast %get3A_300 : vector<16xf32> to vector<1x16xf32>
      tpu.vector_store %arg8[%swap3A_301, %swap3A_302], %swap3A_305 {add = true, strides = array<i32>} : memref<200x128xf32, #tpu.memory_space<vmem>>, vector<1x16xf32>,
      %get3A_306 = arith.index_cast %add3A_289 : i32 to index
      %get3A_307 = arith.constant 32 : index
      %get3A_308 = tpu.vector_load %arg7[%get3A_306, %get3A_307] {strides = array<i32>} : memref<200x128xf32, #tpu.memory_space<vmem>>, vector<1x16xf32>,
      %get3A_309 = vector.shape_cast %get3A_308 : vector<1x16xf32> to vector<16xf32>
      %swap3A_310 = arith.index_cast %add3A_289 : i32 to index
      %swap3A_311 = arith.constant 32 : index
      %swap3A_312 = tpu.vector_load %arg8[%swap3A_310, %swap3A_311] {strides = array<i32>} : memref<200x128xf32, #tpu.memory_space<vmem>>, vector<1x16xf32>,
      %swap3A_313 = vector.shape_cast %swap3A_312 : vector<1x16xf32> to vector<16xf32>
      %swap3A_314 = vector.shape_cast %get3A_309 : vector<16xf32> to vector<1x16xf32>
      tpu.vector_store %arg8[%swap3A_310, %swap3A_311], %swap3A_314 {add = true, strides = array<i32>} : memref<200x128xf32, #tpu.memory_space<vmem>>, vector<1x16xf32>,
      %get3A_315 = arith.index_cast %add3A_289 : i32 to index
      %get3A_316 = arith.constant 48 : index
      %get3A_317 = tpu.vector_load %arg7[%get3A_315, %get3A_316] {strides = array<i32>} : memref<200x128xf32, #tpu.memory_space<vmem>>, vector<1x16xf32>,
      %get3A_318 = vector.shape_cast %get3A_317 : vector<1x16xf32> to vector<16xf32>
      %swap3A_319 = arith.index_cast %add3A_289 : i32 to index
      %swap3A_320 = arith.constant 48 : index
      %swap3A_321 = tpu.vector_load %arg8[%swap3A_319, %swap3A_320] {strides = array<i32>} : memref<200x128xf32, #tpu.memory_space<vmem>>, vector<1x16xf32>,
      %swap3A_322 = vector.shape_cast %swap3A_321 : vector<1x16xf32> to vector<16xf32>
      %swap3A_323 = vector.shape_cast %get3A_318 : vector<16xf32> to vector<1x16xf32>
      tpu.vector_store %arg8[%swap3A_319, %swap3A_320], %swap3A_323 {add = true, strides = array<i32>} : memref<200x128xf32, #tpu.memory_space<vmem>>, vector<1x16xf32>,
      %get3A_324 = arith.index_cast %add3A_289 : i32 to index
      %get3A_325 = arith.constant 64 : index
      %get3A_326 = tpu.vector_load %arg7[%get3A_324, %get3A_325] {strides = array<i32>} : memref<200x128xf32, #tpu.memory_space<vmem>>, vector<1x16xf32>,
      %get3A_327 = vector.shape_cast %get3A_326 : vector<1x16xf32> to vector<16xf32>
      %swap3A_328 = arith.index_cast %add3A_289 : i32 to index
      %swap3A_329 = arith.constant 64 : index
      %swap3A_330 = tpu.vector_load %arg8[%swap3A_328, %swap3A_329] {strides = array<i32>} : memref<200x128xf32, #tpu.memory_space<vmem>>, vector<1x16xf32>,
      %swap3A_331 = vector.shape_cast %swap3A_330 : vector<1x16xf32> to vector<16xf32>
      %swap3A_332 = vector.shape_cast %get3A_327 : vector<16xf32> to vector<1x16xf32>
      tpu.vector_store %arg8[%swap3A_328, %swap3A_329], %swap3A_332 {add = true, strides = array<i32>} : memref<200x128xf32, #tpu.memory_space<vmem>>, vector<1x16xf32>,
      %get3A_333 = arith.index_cast %add3A_289 : i32 to index
      %get3A_334 = arith.constant 80 : index
      %get3A_335 = tpu.vector_load %arg7[%get3A_333, %get3A_334] {strides = array<i32>} : memref<200x128xf32, #tpu.memory_space<vmem>>, vector<1x16xf32>,
      %get3A_336 = vector.shape_cast %get3A_335 : vector<1x16xf32> to vector<16xf32>
      %swap3A_337 = arith.index_cast %add3A_289 : i32 to index
      %swap3A_338 = arith.constant 80 : index
      %swap3A_339 = tpu.vector_load %arg8[%swap3A_337, %swap3A_338] {strides = array<i32>} : memref<200x128xf32, #tpu.memory_space<vmem>>, vector<1x16xf32>,
      %swap3A_340 = vector.shape_cast %swap3A_339 : vector<1x16xf32> to vector<16xf32>
      %swap3A_341 = vector.shape_cast %get3A_336 : vector<16xf32> to vector<1x16xf32>
      tpu.vector_store %arg8[%swap3A_337, %swap3A_338], %swap3A_341 {add = true, strides = array<i32>} : memref<200x128xf32, #tpu.memory_space<vmem>>, vector<1x16xf32>,
      %get3A_342 = arith.index_cast %add3A_289 : i32 to index
      %get3A_343 = arith.constant 96 : index
      %get3A_344 = tpu.vector_load %arg7[%get3A_342, %get3A_343] {strides = array<i32>} : memref<200x128xf32, #tpu.memory_space<vmem>>, vector<1x16xf32>,
      %get3A_345 = vector.shape_cast %get3A_344 : vector<1x16xf32> to vector<16xf32>
      %swap3A_346 = arith.index_cast %add3A_289 : i32 to index
      %swap3A_347 = arith.constant 96 : index
      %swap3A_348 = tpu.vector_load %arg8[%swap3A_346, %swap3A_347] {strides = array<i32>} : memref<200x128xf32, #tpu.memory_space<vmem>>, vector<1x16xf32>,
      %swap3A_349 = vector.shape_cast %swap3A_348 : vector<1x16xf32> to vector<16xf32>
      %swap3A_350 = vector.shape_cast %get3A_345 : vector<16xf32> to vector<1x16xf32>
      tpu.vector_store %arg8[%swap3A_346, %swap3A_347], %swap3A_350 {add = true, strides = array<i32>} : memref<200x128xf32, #tpu.memory_space<vmem>>, vector<1x16xf32>,
      %get3A_351 = arith.index_cast %add3A_289 : i32 to index
      %get3A_352 = arith.constant 112 : index
      %get3A_353 = tpu.vector_load %arg7[%get3A_351, %get3A_352] {strides = array<i32>} : memref<200x128xf32, #tpu.memory_space<vmem>>, vector<1x16xf32>,
      %get3A_354 = vector.shape_cast %get3A_353 : vector<1x16xf32> to vector<16xf32>
      %swap3A_355 = arith.index_cast %add3A_289 : i32 to index
      %swap3A_356 = arith.constant 112 : index
      %swap3A_357 = tpu.vector_load %arg8[%swap3A_355, %swap3A_356] {strides = array<i32>} : memref<200x128xf32, #tpu.memory_space<vmem>>, vector<1x16xf32>,
      %swap3A_358 = vector.shape_cast %swap3A_357 : vector<1x16xf32> to vector<16xf32>
      %swap3A_359 = vector.shape_cast %get3A_354 : vector<16xf32> to vector<1x16xf32>
      tpu.vector_store %arg8[%swap3A_355, %swap3A_356], %swap3A_359 {add = true, strides = array<i32>} : memref<200x128xf32, #tpu.memory_space<vmem>>, vector<1x16xf32>,
      %mul3A_360 = arith.constant 2 : i32
      %mul3A_361 = arith.muli %scan3A_285, %mul3A_360 : i32
      %add3A_362 = arith.constant 1 : i32
      %add3A_363 = arith.addi %mul3A_361, %add3A_362 : i32
      %get3A_364 = arith.index_cast %add3A_363 : i32 to index
      %get3A_365 = arith.constant 0 : index
      %get3A_366 = tpu.vector_load %arg7[%get3A_364, %get3A_365] {strides = array<i32>} : memref<200x128xf32, #tpu.memory_space<vmem>>, vector<1x16xf32>,
      %get3A_367 = vector.shape_cast %get3A_366 : vector<1x16xf32> to vector<16xf32>
      %swap3A_368 = arith.index_cast %add3A_363 : i32 to index
      %swap3A_369 = arith.constant 0 : index
      %swap3A_370 = tpu.vector_load %arg8[%swap3A_368, %swap3A_369] {strides = array<i32>} : memref<200x128xf32, #tpu.memory_space<vmem>>, vector<1x16xf32>,
      %swap3A_371 = vector.shape_cast %swap3A_370 : vector<1x16xf32> to vector<16xf32>
      %swap3A_372 = vector.shape_cast %get3A_367 : vector<16xf32> to vector<1x16xf32>
      tpu.vector_store %arg8[%swap3A_368, %swap3A_369], %swap3A_372 {add = true, strides = array<i32>} : memref<200x128xf32, #tpu.memory_space<vmem>>, vector<1x16xf32>,
      %get3A_373 = arith.index_cast %add3A_363 : i32 to index
      %get3A_374 = arith.constant 16 : index
      %get3A_375 = tpu.vector_load %arg7[%get3A_373, %get3A_374] {strides = array<i32>} : memref<200x128xf32, #tpu.memory_space<vmem>>, vector<1x16xf32>,
      %get3A_376 = vector.shape_cast %get3A_375 : vector<1x16xf32> to vector<16xf32>
      %swap3A_377 = arith.index_cast %add3A_363 : i32 to index
      %swap3A_378 = arith.constant 16 : index
      %swap3A_379 = tpu.vector_load %arg8[%swap3A_377, %swap3A_378] {strides = array<i32>} : memref<200x128xf32, #tpu.memory_space<vmem>>, vector<1x16xf32>,
      %swap3A_380 = vector.shape_cast %swap3A_379 : vector<1x16xf32> to vector<16xf32>
      %swap3A_381 = vector.shape_cast %get3A_376 : vector<16xf32> to vector<1x16xf32>
      tpu.vector_store %arg8[%swap3A_377, %swap3A_378], %swap3A_381 {add = true, strides = array<i32>} : memref<200x128xf32, #tpu.memory_space<vmem>>, vector<1x16xf32>,
      %get3A_382 = arith.index_cast %add3A_363 : i32 to index
      %get3A_383 = arith.constant 32 : index
      %get3A_384 = tpu.vector_load %arg7[%get3A_382, %get3A_383] {strides = array<i32>} : memref<200x128xf32, #tpu.memory_space<vmem>>, vector<1x16xf32>,
      %get3A_385 = vector.shape_cast %get3A_384 : vector<1x16xf32> to vector<16xf32>
      %swap3A_386 = arith.index_cast %add3A_363 : i32 to index
      %swap3A_387 = arith.constant 32 : index
      %swap3A_388 = tpu.vector_load %arg8[%swap3A_386, %swap3A_387] {strides = array<i32>} : memref<200x128xf32, #tpu.memory_space<vmem>>, vector<1x16xf32>,
      %swap3A_389 = vector.shape_cast %swap3A_388 : vector<1x16xf32> to vector<16xf32>
      %swap3A_390 = vector.shape_cast %get3A_385 : vector<16xf32> to vector<1x16xf32>
      tpu.vector_store %arg8[%swap3A_386, %swap3A_387], %swap3A_390 {add = true, strides = array<i32>} : memref<200x128xf32, #tpu.memory_space<vmem>>, vector<1x16xf32>,
      %get3A_391 = arith.index_cast %add3A_363 : i32 to index
      %get3A_392 = arith.constant 48 : index
      %get3A_393 = tpu.vector_load %arg7[%get3A_391, %get3A_392] {strides = array<i32>} : memref<200x128xf32, #tpu.memory_space<vmem>>, vector<1x16xf32>,
      %get3A_394 = vector.shape_cast %get3A_393 : vector<1x16xf32> to vector<16xf32>
      %swap3A_395 = arith.index_cast %add3A_363 : i32 to index
      %swap3A_396 = arith.constant 48 : index
      %swap3A_397 = tpu.vector_load %arg8[%swap3A_395, %swap3A_396] {strides = array<i32>} : memref<200x128xf32, #tpu.memory_space<vmem>>, vector<1x16xf32>,
      %swap3A_398 = vector.shape_cast %swap3A_397 : vector<1x16xf32> to vector<16xf32>
      %swap3A_399 = vector.shape_cast %get3A_394 : vector<16xf32> to vector<1x16xf32>
      tpu.vector_store %arg8[%swap3A_395, %swap3A_396], %swap3A_399 {add = true, strides = array<i32>} : memref<200x128xf32, #tpu.memory_space<vmem>>, vector<1x16xf32>,
      %get3A_400 = arith.index_cast %add3A_363 : i32 to index
      %get3A_401 = arith.constant 64 : index
      %get3A_402 = tpu.vector_load %arg7[%get3A_400, %get3A_401] {strides = array<i32>} : memref<200x128xf32, #tpu.memory_space<vmem>>, vector<1x16xf32>,
      %get3A_403 = vector.shape_cast %get3A_402 : vector<1x16xf32> to vector<16xf32>
      %swap3A_404 = arith.index_cast %add3A_363 : i32 to index
      %swap3A_405 = arith.constant 64 : index
      %swap3A_406 = tpu.vector_load %arg8[%swap3A_404, %swap3A_405] {strides = array<i32>} : memref<200x128xf32, #tpu.memory_space<vmem>>, vector<1x16xf32>,
      %swap3A_407 = vector.shape_cast %swap3A_406 : vector<1x16xf32> to vector<16xf32>
      %swap3A_408 = vector.shape_cast %get3A_403 : vector<16xf32> to vector<1x16xf32>
      tpu.vector_store %arg8[%swap3A_404, %swap3A_405], %swap3A_408 {add = true, strides = array<i32>} : memref<200x128xf32, #tpu.memory_space<vmem>>, vector<1x16xf32>,
      %get3A_409 = arith.index_cast %add3A_363 : i32 to index
      %get3A_410 = arith.constant 80 : index
      %get3A_411 = tpu.vector_load %arg7[%get3A_409, %get3A_410] {strides = array<i32>} : memref<200x128xf32, #tpu.memory_space<vmem>>, vector<1x16xf32>,
      %get3A_412 = vector.shape_cast %get3A_411 : vector<1x16xf32> to vector<16xf32>
      %swap3A_413 = arith.index_cast %add3A_363 : i32 to index
      %swap3A_414 = arith.constant 80 : index
      %swap3A_415 = tpu.vector_load %arg8[%swap3A_413, %swap3A_414] {strides = array<i32>} : memref<200x128xf32, #tpu.memory_space<vmem>>, vector<1x16xf32>,
      %swap3A_416 = vector.shape_cast %swap3A_415 : vector<1x16xf32> to vector<16xf32>
      %swap3A_417 = vector.shape_cast %get3A_412 : vector<16xf32> to vector<1x16xf32>
      tpu.vector_store %arg8[%swap3A_413, %swap3A_414], %swap3A_417 {add = true, strides = array<i32>} : memref<200x128xf32, #tpu.memory_space<vmem>>, vector<1x16xf32>,
      %get3A_418 = arith.index_cast %add3A_363 : i32 to index
      %get3A_419 = arith.constant 96 : index
      %get3A_420 = tpu.vector_load %arg7[%get3A_418, %get3A_419] {strides = array<i32>} : memref<200x128xf32, #tpu.memory_space<vmem>>, vector<1x16xf32>,
      %get3A_421 = vector.shape_cast %get3A_420 : vector<1x16xf32> to vector<16xf32>
      %swap3A_422 = arith.index_cast %add3A_363 : i32 to index
      %swap3A_423 = arith.constant 96 : index
      %swap3A_424 = tpu.vector_load %arg8[%swap3A_422, %swap3A_423] {strides = array<i32>} : memref<200x128xf32, #tpu.memory_space<vmem>>, vector<1x16xf32>,
      %swap3A_425 = vector.shape_cast %swap3A_424 : vector<1x16xf32> to vector<16xf32>
      %swap3A_426 = vector.shape_cast %get3A_421 : vector<16xf32> to vector<1x16xf32>
      tpu.vector_store %arg8[%swap3A_422, %swap3A_423], %swap3A_426 {add = true, strides = array<i32>} : memref<200x128xf32, #tpu.memory_space<vmem>>, vector<1x16xf32>,
      %get3A_427 = arith.index_cast %add3A_363 : i32 to index
      %get3A_428 = arith.constant 112 : index
      %get3A_429 = tpu.vector_load %arg7[%get3A_427, %get3A_428] {strides = array<i32>} : memref<200x128xf32, #tpu.memory_space<vmem>>, vector<1x16xf32>,
      %get3A_430 = vector.shape_cast %get3A_429 : vector<1x16xf32> to vector<16xf32>
      %swap3A_431 = arith.index_cast %add3A_363 : i32 to index
      %swap3A_432 = arith.constant 112 : index
      %swap3A_433 = tpu.vector_load %arg8[%swap3A_431, %swap3A_432] {strides = array<i32>} : memref<200x128xf32, #tpu.memory_space<vmem>>, vector<1x16xf32>,
      %swap3A_434 = vector.shape_cast %swap3A_433 : vector<1x16xf32> to vector<16xf32>
      %swap3A_435 = vector.shape_cast %get3A_430 : vector<16xf32> to vector<1x16xf32>
      tpu.vector_store %arg8[%swap3A_431, %swap3A_432], %swap3A_435 {add = true, strides = array<i32>} : memref<200x128xf32, #tpu.memory_space<vmem>>, vector<1x16xf32>,
    }
    %scan3A_58 = arith.constant 100 : i32
    %add3A_59 = arith.constant 0 : i32
    %add3A_60 = arith.addi %mul3A_2, %add3A_59 : i32
    %multiple_of3A_61 = tpu.assume_multiple %add3A_60, 8 : i32
    %dma_start3A_62 = arith.constant 0 : i32
    %dma_start3A_63 = tpu.memref_slice %arg5[%multiple_of3A_61, %dma_start3A_62] : memref<819200x128xf32, #tpu.memory_space<hbm>> -> memref<200x128xf32, #tpu.memory_space<hbm>>
    %dma_start3A_64 = arith.constant 0 : i32
    %dma_start3A_65 = tpu.memref_slice %arg5[%multiple_of3A_61, %dma_start3A_64] : memref<819200x128xf32, #tpu.memory_space<hbm>> -> memref<200x128xf32, #tpu.memory_space<hbm>>
    tpu.enqueue_dma source(%arg8 : memref<200x128xf32, #tpu.memory_space<vmem>>) target(%dma_start3A_65 : memref<200x128xf32, #tpu.memory_space<hbm>>) target_semaphore(%arg14 : memref<!tpu.dma_semaphore, #tpu.memory_space<semaphore_mem>>)
    %multiple_of3A_66 = arith.constant 400 : i32
    %multiple_of3A_67 = tpu.assume_multiple %multiple_of3A_66, 8 : i32
    %add3A_68 = arith.constant 128 : i32
    %add3A_69 = arith.addi %multiple_of3A_67, %add3A_68 : i32
    %dma_start3A_70 = arith.constant 0 : i32
    %dma_start3A_71 = arith.constant 0 : i32
    %dma_start3A_72 = tpu.memref_slice %arg10[%dma_start3A_70, %dma_start3A_71] : memref<200x128xf32, #tpu.memory_space<vmem>> -> memref<128x128xf32, #tpu.memory_space<vmem>>
    %dma_start3A_73 = tpu.memref_slice %arg6[%multiple_of3A_67] : memref<25600xi32, #tpu.memory_space<vmem>> -> memref<128xi32, #tpu.memory_space<vmem>>
    %dma_start3A_74 = arith.constant 0 : i32
    %dma_start3A_75 = arith.constant 0 : i32
    %dma_start3A_76 = tpu.memref_slice %arg3[%dma_start3A_74, %dma_start3A_75] : memref<1000x128xf32, #tpu.memory_space<hbm>> -> memref<1000x128xf32, #tpu.memory_space<hbm>>
    tpu.enqueue_indirect_dma source(%dma_start3A_76 : memref<1000x128xf32, #tpu.memory_space<hbm>>) target(%dma_start3A_72 : memref<128x128xf32, #tpu.memory_space<vmem>>) offsets(%dma_start3A_73 : memref<128xi32, #tpu.memory_space<vmem>>) semaphore(%arg13 : memref<!tpu.dma_semaphore, #tpu.memory_space<semaphore_mem>>)
    %dma_start3A_77 = arith.constant 128 : i32
    %dma_start3A_78 = arith.constant 0 : i32
    %dma_start3A_79 = tpu.memref_slice %arg10[%dma_start3A_77, %dma_start3A_78] : memref<200x128xf32, #tpu.memory_space<vmem>> -> memref<72x128xf32, #tpu.memory_space<vmem>>
    %dma_start3A_80 = tpu.memref_slice %arg6[%add3A_69] : memref<25600xi32, #tpu.memory_space<vmem>> -> memref<72xi32, #tpu.memory_space<vmem>>
    %dma_start3A_81 = arith.constant 0 : i32
    %dma_start3A_82 = arith.constant 0 : i32
    %dma_start3A_83 = tpu.memref_slice %arg3[%dma_start3A_81, %dma_start3A_82] : memref<1000x128xf32, #tpu.memory_space<hbm>> -> memref<1000x128xf32, #tpu.memory_space<hbm>>
    tpu.enqueue_indirect_dma source(%dma_start3A_83 : memref<1000x128xf32, #tpu.memory_space<hbm>>) target(%dma_start3A_79 : memref<72x128xf32, #tpu.memory_space<vmem>>) offsets(%dma_start3A_80 : memref<72xi32, #tpu.memory_space<vmem>>) semaphore(%arg13 : memref<!tpu.dma_semaphore, #tpu.memory_space<semaphore_mem>>)
    %multiple_of3A_84 = arith.constant 200 : i32
    %multiple_of3A_85 = tpu.assume_multiple %multiple_of3A_84, 8 : i32
    %add3A_86 = arith.constant 128 : i32
    %add3A_87 = arith.addi %multiple_of3A_85, %add3A_86 : i32
    %dma_wait3A_88 = arith.constant 0 : i32
    %dma_wait3A_89 = arith.constant 0 : i32
    %dma_wait3A_90 = tpu.memref_slice %arg9[%dma_wait3A_88, %dma_wait3A_89] : memref<200x128xf32, #tpu.memory_space<vmem>> -> memref<128x128xf32, #tpu.memory_space<vmem>>
    %dma_wait3A_91 = tpu.memref_slice %arg6[%multiple_of3A_85] : memref<25600xi32, #tpu.memory_space<vmem>> -> memref<128xi32, #tpu.memory_space<vmem>>
    %dma_wait3A_92 = arith.constant 0 : i32
    %dma_wait3A_93 = arith.constant 0 : i32
    %dma_wait3A_94 = tpu.memref_slice %arg3[%dma_wait3A_92, %dma_wait3A_93] : memref<1000x128xf32, #tpu.memory_space<hbm>> -> memref<1000x128xf32, #tpu.memory_space<hbm>>
    tpu.wait_indirect_dma semaphore(%arg12 : memref<!tpu.dma_semaphore, #tpu.memory_space<semaphore_mem>>) src(%dma_wait3A_94 : memref<1000x128xf32, #tpu.memory_space<hbm>>) dst(%dma_wait3A_90 : memref<128x128xf32, #tpu.memory_space<vmem>>)
    %dma_wait3A_95 = arith.constant 128 : i32
    %dma_wait3A_96 = arith.constant 0 : i32
    %dma_wait3A_97 = tpu.memref_slice %arg9[%dma_wait3A_95, %dma_wait3A_96] : memref<200x128xf32, #tpu.memory_space<vmem>> -> memref<72x128xf32, #tpu.memory_space<vmem>>
    %dma_wait3A_98 = tpu.memref_slice %arg6[%add3A_87] : memref<25600xi32, #tpu.memory_space<vmem>> -> memref<72xi32, #tpu.memory_space<vmem>>
    %dma_wait3A_99 = arith.constant 0 : i32
    %dma_wait3A_100 = arith.constant 0 : i32
    %dma_wait3A_101 = tpu.memref_slice %arg3[%dma_wait3A_99, %dma_wait3A_100] : memref<1000x128xf32, #tpu.memory_space<hbm>> -> memref<1000x128xf32, #tpu.memory_space<hbm>>
    tpu.wait_indirect_dma semaphore(%arg12 : memref<!tpu.dma_semaphore, #tpu.memory_space<semaphore_mem>>) src(%dma_wait3A_101 : memref<1000x128xf32, #tpu.memory_space<hbm>>) dst(%dma_wait3A_97 : memref<72x128xf32, #tpu.memory_space<vmem>>)
    %scan3A_102 = arith.constant 0 : i32
    %scan3A_103 = arith.constant 0 : i32
    %scan3A_104 = arith.constant 100 : i32
    %scan3A_105 = arith.addi %scan3A_103, %scan3A_104 : i32
    %scan3A_106 = arith.constant 1 : i32
    scf.for %scan3A_285 = %scan3A_103 to %scan3A_105 step %scan3A_106  : i32 {
      %mul3A_286 = arith.constant 2 : i32
      %mul3A_287 = arith.muli %scan3A_285, %mul3A_286 : i32
      %add3A_288 = arith.constant 0 : i32
      %add3A_289 = arith.addi %mul3A_287, %add3A_288 : i32
      %get3A = arith.index_cast %add3A_289 : i32 to index
      %get3A_290 = arith.constant 0 : index
      %get3A_291 = tpu.vector_load %arg7[%get3A, %get3A_290] {strides = array<i32>} : memref<200x128xf32, #tpu.memory_space<vmem>>, vector<1x16xf32>,
      %get3A_292 = vector.shape_cast %get3A_291 : vector<1x16xf32> to vector<16xf32>
      %swap3A = arith.index_cast %add3A_289 : i32 to index
      %swap3A_293 = arith.constant 0 : index
      %swap3A_294 = tpu.vector_load %arg9[%swap3A, %swap3A_293] {strides = array<i32>} : memref<200x128xf32, #tpu.memory_space<vmem>>, vector<1x16xf32>,
      %swap3A_295 = vector.shape_cast %swap3A_294 : vector<1x16xf32> to vector<16xf32>
      %swap3A_296 = vector.shape_cast %get3A_292 : vector<16xf32> to vector<1x16xf32>
      tpu.vector_store %arg9[%swap3A, %swap3A_293], %swap3A_296 {add = true, strides = array<i32>} : memref<200x128xf32, #tpu.memory_space<vmem>>, vector<1x16xf32>,
      %get3A_297 = arith.index_cast %add3A_289 : i32 to index
      %get3A_298 = arith.constant 16 : index
      %get3A_299 = tpu.vector_load %arg7[%get3A_297, %get3A_298] {strides = array<i32>} : memref<200x128xf32, #tpu.memory_space<vmem>>, vector<1x16xf32>,
      %get3A_300 = vector.shape_cast %get3A_299 : vector<1x16xf32> to vector<16xf32>
      %swap3A_301 = arith.index_cast %add3A_289 : i32 to index
      %swap3A_302 = arith.constant 16 : index
      %swap3A_303 = tpu.vector_load %arg9[%swap3A_301, %swap3A_302] {strides = array<i32>} : memref<200x128xf32, #tpu.memory_space<vmem>>, vector<1x16xf32>,
      %swap3A_304 = vector.shape_cast %swap3A_303 : vector<1x16xf32> to vector<16xf32>
      %swap3A_305 = vector.shape_cast %get3A_300 : vector<16xf32> to vector<1x16xf32>
      tpu.vector_store %arg9[%swap3A_301, %swap3A_302], %swap3A_305 {add = true, strides = array<i32>} : memref<200x128xf32, #tpu.memory_space<vmem>>, vector<1x16xf32>,
      %get3A_306 = arith.index_cast %add3A_289 : i32 to index
      %get3A_307 = arith.constant 32 : index
      %get3A_308 = tpu.vector_load %arg7[%get3A_306, %get3A_307] {strides = array<i32>} : memref<200x128xf32, #tpu.memory_space<vmem>>, vector<1x16xf32>,
      %get3A_309 = vector.shape_cast %get3A_308 : vector<1x16xf32> to vector<16xf32>
      %swap3A_310 = arith.index_cast %add3A_289 : i32 to index
      %swap3A_311 = arith.constant 32 : index
      %swap3A_312 = tpu.vector_load %arg9[%swap3A_310, %swap3A_311] {strides = array<i32>} : memref<200x128xf32, #tpu.memory_space<vmem>>, vector<1x16xf32>,
      %swap3A_313 = vector.shape_cast %swap3A_312 : vector<1x16xf32> to vector<16xf32>
      %swap3A_314 = vector.shape_cast %get3A_309 : vector<16xf32> to vector<1x16xf32>
      tpu.vector_store %arg9[%swap3A_310, %swap3A_311], %swap3A_314 {add = true, strides = array<i32>} : memref<200x128xf32, #tpu.memory_space<vmem>>, vector<1x16xf32>,
      %get3A_315 = arith.index_cast %add3A_289 : i32 to index
      %get3A_316 = arith.constant 48 : index
      %get3A_317 = tpu.vector_load %arg7[%get3A_315, %get3A_316] {strides = array<i32>} : memref<200x128xf32, #tpu.memory_space<vmem>>, vector<1x16xf32>,
      %get3A_318 = vector.shape_cast %get3A_317 : vector<1x16xf32> to vector<16xf32>
      %swap3A_319 = arith.index_cast %add3A_289 : i32 to index
      %swap3A_320 = arith.constant 48 : index
      %swap3A_321 = tpu.vector_load %arg9[%swap3A_319, %swap3A_320] {strides = array<i32>} : memref<200x128xf32, #tpu.memory_space<vmem>>, vector<1x16xf32>,
      %swap3A_322 = vector.shape_cast %swap3A_321 : vector<1x16xf32> to vector<16xf32>
      %swap3A_323 = vector.shape_cast %get3A_318 : vector<16xf32> to vector<1x16xf32>
      tpu.vector_store %arg9[%swap3A_319, %swap3A_320], %swap3A_323 {add = true, strides = array<i32>} : memref<200x128xf32, #tpu.memory_space<vmem>>, vector<1x16xf32>,
      %get3A_324 = arith.index_cast %add3A_289 : i32 to index
      %get3A_325 = arith.constant 64 : index
      %get3A_326 = tpu.vector_load %arg7[%get3A_324, %get3A_325] {strides = array<i32>} : memref<200x128xf32, #tpu.memory_space<vmem>>, vector<1x16xf32>,
      %get3A_327 = vector.shape_cast %get3A_326 : vector<1x16xf32> to vector<16xf32>
      %swap3A_328 = arith.index_cast %add3A_289 : i32 to index
      %swap3A_329 = arith.constant 64 : index
      %swap3A_330 = tpu.vector_load %arg9[%swap3A_328, %swap3A_329] {strides = array<i32>} : memref<200x128xf32, #tpu.memory_space<vmem>>, vector<1x16xf32>,
      %swap3A_331 = vector.shape_cast %swap3A_330 : vector<1x16xf32> to vector<16xf32>
      %swap3A_332 = vector.shape_cast %get3A_327 : vector<16xf32> to vector<1x16xf32>
      tpu.vector_store %arg9[%swap3A_328, %swap3A_329], %swap3A_332 {add = true, strides = array<i32>} : memref<200x128xf32, #tpu.memory_space<vmem>>, vector<1x16xf32>,
      %get3A_333 = arith.index_cast %add3A_289 : i32 to index
      %get3A_334 = arith.constant 80 : index
      %get3A_335 = tpu.vector_load %arg7[%get3A_333, %get3A_334] {strides = array<i32>} : memref<200x128xf32, #tpu.memory_space<vmem>>, vector<1x16xf32>,
      %get3A_336 = vector.shape_cast %get3A_335 : vector<1x16xf32> to vector<16xf32>
      %swap3A_337 = arith.index_cast %add3A_289 : i32 to index
      %swap3A_338 = arith.constant 80 : index
      %swap3A_339 = tpu.vector_load %arg9[%swap3A_337, %swap3A_338] {strides = array<i32>} : memref<200x128xf32, #tpu.memory_space<vmem>>, vector<1x16xf32>,
      %swap3A_340 = vector.shape_cast %swap3A_339 : vector<1x16xf32> to vector<16xf32>
      %swap3A_341 = vector.shape_cast %get3A_336 : vector<16xf32> to vector<1x16xf32>
      tpu.vector_store %arg9[%swap3A_337, %swap3A_338], %swap3A_341 {add = true, strides = array<i32>} : memref<200x128xf32, #tpu.memory_space<vmem>>, vector<1x16xf32>,
      %get3A_342 = arith.index_cast %add3A_289 : i32 to index
      %get3A_343 = arith.constant 96 : index
      %get3A_344 = tpu.vector_load %arg7[%get3A_342, %get3A_343] {strides = array<i32>} : memref<200x128xf32, #tpu.memory_space<vmem>>, vector<1x16xf32>,
      %get3A_345 = vector.shape_cast %get3A_344 : vector<1x16xf32> to vector<16xf32>
      %swap3A_346 = arith.index_cast %add3A_289 : i32 to index
      %swap3A_347 = arith.constant 96 : index
      %swap3A_348 = tpu.vector_load %arg9[%swap3A_346, %swap3A_347] {strides = array<i32>} : memref<200x128xf32, #tpu.memory_space<vmem>>, vector<1x16xf32>,
      %swap3A_349 = vector.shape_cast %swap3A_348 : vector<1x16xf32> to vector<16xf32>
      %swap3A_350 = vector.shape_cast %get3A_345 : vector<16xf32> to vector<1x16xf32>
      tpu.vector_store %arg9[%swap3A_346, %swap3A_347], %swap3A_350 {add = true, strides = array<i32>} : memref<200x128xf32, #tpu.memory_space<vmem>>, vector<1x16xf32>,
      %get3A_351 = arith.index_cast %add3A_289 : i32 to index
      %get3A_352 = arith.constant 112 : index
      %get3A_353 = tpu.vector_load %arg7[%get3A_351, %get3A_352] {strides = array<i32>} : memref<200x128xf32, #tpu.memory_space<vmem>>, vector<1x16xf32>,
      %get3A_354 = vector.shape_cast %get3A_353 : vector<1x16xf32> to vector<16xf32>
      %swap3A_355 = arith.index_cast %add3A_289 : i32 to index
      %swap3A_356 = arith.constant 112 : index
      %swap3A_357 = tpu.vector_load %arg9[%swap3A_355, %swap3A_356] {strides = array<i32>} : memref<200x128xf32, #tpu.memory_space<vmem>>, vector<1x16xf32>,
      %swap3A_358 = vector.shape_cast %swap3A_357 : vector<1x16xf32> to vector<16xf32>
      %swap3A_359 = vector.shape_cast %get3A_354 : vector<16xf32> to vector<1x16xf32>
      tpu.vector_store %arg9[%swap3A_355, %swap3A_356], %swap3A_359 {add = true, strides = array<i32>} : memref<200x128xf32, #tpu.memory_space<vmem>>, vector<1x16xf32>,
      %mul3A_360 = arith.constant 2 : i32
      %mul3A_361 = arith.muli %scan3A_285, %mul3A_360 : i32
      %add3A_362 = arith.constant 1 : i32
      %add3A_363 = arith.addi %mul3A_361, %add3A_362 : i32
      %get3A_364 = arith.index_cast %add3A_363 : i32 to index
      %get3A_365 = arith.constant 0 : index
      %get3A_366 = tpu.vector_load %arg7[%get3A_364, %get3A_365] {strides = array<i32>} : memref<200x128xf32, #tpu.memory_space<vmem>>, vector<1x16xf32>,
      %get3A_367 = vector.shape_cast %get3A_366 : vector<1x16xf32> to vector<16xf32>
      %swap3A_368 = arith.index_cast %add3A_363 : i32 to index
      %swap3A_369 = arith.constant 0 : index
      %swap3A_370 = tpu.vector_load %arg9[%swap3A_368, %swap3A_369] {strides = array<i32>} : memref<200x128xf32, #tpu.memory_space<vmem>>, vector<1x16xf32>,
      %swap3A_371 = vector.shape_cast %swap3A_370 : vector<1x16xf32> to vector<16xf32>
      %swap3A_372 = vector.shape_cast %get3A_367 : vector<16xf32> to vector<1x16xf32>
      tpu.vector_store %arg9[%swap3A_368, %swap3A_369], %swap3A_372 {add = true, strides = array<i32>} : memref<200x128xf32, #tpu.memory_space<vmem>>, vector<1x16xf32>,
      %get3A_373 = arith.index_cast %add3A_363 : i32 to index
      %get3A_374 = arith.constant 16 : index
      %get3A_375 = tpu.vector_load %arg7[%get3A_373, %get3A_374] {strides = array<i32>} : memref<200x128xf32, #tpu.memory_space<vmem>>, vector<1x16xf32>,
      %get3A_376 = vector.shape_cast %get3A_375 : vector<1x16xf32> to vector<16xf32>
      %swap3A_377 = arith.index_cast %add3A_363 : i32 to index
      %swap3A_378 = arith.constant 16 : index
      %swap3A_379 = tpu.vector_load %arg9[%swap3A_377, %swap3A_378] {strides = array<i32>} : memref<200x128xf32, #tpu.memory_space<vmem>>, vector<1x16xf32>,
      %swap3A_380 = vector.shape_cast %swap3A_379 : vector<1x16xf32> to vector<16xf32>
      %swap3A_381 = vector.shape_cast %get3A_376 : vector<16xf32> to vector<1x16xf32>
      tpu.vector_store %arg9[%swap3A_377, %swap3A_378], %swap3A_381 {add = true, strides = array<i32>} : memref<200x128xf32, #tpu.memory_space<vmem>>, vector<1x16xf32>,
      %get3A_382 = arith.index_cast %add3A_363 : i32 to index
      %get3A_383 = arith.constant 32 : index
      %get3A_384 = tpu.vector_load %arg7[%get3A_382, %get3A_383] {strides = array<i32>} : memref<200x128xf32, #tpu.memory_space<vmem>>, vector<1x16xf32>,
      %get3A_385 = vector.shape_cast %get3A_384 : vector<1x16xf32> to vector<16xf32>
      %swap3A_386 = arith.index_cast %add3A_363 : i32 to index
      %swap3A_387 = arith.constant 32 : index
      %swap3A_388 = tpu.vector_load %arg9[%swap3A_386, %swap3A_387] {strides = array<i32>} : memref<200x128xf32, #tpu.memory_space<vmem>>, vector<1x16xf32>,
      %swap3A_389 = vector.shape_cast %swap3A_388 : vector<1x16xf32> to vector<16xf32>
      %swap3A_390 = vector.shape_cast %get3A_385 : vector<16xf32> to vector<1x16xf32>
      tpu.vector_store %arg9[%swap3A_386, %swap3A_387], %swap3A_390 {add = true, strides = array<i32>} : memref<200x128xf32, #tpu.memory_space<vmem>>, vector<1x16xf32>,
      %get3A_391 = arith.index_cast %add3A_363 : i32 to index
      %get3A_392 = arith.constant 48 : index
      %get3A_393 = tpu.vector_load %arg7[%get3A_391, %get3A_392] {strides = array<i32>} : memref<200x128xf32, #tpu.memory_space<vmem>>, vector<1x16xf32>,
      %get3A_394 = vector.shape_cast %get3A_393 : vector<1x16xf32> to vector<16xf32>
      %swap3A_395 = arith.index_cast %add3A_363 : i32 to index
      %swap3A_396 = arith.constant 48 : index
      %swap3A_397 = tpu.vector_load %arg9[%swap3A_395, %swap3A_396] {strides = array<i32>} : memref<200x128xf32, #tpu.memory_space<vmem>>, vector<1x16xf32>,
      %swap3A_398 = vector.shape_cast %swap3A_397 : vector<1x16xf32> to vector<16xf32>
      %swap3A_399 = vector.shape_cast %get3A_394 : vector<16xf32> to vector<1x16xf32>
      tpu.vector_store %arg9[%swap3A_395, %swap3A_396], %swap3A_399 {add = true, strides = array<i32>} : memref<200x128xf32, #tpu.memory_space<vmem>>, vector<1x16xf32>,
      %get3A_400 = arith.index_cast %add3A_363 : i32 to index
      %get3A_401 = arith.constant 64 : index
      %get3A_402 = tpu.vector_load %arg7[%get3A_400, %get3A_401] {strides = array<i32>} : memref<200x128xf32, #tpu.memory_space<vmem>>, vector<1x16xf32>,
      %get3A_403 = vector.shape_cast %get3A_402 : vector<1x16xf32> to vector<16xf32>
      %swap3A_404 = arith.index_cast %add3A_363 : i32 to index
      %swap3A_405 = arith.constant 64 : index
      %swap3A_406 = tpu.vector_load %arg9[%swap3A_404, %swap3A_405] {strides = array<i32>} : memref<200x128xf32, #tpu.memory_space<vmem>>, vector<1x16xf32>,
      %swap3A_407 = vector.shape_cast %swap3A_406 : vector<1x16xf32> to vector<16xf32>
      %swap3A_408 = vector.shape_cast %get3A_403 : vector<16xf32> to vector<1x16xf32>
      tpu.vector_store %arg9[%swap3A_404, %swap3A_405], %swap3A_408 {add = true, strides = array<i32>} : memref<200x128xf32, #tpu.memory_space<vmem>>, vector<1x16xf32>,
      %get3A_409 = arith.index_cast %add3A_363 : i32 to index
      %get3A_410 = arith.constant 80 : index
      %get3A_411 = tpu.vector_load %arg7[%get3A_409, %get3A_410] {strides = array<i32>} : memref<200x128xf32, #tpu.memory_space<vmem>>, vector<1x16xf32>,
      %get3A_412 = vector.shape_cast %get3A_411 : vector<1x16xf32> to vector<16xf32>
      %swap3A_413 = arith.index_cast %add3A_363 : i32 to index
      %swap3A_414 = arith.constant 80 : index
      %swap3A_415 = tpu.vector_load %arg9[%swap3A_413, %swap3A_414] {strides = array<i32>} : memref<200x128xf32, #tpu.memory_space<vmem>>, vector<1x16xf32>,
      %swap3A_416 = vector.shape_cast %swap3A_415 : vector<1x16xf32> to vector<16xf32>
      %swap3A_417 = vector.shape_cast %get3A_412 : vector<16xf32> to vector<1x16xf32>
      tpu.vector_store %arg9[%swap3A_413, %swap3A_414], %swap3A_417 {add = true, strides = array<i32>} : memref<200x128xf32, #tpu.memory_space<vmem>>, vector<1x16xf32>,
      %get3A_418 = arith.index_cast %add3A_363 : i32 to index
      %get3A_419 = arith.constant 96 : index
      %get3A_420 = tpu.vector_load %arg7[%get3A_418, %get3A_419] {strides = array<i32>} : memref<200x128xf32, #tpu.memory_space<vmem>>, vector<1x16xf32>,
      %get3A_421 = vector.shape_cast %get3A_420 : vector<1x16xf32> to vector<16xf32>
      %swap3A_422 = arith.index_cast %add3A_363 : i32 to index
      %swap3A_423 = arith.constant 96 : index
      %swap3A_424 = tpu.vector_load %arg9[%swap3A_422, %swap3A_423] {strides = array<i32>} : memref<200x128xf32, #tpu.memory_space<vmem>>, vector<1x16xf32>,
      %swap3A_425 = vector.shape_cast %swap3A_424 : vector<1x16xf32> to vector<16xf32>
      %swap3A_426 = vector.shape_cast %get3A_421 : vector<16xf32> to vector<1x16xf32>
      tpu.vector_store %arg9[%swap3A_422, %swap3A_423], %swap3A_426 {add = true, strides = array<i32>} : memref<200x128xf32, #tpu.memory_space<vmem>>, vector<1x16xf32>,
      %get3A_427 = arith.index_cast %add3A_363 : i32 to index
      %get3A_428 = arith.constant 112 : index
      %get3A_429 = tpu.vector_load %arg7[%get3A_427, %get3A_428] {strides = array<i32>} : memref<200x128xf32, #tpu.memory_space<vmem>>, vector<1x16xf32>,
      %get3A_430 = vector.shape_cast %get3A_429 : vector<1x16xf32> to vector<16xf32>
      %swap3A_431 = arith.index_cast %add3A_363 : i32 to index
      %swap3A_432 = arith.constant 112 : index
      %swap3A_433 = tpu.vector_load %arg9[%swap3A_431, %swap3A_432] {strides = array<i32>} : memref<200x128xf32, #tpu.memory_space<vmem>>, vector<1x16xf32>,
      %swap3A_434 = vector.shape_cast %swap3A_433 : vector<1x16xf32> to vector<16xf32>
      %swap3A_435 = vector.shape_cast %get3A_430 : vector<16xf32> to vector<1x16xf32>
      tpu.vector_store %arg9[%swap3A_431, %swap3A_432], %swap3A_435 {add = true, strides = array<i32>} : memref<200x128xf32, #tpu.memory_space<vmem>>, vector<1x16xf32>,
    }
    %scan3A_107 = arith.constant 100 : i32
    %add3A_108 = arith.constant 200 : i32
    %add3A_109 = arith.addi %mul3A_2, %add3A_108 : i32
    %multiple_of3A_110 = tpu.assume_multiple %add3A_109, 8 : i32
    %dma_start3A_111 = arith.constant 0 : i32
    %dma_start3A_112 = tpu.memref_slice %arg5[%multiple_of3A_110, %dma_start3A_111] : memref<819200x128xf32, #tpu.memory_space<hbm>> -> memref<200x128xf32, #tpu.memory_space<hbm>>
    %dma_start3A_113 = arith.constant 0 : i32
    %dma_start3A_114 = tpu.memref_slice %arg5[%multiple_of3A_110, %dma_start3A_113] : memref<819200x128xf32, #tpu.memory_space<hbm>> -> memref<200x128xf32, #tpu.memory_space<hbm>>
    tpu.enqueue_dma source(%arg9 : memref<200x128xf32, #tpu.memory_space<vmem>>) target(%dma_start3A_114 : memref<200x128xf32, #tpu.memory_space<hbm>>) target_semaphore(%arg15 : memref<!tpu.dma_semaphore, #tpu.memory_space<semaphore_mem>>)
    %add3A_115 = arith.constant 0 : i32
    %add3A_116 = arith.addi %mul3A_2, %add3A_115 : i32
    %multiple_of3A_117 = tpu.assume_multiple %add3A_116, 8 : i32
    %dma_wait3A_118 = arith.constant 0 : i32
    %dma_wait3A_119 = tpu.memref_slice %arg5[%multiple_of3A_117, %dma_wait3A_118] : memref<819200x128xf32, #tpu.memory_space<hbm>> -> memref<200x128xf32, #tpu.memory_space<hbm>>
    %dma_wait3A_120 = arith.constant 0 : i32
    %dma_wait3A_121 = tpu.memref_slice %arg5[%multiple_of3A_117, %dma_wait3A_120] : memref<819200x128xf32, #tpu.memory_space<hbm>> -> memref<200x128xf32, #tpu.memory_space<hbm>>
    tpu.wait_dma2 semaphore(%arg14 : memref<!tpu.dma_semaphore, #tpu.memory_space<semaphore_mem>>) src(%arg8 : memref<200x128xf32, #tpu.memory_space<vmem>>) dst(%dma_wait3A_121 : memref<200x128xf32, #tpu.memory_space<hbm>>)
    %multiple_of3A_122 = arith.constant 600 : i32
    %multiple_of3A_123 = tpu.assume_multiple %multiple_of3A_122, 8 : i32
    %add3A_124 = arith.constant 128 : i32
    %add3A_125 = arith.addi %multiple_of3A_123, %add3A_124 : i32
    %dma_start3A_126 = arith.constant 0 : i32
    %dma_start3A_127 = arith.constant 0 : i32
    %dma_start3A_128 = tpu.memref_slice %arg8[%dma_start3A_126, %dma_start3A_127] : memref<200x128xf32, #tpu.memory_space<vmem>> -> memref<128x128xf32, #tpu.memory_space<vmem>>
    %dma_start3A_129 = tpu.memref_slice %arg6[%multiple_of3A_123] : memref<25600xi32, #tpu.memory_space<vmem>> -> memref<128xi32, #tpu.memory_space<vmem>>
    %dma_start3A_130 = arith.constant 0 : i32
    %dma_start3A_131 = arith.constant 0 : i32
    %dma_start3A_132 = tpu.memref_slice %arg3[%dma_start3A_130, %dma_start3A_131] : memref<1000x128xf32, #tpu.memory_space<hbm>> -> memref<1000x128xf32, #tpu.memory_space<hbm>>
    tpu.enqueue_indirect_dma source(%dma_start3A_132 : memref<1000x128xf32, #tpu.memory_space<hbm>>) target(%dma_start3A_128 : memref<128x128xf32, #tpu.memory_space<vmem>>) offsets(%dma_start3A_129 : memref<128xi32, #tpu.memory_space<vmem>>) semaphore(%arg11 : memref<!tpu.dma_semaphore, #tpu.memory_space<semaphore_mem>>)
    %dma_start3A_133 = arith.constant 128 : i32
    %dma_start3A_134 = arith.constant 0 : i32
    %dma_start3A_135 = tpu.memref_slice %arg8[%dma_start3A_133, %dma_start3A_134] : memref<200x128xf32, #tpu.memory_space<vmem>> -> memref<72x128xf32, #tpu.memory_space<vmem>>
    %dma_start3A_136 = tpu.memref_slice %arg6[%add3A_125] : memref<25600xi32, #tpu.memory_space<vmem>> -> memref<72xi32, #tpu.memory_space<vmem>>
    %dma_start3A_137 = arith.constant 0 : i32
    %dma_start3A_138 = arith.constant 0 : i32
    %dma_start3A_139 = tpu.memref_slice %arg3[%dma_start3A_137, %dma_start3A_138] : memref<1000x128xf32, #tpu.memory_space<hbm>> -> memref<1000x128xf32, #tpu.memory_space<hbm>>
    tpu.enqueue_indirect_dma source(%dma_start3A_139 : memref<1000x128xf32, #tpu.memory_space<hbm>>) target(%dma_start3A_135 : memref<72x128xf32, #tpu.memory_space<vmem>>) offsets(%dma_start3A_136 : memref<72xi32, #tpu.memory_space<vmem>>) semaphore(%arg11 : memref<!tpu.dma_semaphore, #tpu.memory_space<semaphore_mem>>)
    %multiple_of3A_140 = arith.constant 400 : i32
    %multiple_of3A_141 = tpu.assume_multiple %multiple_of3A_140, 8 : i32
    %add3A_142 = arith.constant 128 : i32
    %add3A_143 = arith.addi %multiple_of3A_141, %add3A_142 : i32
    %dma_wait3A_144 = arith.constant 0 : i32
    %dma_wait3A_145 = arith.constant 0 : i32
    %dma_wait3A_146 = tpu.memref_slice %arg10[%dma_wait3A_144, %dma_wait3A_145] : memref<200x128xf32, #tpu.memory_space<vmem>> -> memref<128x128xf32, #tpu.memory_space<vmem>>
    %dma_wait3A_147 = tpu.memref_slice %arg6[%multiple_of3A_141] : memref<25600xi32, #tpu.memory_space<vmem>> -> memref<128xi32, #tpu.memory_space<vmem>>
    %dma_wait3A_148 = arith.constant 0 : i32
    %dma_wait3A_149 = arith.constant 0 : i32
    %dma_wait3A_150 = tpu.memref_slice %arg3[%dma_wait3A_148, %dma_wait3A_149] : memref<1000x128xf32, #tpu.memory_space<hbm>> -> memref<1000x128xf32, #tpu.memory_space<hbm>>
    tpu.wait_indirect_dma semaphore(%arg13 : memref<!tpu.dma_semaphore, #tpu.memory_space<semaphore_mem>>) src(%dma_wait3A_150 : memref<1000x128xf32, #tpu.memory_space<hbm>>) dst(%dma_wait3A_146 : memref<128x128xf32, #tpu.memory_space<vmem>>)
    %dma_wait3A_151 = arith.constant 128 : i32
    %dma_wait3A_152 = arith.constant 0 : i32
    %dma_wait3A_153 = tpu.memref_slice %arg10[%dma_wait3A_151, %dma_wait3A_152] : memref<200x128xf32, #tpu.memory_space<vmem>> -> memref<72x128xf32, #tpu.memory_space<vmem>>
    %dma_wait3A_154 = tpu.memref_slice %arg6[%add3A_143] : memref<25600xi32, #tpu.memory_space<vmem>> -> memref<72xi32, #tpu.memory_space<vmem>>
    %dma_wait3A_155 = arith.constant 0 : i32
    %dma_wait3A_156 = arith.constant 0 : i32
    %dma_wait3A_157 = tpu.memref_slice %arg3[%dma_wait3A_155, %dma_wait3A_156] : memref<1000x128xf32, #tpu.memory_space<hbm>> -> memref<1000x128xf32, #tpu.memory_space<hbm>>
    tpu.wait_indirect_dma semaphore(%arg13 : memref<!tpu.dma_semaphore, #tpu.memory_space<semaphore_mem>>) src(%dma_wait3A_157 : memref<1000x128xf32, #tpu.memory_space<hbm>>) dst(%dma_wait3A_153 : memref<72x128xf32, #tpu.memory_space<vmem>>)
    %scan3A_158 = arith.constant 0 : i32
    %scan3A_159 = arith.constant 0 : i32
    %scan3A_160 = arith.constant 100 : i32
    %scan3A_161 = arith.addi %scan3A_159, %scan3A_160 : i32
    %scan3A_162 = arith.constant 1 : i32
    scf.for %scan3A_285 = %scan3A_159 to %scan3A_161 step %scan3A_162  : i32 {
      %mul3A_286 = arith.constant 2 : i32
      %mul3A_287 = arith.muli %scan3A_285, %mul3A_286 : i32
      %add3A_288 = arith.constant 0 : i32
      %add3A_289 = arith.addi %mul3A_287, %add3A_288 : i32
      %get3A = arith.index_cast %add3A_289 : i32 to index
      %get3A_290 = arith.constant 0 : index
      %get3A_291 = tpu.vector_load %arg7[%get3A, %get3A_290] {strides = array<i32>} : memref<200x128xf32, #tpu.memory_space<vmem>>, vector<1x16xf32>,
      %get3A_292 = vector.shape_cast %get3A_291 : vector<1x16xf32> to vector<16xf32>
      %swap3A = arith.index_cast %add3A_289 : i32 to index
      %swap3A_293 = arith.constant 0 : index
      %swap3A_294 = tpu.vector_load %arg10[%swap3A, %swap3A_293] {strides = array<i32>} : memref<200x128xf32, #tpu.memory_space<vmem>>, vector<1x16xf32>,
      %swap3A_295 = vector.shape_cast %swap3A_294 : vector<1x16xf32> to vector<16xf32>
      %swap3A_296 = vector.shape_cast %get3A_292 : vector<16xf32> to vector<1x16xf32>
      tpu.vector_store %arg10[%swap3A, %swap3A_293], %swap3A_296 {add = true, strides = array<i32>} : memref<200x128xf32, #tpu.memory_space<vmem>>, vector<1x16xf32>,
      %get3A_297 = arith.index_cast %add3A_289 : i32 to index
      %get3A_298 = arith.constant 16 : index
      %get3A_299 = tpu.vector_load %arg7[%get3A_297, %get3A_298] {strides = array<i32>} : memref<200x128xf32, #tpu.memory_space<vmem>>, vector<1x16xf32>,
      %get3A_300 = vector.shape_cast %get3A_299 : vector<1x16xf32> to vector<16xf32>
      %swap3A_301 = arith.index_cast %add3A_289 : i32 to index
      %swap3A_302 = arith.constant 16 : index
      %swap3A_303 = tpu.vector_load %arg10[%swap3A_301, %swap3A_302] {strides = array<i32>} : memref<200x128xf32, #tpu.memory_space<vmem>>, vector<1x16xf32>,
      %swap3A_304 = vector.shape_cast %swap3A_303 : vector<1x16xf32> to vector<16xf32>
      %swap3A_305 = vector.shape_cast %get3A_300 : vector<16xf32> to vector<1x16xf32>
      tpu.vector_store %arg10[%swap3A_301, %swap3A_302], %swap3A_305 {add = true, strides = array<i32>} : memref<200x128xf32, #tpu.memory_space<vmem>>, vector<1x16xf32>,
      %get3A_306 = arith.index_cast %add3A_289 : i32 to index
      %get3A_307 = arith.constant 32 : index
      %get3A_308 = tpu.vector_load %arg7[%get3A_306, %get3A_307] {strides = array<i32>} : memref<200x128xf32, #tpu.memory_space<vmem>>, vector<1x16xf32>,
      %get3A_309 = vector.shape_cast %get3A_308 : vector<1x16xf32> to vector<16xf32>
      %swap3A_310 = arith.index_cast %add3A_289 : i32 to index
      %swap3A_311 = arith.constant 32 : index
      %swap3A_312 = tpu.vector_load %arg10[%swap3A_310, %swap3A_311] {strides = array<i32>} : memref<200x128xf32, #tpu.memory_space<vmem>>, vector<1x16xf32>,
      %swap3A_313 = vector.shape_cast %swap3A_312 : vector<1x16xf32> to vector<16xf32>
      %swap3A_314 = vector.shape_cast %get3A_309 : vector<16xf32> to vector<1x16xf32>
      tpu.vector_store %arg10[%swap3A_310, %swap3A_311], %swap3A_314 {add = true, strides = array<i32>} : memref<200x128xf32, #tpu.memory_space<vmem>>, vector<1x16xf32>,
      %get3A_315 = arith.index_cast %add3A_289 : i32 to index
      %get3A_316 = arith.constant 48 : index
      %get3A_317 = tpu.vector_load %arg7[%get3A_315, %get3A_316] {strides = array<i32>} : memref<200x128xf32, #tpu.memory_space<vmem>>, vector<1x16xf32>,
      %get3A_318 = vector.shape_cast %get3A_317 : vector<1x16xf32> to vector<16xf32>
      %swap3A_319 = arith.index_cast %add3A_289 : i32 to index
      %swap3A_320 = arith.constant 48 : index
      %swap3A_321 = tpu.vector_load %arg10[%swap3A_319, %swap3A_320] {strides = array<i32>} : memref<200x128xf32, #tpu.memory_space<vmem>>, vector<1x16xf32>,
      %swap3A_322 = vector.shape_cast %swap3A_321 : vector<1x16xf32> to vector<16xf32>
      %swap3A_323 = vector.shape_cast %get3A_318 : vector<16xf32> to vector<1x16xf32>
      tpu.vector_store %arg10[%swap3A_319, %swap3A_320], %swap3A_323 {add = true, strides = array<i32>} : memref<200x128xf32, #tpu.memory_space<vmem>>, vector<1x16xf32>,
      %get3A_324 = arith.index_cast %add3A_289 : i32 to index
      %get3A_325 = arith.constant 64 : index
      %get3A_326 = tpu.vector_load %arg7[%get3A_324, %get3A_325] {strides = array<i32>} : memref<200x128xf32, #tpu.memory_space<vmem>>, vector<1x16xf32>,
      %get3A_327 = vector.shape_cast %get3A_326 : vector<1x16xf32> to vector<16xf32>
      %swap3A_328 = arith.index_cast %add3A_289 : i32 to index
      %swap3A_329 = arith.constant 64 : index
      %swap3A_330 = tpu.vector_load %arg10[%swap3A_328, %swap3A_329] {strides = array<i32>} : memref<200x128xf32, #tpu.memory_space<vmem>>, vector<1x16xf32>,
      %swap3A_331 = vector.shape_cast %swap3A_330 : vector<1x16xf32> to vector<16xf32>
      %swap3A_332 = vector.shape_cast %get3A_327 : vector<16xf32> to vector<1x16xf32>
      tpu.vector_store %arg10[%swap3A_328, %swap3A_329], %swap3A_332 {add = true, strides = array<i32>} : memref<200x128xf32, #tpu.memory_space<vmem>>, vector<1x16xf32>,
      %get3A_333 = arith.index_cast %add3A_289 : i32 to index
      %get3A_334 = arith.constant 80 : index
      %get3A_335 = tpu.vector_load %arg7[%get3A_333, %get3A_334] {strides = array<i32>} : memref<200x128xf32, #tpu.memory_space<vmem>>, vector<1x16xf32>,
      %get3A_336 = vector.shape_cast %get3A_335 : vector<1x16xf32> to vector<16xf32>
      %swap3A_337 = arith.index_cast %add3A_289 : i32 to index
      %swap3A_338 = arith.constant 80 : index
      %swap3A_339 = tpu.vector_load %arg10[%swap3A_337, %swap3A_338] {strides = array<i32>} : memref<200x128xf32, #tpu.memory_space<vmem>>, vector<1x16xf32>,
      %swap3A_340 = vector.shape_cast %swap3A_339 : vector<1x16xf32> to vector<16xf32>
      %swap3A_341 = vector.shape_cast %get3A_336 : vector<16xf32> to vector<1x16xf32>
      tpu.vector_store %arg10[%swap3A_337, %swap3A_338], %swap3A_341 {add = true, strides = array<i32>} : memref<200x128xf32, #tpu.memory_space<vmem>>, vector<1x16xf32>,
      %get3A_342 = arith.index_cast %add3A_289 : i32 to index
      %get3A_343 = arith.constant 96 : index
      %get3A_344 = tpu.vector_load %arg7[%get3A_342, %get3A_343] {strides = array<i32>} : memref<200x128xf32, #tpu.memory_space<vmem>>, vector<1x16xf32>,
      %get3A_345 = vector.shape_cast %get3A_344 : vector<1x16xf32> to vector<16xf32>
      %swap3A_346 = arith.index_cast %add3A_289 : i32 to index
      %swap3A_347 = arith.constant 96 : index
      %swap3A_348 = tpu.vector_load %arg10[%swap3A_346, %swap3A_347] {strides = array<i32>} : memref<200x128xf32, #tpu.memory_space<vmem>>, vector<1x16xf32>,
      %swap3A_349 = vector.shape_cast %swap3A_348 : vector<1x16xf32> to vector<16xf32>
      %swap3A_350 = vector.shape_cast %get3A_345 : vector<16xf32> to vector<1x16xf32>
      tpu.vector_store %arg10[%swap3A_346, %swap3A_347], %swap3A_350 {add = true, strides = array<i32>} : memref<200x128xf32, #tpu.memory_space<vmem>>, vector<1x16xf32>,
      %get3A_351 = arith.index_cast %add3A_289 : i32 to index
      %get3A_352 = arith.constant 112 : index
      %get3A_353 = tpu.vector_load %arg7[%get3A_351, %get3A_352] {strides = array<i32>} : memref<200x128xf32, #tpu.memory_space<vmem>>, vector<1x16xf32>,
      %get3A_354 = vector.shape_cast %get3A_353 : vector<1x16xf32> to vector<16xf32>
      %swap3A_355 = arith.index_cast %add3A_289 : i32 to index
      %swap3A_356 = arith.constant 112 : index
      %swap3A_357 = tpu.vector_load %arg10[%swap3A_355, %swap3A_356] {strides = array<i32>} : memref<200x128xf32, #tpu.memory_space<vmem>>, vector<1x16xf32>,
      %swap3A_358 = vector.shape_cast %swap3A_357 : vector<1x16xf32> to vector<16xf32>
      %swap3A_359 = vector.shape_cast %get3A_354 : vector<16xf32> to vector<1x16xf32>
      tpu.vector_store %arg10[%swap3A_355, %swap3A_356], %swap3A_359 {add = true, strides = array<i32>} : memref<200x128xf32, #tpu.memory_space<vmem>>, vector<1x16xf32>,
      %mul3A_360 = arith.constant 2 : i32
      %mul3A_361 = arith.muli %scan3A_285, %mul3A_360 : i32
      %add3A_362 = arith.constant 1 : i32
      %add3A_363 = arith.addi %mul3A_361, %add3A_362 : i32
      %get3A_364 = arith.index_cast %add3A_363 : i32 to index
      %get3A_365 = arith.constant 0 : index
      %get3A_366 = tpu.vector_load %arg7[%get3A_364, %get3A_365] {strides = array<i32>} : memref<200x128xf32, #tpu.memory_space<vmem>>, vector<1x16xf32>,
      %get3A_367 = vector.shape_cast %get3A_366 : vector<1x16xf32> to vector<16xf32>
      %swap3A_368 = arith.index_cast %add3A_363 : i32 to index
      %swap3A_369 = arith.constant 0 : index
      %swap3A_370 = tpu.vector_load %arg10[%swap3A_368, %swap3A_369] {strides = array<i32>} : memref<200x128xf32, #tpu.memory_space<vmem>>, vector<1x16xf32>,
      %swap3A_371 = vector.shape_cast %swap3A_370 : vector<1x16xf32> to vector<16xf32>
      %swap3A_372 = vector.shape_cast %get3A_367 : vector<16xf32> to vector<1x16xf32>
      tpu.vector_store %arg10[%swap3A_368, %swap3A_369], %swap3A_372 {add = true, strides = array<i32>} : memref<200x128xf32, #tpu.memory_space<vmem>>, vector<1x16xf32>,
      %get3A_373 = arith.index_cast %add3A_363 : i32 to index
      %get3A_374 = arith.constant 16 : index
      %get3A_375 = tpu.vector_load %arg7[%get3A_373, %get3A_374] {strides = array<i32>} : memref<200x128xf32, #tpu.memory_space<vmem>>, vector<1x16xf32>,
      %get3A_376 = vector.shape_cast %get3A_375 : vector<1x16xf32> to vector<16xf32>
      %swap3A_377 = arith.index_cast %add3A_363 : i32 to index
      %swap3A_378 = arith.constant 16 : index
      %swap3A_379 = tpu.vector_load %arg10[%swap3A_377, %swap3A_378] {strides = array<i32>} : memref<200x128xf32, #tpu.memory_space<vmem>>, vector<1x16xf32>,
      %swap3A_380 = vector.shape_cast %swap3A_379 : vector<1x16xf32> to vector<16xf32>
      %swap3A_381 = vector.shape_cast %get3A_376 : vector<16xf32> to vector<1x16xf32>
      tpu.vector_store %arg10[%swap3A_377, %swap3A_378], %swap3A_381 {add = true, strides = array<i32>} : memref<200x128xf32, #tpu.memory_space<vmem>>, vector<1x16xf32>,
      %get3A_382 = arith.index_cast %add3A_363 : i32 to index
      %get3A_383 = arith.constant 32 : index
      %get3A_384 = tpu.vector_load %arg7[%get3A_382, %get3A_383] {strides = array<i32>} : memref<200x128xf32, #tpu.memory_space<vmem>>, vector<1x16xf32>,
      %get3A_385 = vector.shape_cast %get3A_384 : vector<1x16xf32> to vector<16xf32>
      %swap3A_386 = arith.index_cast %add3A_363 : i32 to index
      %swap3A_387 = arith.constant 32 : index
      %swap3A_388 = tpu.vector_load %arg10[%swap3A_386, %swap3A_387] {strides = array<i32>} : memref<200x128xf32, #tpu.memory_space<vmem>>, vector<1x16xf32>,
      %swap3A_389 = vector.shape_cast %swap3A_388 : vector<1x16xf32> to vector<16xf32>
      %swap3A_390 = vector.shape_cast %get3A_385 : vector<16xf32> to vector<1x16xf32>
      tpu.vector_store %arg10[%swap3A_386, %swap3A_387], %swap3A_390 {add = true, strides = array<i32>} : memref<200x128xf32, #tpu.memory_space<vmem>>, vector<1x16xf32>,
      %get3A_391 = arith.index_cast %add3A_363 : i32 to index
      %get3A_392 = arith.constant 48 : index
      %get3A_393 = tpu.vector_load %arg7[%get3A_391, %get3A_392] {strides = array<i32>} : memref<200x128xf32, #tpu.memory_space<vmem>>, vector<1x16xf32>,
      %get3A_394 = vector.shape_cast %get3A_393 : vector<1x16xf32> to vector<16xf32>
      %swap3A_395 = arith.index_cast %add3A_363 : i32 to index
      %swap3A_396 = arith.constant 48 : index
      %swap3A_397 = tpu.vector_load %arg10[%swap3A_395, %swap3A_396] {strides = array<i32>} : memref<200x128xf32, #tpu.memory_space<vmem>>, vector<1x16xf32>,
      %swap3A_398 = vector.shape_cast %swap3A_397 : vector<1x16xf32> to vector<16xf32>
      %swap3A_399 = vector.shape_cast %get3A_394 : vector<16xf32> to vector<1x16xf32>
      tpu.vector_store %arg10[%swap3A_395, %swap3A_396], %swap3A_399 {add = true, strides = array<i32>} : memref<200x128xf32, #tpu.memory_space<vmem>>, vector<1x16xf32>,
      %get3A_400 = arith.index_cast %add3A_363 : i32 to index
      %get3A_401 = arith.constant 64 : index
      %get3A_402 = tpu.vector_load %arg7[%get3A_400, %get3A_401] {strides = array<i32>} : memref<200x128xf32, #tpu.memory_space<vmem>>, vector<1x16xf32>,
      %get3A_403 = vector.shape_cast %get3A_402 : vector<1x16xf32> to vector<16xf32>
      %swap3A_404 = arith.index_cast %add3A_363 : i32 to index
      %swap3A_405 = arith.constant 64 : index
      %swap3A_406 = tpu.vector_load %arg10[%swap3A_404, %swap3A_405] {strides = array<i32>} : memref<200x128xf32, #tpu.memory_space<vmem>>, vector<1x16xf32>,
      %swap3A_407 = vector.shape_cast %swap3A_406 : vector<1x16xf32> to vector<16xf32>
      %swap3A_408 = vector.shape_cast %get3A_403 : vector<16xf32> to vector<1x16xf32>
      tpu.vector_store %arg10[%swap3A_404, %swap3A_405], %swap3A_408 {add = true, strides = array<i32>} : memref<200x128xf32, #tpu.memory_space<vmem>>, vector<1x16xf32>,
      %get3A_409 = arith.index_cast %add3A_363 : i32 to index
      %get3A_410 = arith.constant 80 : index
      %get3A_411 = tpu.vector_load %arg7[%get3A_409, %get3A_410] {strides = array<i32>} : memref<200x128xf32, #tpu.memory_space<vmem>>, vector<1x16xf32>,
      %get3A_412 = vector.shape_cast %get3A_411 : vector<1x16xf32> to vector<16xf32>
      %swap3A_413 = arith.index_cast %add3A_363 : i32 to index
      %swap3A_414 = arith.constant 80 : index
      %swap3A_415 = tpu.vector_load %arg10[%swap3A_413, %swap3A_414] {strides = array<i32>} : memref<200x128xf32, #tpu.memory_space<vmem>>, vector<1x16xf32>,
      %swap3A_416 = vector.shape_cast %swap3A_415 : vector<1x16xf32> to vector<16xf32>
      %swap3A_417 = vector.shape_cast %get3A_412 : vector<16xf32> to vector<1x16xf32>
      tpu.vector_store %arg10[%swap3A_413, %swap3A_414], %swap3A_417 {add = true, strides = array<i32>} : memref<200x128xf32, #tpu.memory_space<vmem>>, vector<1x16xf32>,
      %get3A_418 = arith.index_cast %add3A_363 : i32 to index
      %get3A_419 = arith.constant 96 : index
      %get3A_420 = tpu.vector_load %arg7[%get3A_418, %get3A_419] {strides = array<i32>} : memref<200x128xf32, #tpu.memory_space<vmem>>, vector<1x16xf32>,
      %get3A_421 = vector.shape_cast %get3A_420 : vector<1x16xf32> to vector<16xf32>
      %swap3A_422 = arith.index_cast %add3A_363 : i32 to index
      %swap3A_423 = arith.constant 96 : index
      %swap3A_424 = tpu.vector_load %arg10[%swap3A_422, %swap3A_423] {strides = array<i32>} : memref<200x128xf32, #tpu.memory_space<vmem>>, vector<1x16xf32>,
      %swap3A_425 = vector.shape_cast %swap3A_424 : vector<1x16xf32> to vector<16xf32>
      %swap3A_426 = vector.shape_cast %get3A_421 : vector<16xf32> to vector<1x16xf32>
      tpu.vector_store %arg10[%swap3A_422, %swap3A_423], %swap3A_426 {add = true, strides = array<i32>} : memref<200x128xf32, #tpu.memory_space<vmem>>, vector<1x16xf32>,
      %get3A_427 = arith.index_cast %add3A_363 : i32 to index
      %get3A_428 = arith.constant 112 : index
      %get3A_429 = tpu.vector_load %arg7[%get3A_427, %get3A_428] {strides = array<i32>} : memref<200x128xf32, #tpu.memory_space<vmem>>, vector<1x16xf32>,
      %get3A_430 = vector.shape_cast %get3A_429 : vector<1x16xf32> to vector<16xf32>
      %swap3A_431 = arith.index_cast %add3A_363 : i32 to index
      %swap3A_432 = arith.constant 112 : index
      %swap3A_433 = tpu.vector_load %arg10[%swap3A_431, %swap3A_432] {strides = array<i32>} : memref<200x128xf32, #tpu.memory_space<vmem>>, vector<1x16xf32>,
      %swap3A_434 = vector.shape_cast %swap3A_433 : vector<1x16xf32> to vector<16xf32>
      %swap3A_435 = vector.shape_cast %get3A_430 : vector<16xf32> to vector<1x16xf32>
      tpu.vector_store %arg10[%swap3A_431, %swap3A_432], %swap3A_435 {add = true, strides = array<i32>} : memref<200x128xf32, #tpu.memory_space<vmem>>, vector<1x16xf32>,
    }
    %scan3A_163 = arith.constant 100 : i32
    %add3A_164 = arith.constant 400 : i32
    %add3A_165 = arith.addi %mul3A_2, %add3A_164 : i32
    %multiple_of3A_166 = tpu.assume_multiple %add3A_165, 8 : i32
    %dma_start3A_167 = arith.constant 0 : i32
    %dma_start3A_168 = tpu.memref_slice %arg5[%multiple_of3A_166, %dma_start3A_167] : memref<819200x128xf32, #tpu.memory_space<hbm>> -> memref<200x128xf32, #tpu.memory_space<hbm>>
    %dma_start3A_169 = arith.constant 0 : i32
    %dma_start3A_170 = tpu.memref_slice %arg5[%multiple_of3A_166, %dma_start3A_169] : memref<819200x128xf32, #tpu.memory_space<hbm>> -> memref<200x128xf32, #tpu.memory_space<hbm>>
    tpu.enqueue_dma source(%arg10 : memref<200x128xf32, #tpu.memory_space<vmem>>) target(%dma_start3A_170 : memref<200x128xf32, #tpu.memory_space<hbm>>) target_semaphore(%arg16 : memref<!tpu.dma_semaphore, #tpu.memory_space<semaphore_mem>>)
    %scan3A_171 = arith.constant 0 : i32
    %scan3A_172 = arith.constant 1 : i32
    %scan3A_173 = arith.constant 41 : i32
    %scan3A_174 = arith.addi %scan3A_172, %scan3A_173 : i32
    %scan3A_175 = arith.constant 1 : i32
    scf.for %scan3A_285 = %scan3A_172 to %scan3A_174 step %scan3A_175  : i32 {
      %mul3A_286 = arith.constant 3 : i32
      %mul3A_287 = arith.muli %scan3A_285, %mul3A_286 : i32
      %add3A_288 = arith.constant 0 : i32
      %add3A_289 = arith.addi %mul3A_287, %add3A_288 : i32
      %add3A_290 = arith.constant 1 : i32
      %add3A_291 = arith.addi %add3A_289, %add3A_290 : i32
      %sub3A = arith.constant 3 : i32
      %sub3A_292 = arith.subi %add3A_291, %sub3A : i32
      %mul3A_293 = arith.constant 200 : i32
      %mul3A_294 = arith.muli %sub3A_292, %mul3A_293 : i32
      %add3A_295 = arith.addi %mul3A_2, %mul3A_294 : i32
      %multiple_of3A_296 = tpu.assume_multiple %add3A_295, 8 : i32
      %dma_wait3A_297 = arith.constant 0 : i32
      %dma_wait3A_298 = tpu.memref_slice %arg5[%multiple_of3A_296, %dma_wait3A_297] : memref<819200x128xf32, #tpu.memory_space<hbm>> -> memref<200x128xf32, #tpu.memory_space<hbm>>
      %dma_wait3A_299 = arith.constant 0 : i32
      %dma_wait3A_300 = tpu.memref_slice %arg5[%multiple_of3A_296, %dma_wait3A_299] : memref<819200x128xf32, #tpu.memory_space<hbm>> -> memref<200x128xf32, #tpu.memory_space<hbm>>
      tpu.wait_dma2 semaphore(%arg15 : memref<!tpu.dma_semaphore, #tpu.memory_space<semaphore_mem>>) src(%arg9 : memref<200x128xf32, #tpu.memory_space<vmem>>) dst(%dma_wait3A_300 : memref<200x128xf32, #tpu.memory_space<hbm>>)
      %mul3A_301 = arith.constant 200 : i32
      %mul3A_302 = arith.muli %add3A_291, %mul3A_301 : i32
      %multiple_of3A_303 = tpu.assume_multiple %mul3A_302, 8 : i32
      %add3A_304 = arith.constant 128 : i32
      %add3A_305 = arith.addi %multiple_of3A_303, %add3A_304 : i32
      %dma_start3A_306 = arith.constant 0 : i32
      %dma_start3A_307 = arith.constant 0 : i32
      %dma_start3A_308 = tpu.memref_slice %arg9[%dma_start3A_306, %dma_start3A_307] : memref<200x128xf32, #tpu.memory_space<vmem>> -> memref<128x128xf32, #tpu.memory_space<vmem>>
      %dma_start3A_309 = tpu.memref_slice %arg6[%multiple_of3A_303] : memref<25600xi32, #tpu.memory_space<vmem>> -> memref<128xi32, #tpu.memory_space<vmem>>
      %dma_start3A_310 = arith.constant 0 : i32
      %dma_start3A_311 = arith.constant 0 : i32
      %dma_start3A_312 = tpu.memref_slice %arg3[%dma_start3A_310, %dma_start3A_311] : memref<1000x128xf32, #tpu.memory_space<hbm>> -> memref<1000x128xf32, #tpu.memory_space<hbm>>
      tpu.enqueue_indirect_dma source(%dma_start3A_312 : memref<1000x128xf32, #tpu.memory_space<hbm>>) target(%dma_start3A_308 : memref<128x128xf32, #tpu.memory_space<vmem>>) offsets(%dma_start3A_309 : memref<128xi32, #tpu.memory_space<vmem>>) semaphore(%arg12 : memref<!tpu.dma_semaphore, #tpu.memory_space<semaphore_mem>>)
      %dma_start3A_313 = arith.constant 128 : i32
      %dma_start3A_314 = arith.constant 0 : i32
      %dma_start3A_315 = tpu.memref_slice %arg9[%dma_start3A_313, %dma_start3A_314] : memref<200x128xf32, #tpu.memory_space<vmem>> -> memref<72x128xf32, #tpu.memory_space<vmem>>
      %dma_start3A_316 = tpu.memref_slice %arg6[%add3A_305] : memref<25600xi32, #tpu.memory_space<vmem>> -> memref<72xi32, #tpu.memory_space<vmem>>
      %dma_start3A_317 = arith.constant 0 : i32
      %dma_start3A_318 = arith.constant 0 : i32
      %dma_start3A_319 = tpu.memref_slice %arg3[%dma_start3A_317, %dma_start3A_318] : memref<1000x128xf32, #tpu.memory_space<hbm>> -> memref<1000x128xf32, #tpu.memory_space<hbm>>
      tpu.enqueue_indirect_dma source(%dma_start3A_319 : memref<1000x128xf32, #tpu.memory_space<hbm>>) target(%dma_start3A_315 : memref<72x128xf32, #tpu.memory_space<vmem>>) offsets(%dma_start3A_316 : memref<72xi32, #tpu.memory_space<vmem>>) semaphore(%arg12 : memref<!tpu.dma_semaphore, #tpu.memory_space<semaphore_mem>>)
      %mul3A_320 = arith.constant 200 : i32
      %mul3A_321 = arith.muli %add3A_289, %mul3A_320 : i32
      %multiple_of3A_322 = tpu.assume_multiple %mul3A_321, 8 : i32
      %add3A_323 = arith.constant 128 : i32
      %add3A_324 = arith.addi %multiple_of3A_322, %add3A_323 : i32
      %dma_wait3A_325 = arith.constant 0 : i32
      %dma_wait3A_326 = arith.constant 0 : i32
      %dma_wait3A_327 = tpu.memref_slice %arg8[%dma_wait3A_325, %dma_wait3A_326] : memref<200x128xf32, #tpu.memory_space<vmem>> -> memref<128x128xf32, #tpu.memory_space<vmem>>
      %dma_wait3A_328 = tpu.memref_slice %arg6[%multiple_of3A_322] : memref<25600xi32, #tpu.memory_space<vmem>> -> memref<128xi32, #tpu.memory_space<vmem>>
      %dma_wait3A_329 = arith.constant 0 : i32
      %dma_wait3A_330 = arith.constant 0 : i32
      %dma_wait3A_331 = tpu.memref_slice %arg3[%dma_wait3A_329, %dma_wait3A_330] : memref<1000x128xf32, #tpu.memory_space<hbm>> -> memref<1000x128xf32, #tpu.memory_space<hbm>>
      tpu.wait_indirect_dma semaphore(%arg11 : memref<!tpu.dma_semaphore, #tpu.memory_space<semaphore_mem>>) src(%dma_wait3A_331 : memref<1000x128xf32, #tpu.memory_space<hbm>>) dst(%dma_wait3A_327 : memref<128x128xf32, #tpu.memory_space<vmem>>)
      %dma_wait3A_332 = arith.constant 128 : i32
      %dma_wait3A_333 = arith.constant 0 : i32
      %dma_wait3A_334 = tpu.memref_slice %arg8[%dma_wait3A_332, %dma_wait3A_333] : memref<200x128xf32, #tpu.memory_space<vmem>> -> memref<72x128xf32, #tpu.memory_space<vmem>>
      %dma_wait3A_335 = tpu.memref_slice %arg6[%add3A_324] : memref<25600xi32, #tpu.memory_space<vmem>> -> memref<72xi32, #tpu.memory_space<vmem>>
      %dma_wait3A_336 = arith.constant 0 : i32
      %dma_wait3A_337 = arith.constant 0 : i32
      %dma_wait3A_338 = tpu.memref_slice %arg3[%dma_wait3A_336, %dma_wait3A_337] : memref<1000x128xf32, #tpu.memory_space<hbm>> -> memref<1000x128xf32, #tpu.memory_space<hbm>>
      tpu.wait_indirect_dma semaphore(%arg11 : memref<!tpu.dma_semaphore, #tpu.memory_space<semaphore_mem>>) src(%dma_wait3A_338 : memref<1000x128xf32, #tpu.memory_space<hbm>>) dst(%dma_wait3A_334 : memref<72x128xf32, #tpu.memory_space<vmem>>)
      %scan3A_339 = arith.constant 0 : i32
      %scan3A_340 = arith.constant 0 : i32
      %scan3A_341 = arith.constant 100 : i32
      %scan3A_342 = arith.addi %scan3A_340, %scan3A_341 : i32
      %scan3A_343 = arith.constant 1 : i32
      scf.for %scan3A_489 = %scan3A_340 to %scan3A_342 step %scan3A_343  : i32 {
        %mul3A_490 = arith.constant 2 : i32
        %mul3A_491 = arith.muli %scan3A_489, %mul3A_490 : i32
        %add3A_492 = arith.constant 0 : i32
        %add3A_493 = arith.addi %mul3A_491, %add3A_492 : i32
        %get3A = arith.index_cast %add3A_493 : i32 to index
        %get3A_494 = arith.constant 0 : index
        %get3A_495 = tpu.vector_load %arg7[%get3A, %get3A_494] {strides = array<i32>} : memref<200x128xf32, #tpu.memory_space<vmem>>, vector<1x16xf32>,
        %get3A_496 = vector.shape_cast %get3A_495 : vector<1x16xf32> to vector<16xf32>
        %swap3A = arith.index_cast %add3A_493 : i32 to index
        %swap3A_497 = arith.constant 0 : index
        %swap3A_498 = tpu.vector_load %arg8[%swap3A, %swap3A_497] {strides = array<i32>} : memref<200x128xf32, #tpu.memory_space<vmem>>, vector<1x16xf32>,
        %swap3A_499 = vector.shape_cast %swap3A_498 : vector<1x16xf32> to vector<16xf32>
        %swap3A_500 = vector.shape_cast %get3A_496 : vector<16xf32> to vector<1x16xf32>
        tpu.vector_store %arg8[%swap3A, %swap3A_497], %swap3A_500 {add = true, strides = array<i32>} : memref<200x128xf32, #tpu.memory_space<vmem>>, vector<1x16xf32>,
        %get3A_501 = arith.index_cast %add3A_493 : i32 to index
        %get3A_502 = arith.constant 16 : index
        %get3A_503 = tpu.vector_load %arg7[%get3A_501, %get3A_502] {strides = array<i32>} : memref<200x128xf32, #tpu.memory_space<vmem>>, vector<1x16xf32>,
        %get3A_504 = vector.shape_cast %get3A_503 : vector<1x16xf32> to vector<16xf32>
        %swap3A_505 = arith.index_cast %add3A_493 : i32 to index
        %swap3A_506 = arith.constant 16 : index
        %swap3A_507 = tpu.vector_load %arg8[%swap3A_505, %swap3A_506] {strides = array<i32>} : memref<200x128xf32, #tpu.memory_space<vmem>>, vector<1x16xf32>,
        %swap3A_508 = vector.shape_cast %swap3A_507 : vector<1x16xf32> to vector<16xf32>
        %swap3A_509 = vector.shape_cast %get3A_504 : vector<16xf32> to vector<1x16xf32>
        tpu.vector_store %arg8[%swap3A_505, %swap3A_506], %swap3A_509 {add = true, strides = array<i32>} : memref<200x128xf32, #tpu.memory_space<vmem>>, vector<1x16xf32>,
        %get3A_510 = arith.index_cast %add3A_493 : i32 to index
        %get3A_511 = arith.constant 32 : index
        %get3A_512 = tpu.vector_load %arg7[%get3A_510, %get3A_511] {strides = array<i32>} : memref<200x128xf32, #tpu.memory_space<vmem>>, vector<1x16xf32>,
        %get3A_513 = vector.shape_cast %get3A_512 : vector<1x16xf32> to vector<16xf32>
        %swap3A_514 = arith.index_cast %add3A_493 : i32 to index
        %swap3A_515 = arith.constant 32 : index
        %swap3A_516 = tpu.vector_load %arg8[%swap3A_514, %swap3A_515] {strides = array<i32>} : memref<200x128xf32, #tpu.memory_space<vmem>>, vector<1x16xf32>,
        %swap3A_517 = vector.shape_cast %swap3A_516 : vector<1x16xf32> to vector<16xf32>
        %swap3A_518 = vector.shape_cast %get3A_513 : vector<16xf32> to vector<1x16xf32>
        tpu.vector_store %arg8[%swap3A_514, %swap3A_515], %swap3A_518 {add = true, strides = array<i32>} : memref<200x128xf32, #tpu.memory_space<vmem>>, vector<1x16xf32>,
        %get3A_519 = arith.index_cast %add3A_493 : i32 to index
        %get3A_520 = arith.constant 48 : index
        %get3A_521 = tpu.vector_load %arg7[%get3A_519, %get3A_520] {strides = array<i32>} : memref<200x128xf32, #tpu.memory_space<vmem>>, vector<1x16xf32>,
        %get3A_522 = vector.shape_cast %get3A_521 : vector<1x16xf32> to vector<16xf32>
        %swap3A_523 = arith.index_cast %add3A_493 : i32 to index
        %swap3A_524 = arith.constant 48 : index
        %swap3A_525 = tpu.vector_load %arg8[%swap3A_523, %swap3A_524] {strides = array<i32>} : memref<200x128xf32, #tpu.memory_space<vmem>>, vector<1x16xf32>,
        %swap3A_526 = vector.shape_cast %swap3A_525 : vector<1x16xf32> to vector<16xf32>
        %swap3A_527 = vector.shape_cast %get3A_522 : vector<16xf32> to vector<1x16xf32>
        tpu.vector_store %arg8[%swap3A_523, %swap3A_524], %swap3A_527 {add = true, strides = array<i32>} : memref<200x128xf32, #tpu.memory_space<vmem>>, vector<1x16xf32>,
        %get3A_528 = arith.index_cast %add3A_493 : i32 to index
        %get3A_529 = arith.constant 64 : index
        %get3A_530 = tpu.vector_load %arg7[%get3A_528, %get3A_529] {strides = array<i32>} : memref<200x128xf32, #tpu.memory_space<vmem>>, vector<1x16xf32>,
        %get3A_531 = vector.shape_cast %get3A_530 : vector<1x16xf32> to vector<16xf32>
        %swap3A_532 = arith.index_cast %add3A_493 : i32 to index
        %swap3A_533 = arith.constant 64 : index
        %swap3A_534 = tpu.vector_load %arg8[%swap3A_532, %swap3A_533] {strides = array<i32>} : memref<200x128xf32, #tpu.memory_space<vmem>>, vector<1x16xf32>,
        %swap3A_535 = vector.shape_cast %swap3A_534 : vector<1x16xf32> to vector<16xf32>
        %swap3A_536 = vector.shape_cast %get3A_531 : vector<16xf32> to vector<1x16xf32>
        tpu.vector_store %arg8[%swap3A_532, %swap3A_533], %swap3A_536 {add = true, strides = array<i32>} : memref<200x128xf32, #tpu.memory_space<vmem>>, vector<1x16xf32>,
        %get3A_537 = arith.index_cast %add3A_493 : i32 to index
        %get3A_538 = arith.constant 80 : index
        %get3A_539 = tpu.vector_load %arg7[%get3A_537, %get3A_538] {strides = array<i32>} : memref<200x128xf32, #tpu.memory_space<vmem>>, vector<1x16xf32>,
        %get3A_540 = vector.shape_cast %get3A_539 : vector<1x16xf32> to vector<16xf32>
        %swap3A_541 = arith.index_cast %add3A_493 : i32 to index
        %swap3A_542 = arith.constant 80 : index
        %swap3A_543 = tpu.vector_load %arg8[%swap3A_541, %swap3A_542] {strides = array<i32>} : memref<200x128xf32, #tpu.memory_space<vmem>>, vector<1x16xf32>,
        %swap3A_544 = vector.shape_cast %swap3A_543 : vector<1x16xf32> to vector<16xf32>
        %swap3A_545 = vector.shape_cast %get3A_540 : vector<16xf32> to vector<1x16xf32>
        tpu.vector_store %arg8[%swap3A_541, %swap3A_542], %swap3A_545 {add = true, strides = array<i32>} : memref<200x128xf32, #tpu.memory_space<vmem>>, vector<1x16xf32>,
        %get3A_546 = arith.index_cast %add3A_493 : i32 to index
        %get3A_547 = arith.constant 96 : index
        %get3A_548 = tpu.vector_load %arg7[%get3A_546, %get3A_547] {strides = array<i32>} : memref<200x128xf32, #tpu.memory_space<vmem>>, vector<1x16xf32>,
        %get3A_549 = vector.shape_cast %get3A_548 : vector<1x16xf32> to vector<16xf32>
        %swap3A_550 = arith.index_cast %add3A_493 : i32 to index
        %swap3A_551 = arith.constant 96 : index
        %swap3A_552 = tpu.vector_load %arg8[%swap3A_550, %swap3A_551] {strides = array<i32>} : memref<200x128xf32, #tpu.memory_space<vmem>>, vector<1x16xf32>,
        %swap3A_553 = vector.shape_cast %swap3A_552 : vector<1x16xf32> to vector<16xf32>
        %swap3A_554 = vector.shape_cast %get3A_549 : vector<16xf32> to vector<1x16xf32>
        tpu.vector_store %arg8[%swap3A_550, %swap3A_551], %swap3A_554 {add = true, strides = array<i32>} : memref<200x128xf32, #tpu.memory_space<vmem>>, vector<1x16xf32>,
        %get3A_555 = arith.index_cast %add3A_493 : i32 to index
        %get3A_556 = arith.constant 112 : index
        %get3A_557 = tpu.vector_load %arg7[%get3A_555, %get3A_556] {strides = array<i32>} : memref<200x128xf32, #tpu.memory_space<vmem>>, vector<1x16xf32>,
        %get3A_558 = vector.shape_cast %get3A_557 : vector<1x16xf32> to vector<16xf32>
        %swap3A_559 = arith.index_cast %add3A_493 : i32 to index
        %swap3A_560 = arith.constant 112 : index
        %swap3A_561 = tpu.vector_load %arg8[%swap3A_559, %swap3A_560] {strides = array<i32>} : memref<200x128xf32, #tpu.memory_space<vmem>>, vector<1x16xf32>,
        %swap3A_562 = vector.shape_cast %swap3A_561 : vector<1x16xf32> to vector<16xf32>
        %swap3A_563 = vector.shape_cast %get3A_558 : vector<16xf32> to vector<1x16xf32>
        tpu.vector_store %arg8[%swap3A_559, %swap3A_560], %swap3A_563 {add = true, strides = array<i32>} : memref<200x128xf32, #tpu.memory_space<vmem>>, vector<1x16xf32>,
        %mul3A_564 = arith.constant 2 : i32
        %mul3A_565 = arith.muli %scan3A_489, %mul3A_564 : i32
        %add3A_566 = arith.constant 1 : i32
        %add3A_567 = arith.addi %mul3A_565, %add3A_566 : i32
        %get3A_568 = arith.index_cast %add3A_567 : i32 to index
        %get3A_569 = arith.constant 0 : index
        %get3A_570 = tpu.vector_load %arg7[%get3A_568, %get3A_569] {strides = array<i32>} : memref<200x128xf32, #tpu.memory_space<vmem>>, vector<1x16xf32>,
        %get3A_571 = vector.shape_cast %get3A_570 : vector<1x16xf32> to vector<16xf32>
        %swap3A_572 = arith.index_cast %add3A_567 : i32 to index
        %swap3A_573 = arith.constant 0 : index
        %swap3A_574 = tpu.vector_load %arg8[%swap3A_572, %swap3A_573] {strides = array<i32>} : memref<200x128xf32, #tpu.memory_space<vmem>>, vector<1x16xf32>,
        %swap3A_575 = vector.shape_cast %swap3A_574 : vector<1x16xf32> to vector<16xf32>
        %swap3A_576 = vector.shape_cast %get3A_571 : vector<16xf32> to vector<1x16xf32>
        tpu.vector_store %arg8[%swap3A_572, %swap3A_573], %swap3A_576 {add = true, strides = array<i32>} : memref<200x128xf32, #tpu.memory_space<vmem>>, vector<1x16xf32>,
        %get3A_577 = arith.index_cast %add3A_567 : i32 to index
        %get3A_578 = arith.constant 16 : index
        %get3A_579 = tpu.vector_load %arg7[%get3A_577, %get3A_578] {strides = array<i32>} : memref<200x128xf32, #tpu.memory_space<vmem>>, vector<1x16xf32>,
        %get3A_580 = vector.shape_cast %get3A_579 : vector<1x16xf32> to vector<16xf32>
        %swap3A_581 = arith.index_cast %add3A_567 : i32 to index
        %swap3A_582 = arith.constant 16 : index
        %swap3A_583 = tpu.vector_load %arg8[%swap3A_581, %swap3A_582] {strides = array<i32>} : memref<200x128xf32, #tpu.memory_space<vmem>>, vector<1x16xf32>,
        %swap3A_584 = vector.shape_cast %swap3A_583 : vector<1x16xf32> to vector<16xf32>
        %swap3A_585 = vector.shape_cast %get3A_580 : vector<16xf32> to vector<1x16xf32>
        tpu.vector_store %arg8[%swap3A_581, %swap3A_582], %swap3A_585 {add = true, strides = array<i32>} : memref<200x128xf32, #tpu.memory_space<vmem>>, vector<1x16xf32>,
        %get3A_586 = arith.index_cast %add3A_567 : i32 to index
        %get3A_587 = arith.constant 32 : index
        %get3A_588 = tpu.vector_load %arg7[%get3A_586, %get3A_587] {strides = array<i32>} : memref<200x128xf32, #tpu.memory_space<vmem>>, vector<1x16xf32>,
        %get3A_589 = vector.shape_cast %get3A_588 : vector<1x16xf32> to vector<16xf32>
        %swap3A_590 = arith.index_cast %add3A_567 : i32 to index
        %swap3A_591 = arith.constant 32 : index
        %swap3A_592 = tpu.vector_load %arg8[%swap3A_590, %swap3A_591] {strides = array<i32>} : memref<200x128xf32, #tpu.memory_space<vmem>>, vector<1x16xf32>,
        %swap3A_593 = vector.shape_cast %swap3A_592 : vector<1x16xf32> to vector<16xf32>
        %swap3A_594 = vector.shape_cast %get3A_589 : vector<16xf32> to vector<1x16xf32>
        tpu.vector_store %arg8[%swap3A_590, %swap3A_591], %swap3A_594 {add = true, strides = array<i32>} : memref<200x128xf32, #tpu.memory_space<vmem>>, vector<1x16xf32>,
        %get3A_595 = arith.index_cast %add3A_567 : i32 to index
        %get3A_596 = arith.constant 48 : index
        %get3A_597 = tpu.vector_load %arg7[%get3A_595, %get3A_596] {strides = array<i32>} : memref<200x128xf32, #tpu.memory_space<vmem>>, vector<1x16xf32>,
        %get3A_598 = vector.shape_cast %get3A_597 : vector<1x16xf32> to vector<16xf32>
        %swap3A_599 = arith.index_cast %add3A_567 : i32 to index
        %swap3A_600 = arith.constant 48 : index
        %swap3A_601 = tpu.vector_load %arg8[%swap3A_599, %swap3A_600] {strides = array<i32>} : memref<200x128xf32, #tpu.memory_space<vmem>>, vector<1x16xf32>,
        %swap3A_602 = vector.shape_cast %swap3A_601 : vector<1x16xf32> to vector<16xf32>
        %swap3A_603 = vector.shape_cast %get3A_598 : vector<16xf32> to vector<1x16xf32>
        tpu.vector_store %arg8[%swap3A_599, %swap3A_600], %swap3A_603 {add = true, strides = array<i32>} : memref<200x128xf32, #tpu.memory_space<vmem>>, vector<1x16xf32>,
        %get3A_604 = arith.index_cast %add3A_567 : i32 to index
        %get3A_605 = arith.constant 64 : index
        %get3A_606 = tpu.vector_load %arg7[%get3A_604, %get3A_605] {strides = array<i32>} : memref<200x128xf32, #tpu.memory_space<vmem>>, vector<1x16xf32>,
        %get3A_607 = vector.shape_cast %get3A_606 : vector<1x16xf32> to vector<16xf32>
        %swap3A_608 = arith.index_cast %add3A_567 : i32 to index
        %swap3A_609 = arith.constant 64 : index
        %swap3A_610 = tpu.vector_load %arg8[%swap3A_608, %swap3A_609] {strides = array<i32>} : memref<200x128xf32, #tpu.memory_space<vmem>>, vector<1x16xf32>,
        %swap3A_611 = vector.shape_cast %swap3A_610 : vector<1x16xf32> to vector<16xf32>
        %swap3A_612 = vector.shape_cast %get3A_607 : vector<16xf32> to vector<1x16xf32>
        tpu.vector_store %arg8[%swap3A_608, %swap3A_609], %swap3A_612 {add = true, strides = array<i32>} : memref<200x128xf32, #tpu.memory_space<vmem>>, vector<1x16xf32>,
        %get3A_613 = arith.index_cast %add3A_567 : i32 to index
        %get3A_614 = arith.constant 80 : index
        %get3A_615 = tpu.vector_load %arg7[%get3A_613, %get3A_614] {strides = array<i32>} : memref<200x128xf32, #tpu.memory_space<vmem>>, vector<1x16xf32>,
        %get3A_616 = vector.shape_cast %get3A_615 : vector<1x16xf32> to vector<16xf32>
        %swap3A_617 = arith.index_cast %add3A_567 : i32 to index
        %swap3A_618 = arith.constant 80 : index
        %swap3A_619 = tpu.vector_load %arg8[%swap3A_617, %swap3A_618] {strides = array<i32>} : memref<200x128xf32, #tpu.memory_space<vmem>>, vector<1x16xf32>,
        %swap3A_620 = vector.shape_cast %swap3A_619 : vector<1x16xf32> to vector<16xf32>
        %swap3A_621 = vector.shape_cast %get3A_616 : vector<16xf32> to vector<1x16xf32>
        tpu.vector_store %arg8[%swap3A_617, %swap3A_618], %swap3A_621 {add = true, strides = array<i32>} : memref<200x128xf32, #tpu.memory_space<vmem>>, vector<1x16xf32>,
        %get3A_622 = arith.index_cast %add3A_567 : i32 to index
        %get3A_623 = arith.constant 96 : index
        %get3A_624 = tpu.vector_load %arg7[%get3A_622, %get3A_623] {strides = array<i32>} : memref<200x128xf32, #tpu.memory_space<vmem>>, vector<1x16xf32>,
        %get3A_625 = vector.shape_cast %get3A_624 : vector<1x16xf32> to vector<16xf32>
        %swap3A_626 = arith.index_cast %add3A_567 : i32 to index
        %swap3A_627 = arith.constant 96 : index
        %swap3A_628 = tpu.vector_load %arg8[%swap3A_626, %swap3A_627] {strides = array<i32>} : memref<200x128xf32, #tpu.memory_space<vmem>>, vector<1x16xf32>,
        %swap3A_629 = vector.shape_cast %swap3A_628 : vector<1x16xf32> to vector<16xf32>
        %swap3A_630 = vector.shape_cast %get3A_625 : vector<16xf32> to vector<1x16xf32>
        tpu.vector_store %arg8[%swap3A_626, %swap3A_627], %swap3A_630 {add = true, strides = array<i32>} : memref<200x128xf32, #tpu.memory_space<vmem>>, vector<1x16xf32>,
        %get3A_631 = arith.index_cast %add3A_567 : i32 to index
        %get3A_632 = arith.constant 112 : index
        %get3A_633 = tpu.vector_load %arg7[%get3A_631, %get3A_632] {strides = array<i32>} : memref<200x128xf32, #tpu.memory_space<vmem>>, vector<1x16xf32>,
        %get3A_634 = vector.shape_cast %get3A_633 : vector<1x16xf32> to vector<16xf32>
        %swap3A_635 = arith.index_cast %add3A_567 : i32 to index
        %swap3A_636 = arith.constant 112 : index
        %swap3A_637 = tpu.vector_load %arg8[%swap3A_635, %swap3A_636] {strides = array<i32>} : memref<200x128xf32, #tpu.memory_space<vmem>>, vector<1x16xf32>,
        %swap3A_638 = vector.shape_cast %swap3A_637 : vector<1x16xf32> to vector<16xf32>
        %swap3A_639 = vector.shape_cast %get3A_634 : vector<16xf32> to vector<1x16xf32>
        tpu.vector_store %arg8[%swap3A_635, %swap3A_636], %swap3A_639 {add = true, strides = array<i32>} : memref<200x128xf32, #tpu.memory_space<vmem>>, vector<1x16xf32>,
      }
      %scan3A_344 = arith.constant 100 : i32
      %mul3A_345 = arith.constant 200 : i32
      %mul3A_346 = arith.muli %add3A_289, %mul3A_345 : i32
      %add3A_347 = arith.addi %mul3A_2, %mul3A_346 : i32
      %multiple_of3A_348 = tpu.assume_multiple %add3A_347, 8 : i32
      %dma_start3A_349 = arith.constant 0 : i32
      %dma_start3A_350 = tpu.memref_slice %arg5[%multiple_of3A_348, %dma_start3A_349] : memref<819200x128xf32, #tpu.memory_space<hbm>> -> memref<200x128xf32, #tpu.memory_space<hbm>>
      %dma_start3A_351 = arith.constant 0 : i32
      %dma_start3A_352 = tpu.memref_slice %arg5[%multiple_of3A_348, %dma_start3A_351] : memref<819200x128xf32, #tpu.memory_space<hbm>> -> memref<200x128xf32, #tpu.memory_space<hbm>>
      tpu.enqueue_dma source(%arg8 : memref<200x128xf32, #tpu.memory_space<vmem>>) target(%dma_start3A_352 : memref<200x128xf32, #tpu.memory_space<hbm>>) target_semaphore(%arg14 : memref<!tpu.dma_semaphore, #tpu.memory_space<semaphore_mem>>)
      %mul3A_353 = arith.constant 3 : i32
      %mul3A_354 = arith.muli %scan3A_285, %mul3A_353 : i32
      %add3A_355 = arith.constant 1 : i32
      %add3A_356 = arith.addi %mul3A_354, %add3A_355 : i32
      %add3A_357 = arith.constant 1 : i32
      %add3A_358 = arith.addi %add3A_356, %add3A_357 : i32
      %sub3A_359 = arith.constant 3 : i32
      %sub3A_360 = arith.subi %add3A_358, %sub3A_359 : i32
      %mul3A_361 = arith.constant 200 : i32
      %mul3A_362 = arith.muli %sub3A_360, %mul3A_361 : i32
      %add3A_363 = arith.addi %mul3A_2, %mul3A_362 : i32
      %multiple_of3A_364 = tpu.assume_multiple %add3A_363, 8 : i32
      %dma_wait3A_365 = arith.constant 0 : i32
      %dma_wait3A_366 = tpu.memref_slice %arg5[%multiple_of3A_364, %dma_wait3A_365] : memref<819200x128xf32, #tpu.memory_space<hbm>> -> memref<200x128xf32, #tpu.memory_space<hbm>>
      %dma_wait3A_367 = arith.constant 0 : i32
      %dma_wait3A_368 = tpu.memref_slice %arg5[%multiple_of3A_364, %dma_wait3A_367] : memref<819200x128xf32, #tpu.memory_space<hbm>> -> memref<200x128xf32, #tpu.memory_space<hbm>>
      tpu.wait_dma2 semaphore(%arg16 : memref<!tpu.dma_semaphore, #tpu.memory_space<semaphore_mem>>) src(%arg10 : memref<200x128xf32, #tpu.memory_space<vmem>>) dst(%dma_wait3A_368 : memref<200x128xf32, #tpu.memory_space<hbm>>)
      %mul3A_369 = arith.constant 200 : i32
      %mul3A_370 = arith.muli %add3A_358, %mul3A_369 : i32
      %multiple_of3A_371 = tpu.assume_multiple %mul3A_370, 8 : i32
      %add3A_372 = arith.constant 128 : i32
      %add3A_373 = arith.addi %multiple_of3A_371, %add3A_372 : i32
      %dma_start3A_374 = arith.constant 0 : i32
      %dma_start3A_375 = arith.constant 0 : i32
      %dma_start3A_376 = tpu.memref_slice %arg10[%dma_start3A_374, %dma_start3A_375] : memref<200x128xf32, #tpu.memory_space<vmem>> -> memref<128x128xf32, #tpu.memory_space<vmem>>
      %dma_start3A_377 = tpu.memref_slice %arg6[%multiple_of3A_371] : memref<25600xi32, #tpu.memory_space<vmem>> -> memref<128xi32, #tpu.memory_space<vmem>>
      %dma_start3A_378 = arith.constant 0 : i32
      %dma_start3A_379 = arith.constant 0 : i32
      %dma_start3A_380 = tpu.memref_slice %arg3[%dma_start3A_378, %dma_start3A_379] : memref<1000x128xf32, #tpu.memory_space<hbm>> -> memref<1000x128xf32, #tpu.memory_space<hbm>>
      tpu.enqueue_indirect_dma source(%dma_start3A_380 : memref<1000x128xf32, #tpu.memory_space<hbm>>) target(%dma_start3A_376 : memref<128x128xf32, #tpu.memory_space<vmem>>) offsets(%dma_start3A_377 : memref<128xi32, #tpu.memory_space<vmem>>) semaphore(%arg13 : memref<!tpu.dma_semaphore, #tpu.memory_space<semaphore_mem>>)
      %dma_start3A_381 = arith.constant 128 : i32
      %dma_start3A_382 = arith.constant 0 : i32
      %dma_start3A_383 = tpu.memref_slice %arg10[%dma_start3A_381, %dma_start3A_382] : memref<200x128xf32, #tpu.memory_space<vmem>> -> memref<72x128xf32, #tpu.memory_space<vmem>>
      %dma_start3A_384 = tpu.memref_slice %arg6[%add3A_373] : memref<25600xi32, #tpu.memory_space<vmem>> -> memref<72xi32, #tpu.memory_space<vmem>>
      %dma_start3A_385 = arith.constant 0 : i32
      %dma_start3A_386 = arith.constant 0 : i32
      %dma_start3A_387 = tpu.memref_slice %arg3[%dma_start3A_385, %dma_start3A_386] : memref<1000x128xf32, #tpu.memory_space<hbm>> -> memref<1000x128xf32, #tpu.memory_space<hbm>>
      tpu.enqueue_indirect_dma source(%dma_start3A_387 : memref<1000x128xf32, #tpu.memory_space<hbm>>) target(%dma_start3A_383 : memref<72x128xf32, #tpu.memory_space<vmem>>) offsets(%dma_start3A_384 : memref<72xi32, #tpu.memory_space<vmem>>) semaphore(%arg13 : memref<!tpu.dma_semaphore, #tpu.memory_space<semaphore_mem>>)
      %mul3A_388 = arith.constant 200 : i32
      %mul3A_389 = arith.muli %add3A_356, %mul3A_388 : i32
      %multiple_of3A_390 = tpu.assume_multiple %mul3A_389, 8 : i32
      %add3A_391 = arith.constant 128 : i32
      %add3A_392 = arith.addi %multiple_of3A_390, %add3A_391 : i32
      %dma_wait3A_393 = arith.constant 0 : i32
      %dma_wait3A_394 = arith.constant 0 : i32
      %dma_wait3A_395 = tpu.memref_slice %arg9[%dma_wait3A_393, %dma_wait3A_394] : memref<200x128xf32, #tpu.memory_space<vmem>> -> memref<128x128xf32, #tpu.memory_space<vmem>>
      %dma_wait3A_396 = tpu.memref_slice %arg6[%multiple_of3A_390] : memref<25600xi32, #tpu.memory_space<vmem>> -> memref<128xi32, #tpu.memory_space<vmem>>
      %dma_wait3A_397 = arith.constant 0 : i32
      %dma_wait3A_398 = arith.constant 0 : i32
      %dma_wait3A_399 = tpu.memref_slice %arg3[%dma_wait3A_397, %dma_wait3A_398] : memref<1000x128xf32, #tpu.memory_space<hbm>> -> memref<1000x128xf32, #tpu.memory_space<hbm>>
      tpu.wait_indirect_dma semaphore(%arg12 : memref<!tpu.dma_semaphore, #tpu.memory_space<semaphore_mem>>) src(%dma_wait3A_399 : memref<1000x128xf32, #tpu.memory_space<hbm>>) dst(%dma_wait3A_395 : memref<128x128xf32, #tpu.memory_space<vmem>>)
      %dma_wait3A_400 = arith.constant 128 : i32
      %dma_wait3A_401 = arith.constant 0 : i32
      %dma_wait3A_402 = tpu.memref_slice %arg9[%dma_wait3A_400, %dma_wait3A_401] : memref<200x128xf32, #tpu.memory_space<vmem>> -> memref<72x128xf32, #tpu.memory_space<vmem>>
      %dma_wait3A_403 = tpu.memref_slice %arg6[%add3A_392] : memref<25600xi32, #tpu.memory_space<vmem>> -> memref<72xi32, #tpu.memory_space<vmem>>
      %dma_wait3A_404 = arith.constant 0 : i32
      %dma_wait3A_405 = arith.constant 0 : i32
      %dma_wait3A_406 = tpu.memref_slice %arg3[%dma_wait3A_404, %dma_wait3A_405] : memref<1000x128xf32, #tpu.memory_space<hbm>> -> memref<1000x128xf32, #tpu.memory_space<hbm>>
      tpu.wait_indirect_dma semaphore(%arg12 : memref<!tpu.dma_semaphore, #tpu.memory_space<semaphore_mem>>) src(%dma_wait3A_406 : memref<1000x128xf32, #tpu.memory_space<hbm>>) dst(%dma_wait3A_402 : memref<72x128xf32, #tpu.memory_space<vmem>>)
      %scan3A_407 = arith.constant 0 : i32
      %scan3A_408 = arith.constant 0 : i32
      %scan3A_409 = arith.constant 100 : i32
      %scan3A_410 = arith.addi %scan3A_408, %scan3A_409 : i32
      %scan3A_411 = arith.constant 1 : i32
      scf.for %scan3A_489 = %scan3A_408 to %scan3A_410 step %scan3A_411  : i32 {
        %mul3A_490 = arith.constant 2 : i32
        %mul3A_491 = arith.muli %scan3A_489, %mul3A_490 : i32
        %add3A_492 = arith.constant 0 : i32
        %add3A_493 = arith.addi %mul3A_491, %add3A_492 : i32
        %get3A = arith.index_cast %add3A_493 : i32 to index
        %get3A_494 = arith.constant 0 : index
        %get3A_495 = tpu.vector_load %arg7[%get3A, %get3A_494] {strides = array<i32>} : memref<200x128xf32, #tpu.memory_space<vmem>>, vector<1x16xf32>,
        %get3A_496 = vector.shape_cast %get3A_495 : vector<1x16xf32> to vector<16xf32>
        %swap3A = arith.index_cast %add3A_493 : i32 to index
        %swap3A_497 = arith.constant 0 : index
        %swap3A_498 = tpu.vector_load %arg9[%swap3A, %swap3A_497] {strides = array<i32>} : memref<200x128xf32, #tpu.memory_space<vmem>>, vector<1x16xf32>,
        %swap3A_499 = vector.shape_cast %swap3A_498 : vector<1x16xf32> to vector<16xf32>
        %swap3A_500 = vector.shape_cast %get3A_496 : vector<16xf32> to vector<1x16xf32>
        tpu.vector_store %arg9[%swap3A, %swap3A_497], %swap3A_500 {add = true, strides = array<i32>} : memref<200x128xf32, #tpu.memory_space<vmem>>, vector<1x16xf32>,
        %get3A_501 = arith.index_cast %add3A_493 : i32 to index
        %get3A_502 = arith.constant 16 : index
        %get3A_503 = tpu.vector_load %arg7[%get3A_501, %get3A_502] {strides = array<i32>} : memref<200x128xf32, #tpu.memory_space<vmem>>, vector<1x16xf32>,
        %get3A_504 = vector.shape_cast %get3A_503 : vector<1x16xf32> to vector<16xf32>
        %swap3A_505 = arith.index_cast %add3A_493 : i32 to index
        %swap3A_506 = arith.constant 16 : index
        %swap3A_507 = tpu.vector_load %arg9[%swap3A_505, %swap3A_506] {strides = array<i32>} : memref<200x128xf32, #tpu.memory_space<vmem>>, vector<1x16xf32>,
        %swap3A_508 = vector.shape_cast %swap3A_507 : vector<1x16xf32> to vector<16xf32>
        %swap3A_509 = vector.shape_cast %get3A_504 : vector<16xf32> to vector<1x16xf32>
        tpu.vector_store %arg9[%swap3A_505, %swap3A_506], %swap3A_509 {add = true, strides = array<i32>} : memref<200x128xf32, #tpu.memory_space<vmem>>, vector<1x16xf32>,
        %get3A_510 = arith.index_cast %add3A_493 : i32 to index
        %get3A_511 = arith.constant 32 : index
        %get3A_512 = tpu.vector_load %arg7[%get3A_510, %get3A_511] {strides = array<i32>} : memref<200x128xf32, #tpu.memory_space<vmem>>, vector<1x16xf32>,
        %get3A_513 = vector.shape_cast %get3A_512 : vector<1x16xf32> to vector<16xf32>
        %swap3A_514 = arith.index_cast %add3A_493 : i32 to index
        %swap3A_515 = arith.constant 32 : index
        %swap3A_516 = tpu.vector_load %arg9[%swap3A_514, %swap3A_515] {strides = array<i32>} : memref<200x128xf32, #tpu.memory_space<vmem>>, vector<1x16xf32>,
        %swap3A_517 = vector.shape_cast %swap3A_516 : vector<1x16xf32> to vector<16xf32>
        %swap3A_518 = vector.shape_cast %get3A_513 : vector<16xf32> to vector<1x16xf32>
        tpu.vector_store %arg9[%swap3A_514, %swap3A_515], %swap3A_518 {add = true, strides = array<i32>} : memref<200x128xf32, #tpu.memory_space<vmem>>, vector<1x16xf32>,
        %get3A_519 = arith.index_cast %add3A_493 : i32 to index
        %get3A_520 = arith.constant 48 : index
        %get3A_521 = tpu.vector_load %arg7[%get3A_519, %get3A_520] {strides = array<i32>} : memref<200x128xf32, #tpu.memory_space<vmem>>, vector<1x16xf32>,
        %get3A_522 = vector.shape_cast %get3A_521 : vector<1x16xf32> to vector<16xf32>
        %swap3A_523 = arith.index_cast %add3A_493 : i32 to index
        %swap3A_524 = arith.constant 48 : index
        %swap3A_525 = tpu.vector_load %arg9[%swap3A_523, %swap3A_524] {strides = array<i32>} : memref<200x128xf32, #tpu.memory_space<vmem>>, vector<1x16xf32>,
        %swap3A_526 = vector.shape_cast %swap3A_525 : vector<1x16xf32> to vector<16xf32>
        %swap3A_527 = vector.shape_cast %get3A_522 : vector<16xf32> to vector<1x16xf32>
        tpu.vector_store %arg9[%swap3A_523, %swap3A_524], %swap3A_527 {add = true, strides = array<i32>} : memref<200x128xf32, #tpu.memory_space<vmem>>, vector<1x16xf32>,
        %get3A_528 = arith.index_cast %add3A_493 : i32 to index
        %get3A_529 = arith.constant 64 : index
        %get3A_530 = tpu.vector_load %arg7[%get3A_528, %get3A_529] {strides = array<i32>} : memref<200x128xf32, #tpu.memory_space<vmem>>, vector<1x16xf32>,
        %get3A_531 = vector.shape_cast %get3A_530 : vector<1x16xf32> to vector<16xf32>
        %swap3A_532 = arith.index_cast %add3A_493 : i32 to index
        %swap3A_533 = arith.constant 64 : index
        %swap3A_534 = tpu.vector_load %arg9[%swap3A_532, %swap3A_533] {strides = array<i32>} : memref<200x128xf32, #tpu.memory_space<vmem>>, vector<1x16xf32>,
        %swap3A_535 = vector.shape_cast %swap3A_534 : vector<1x16xf32> to vector<16xf32>
        %swap3A_536 = vector.shape_cast %get3A_531 : vector<16xf32> to vector<1x16xf32>
        tpu.vector_store %arg9[%swap3A_532, %swap3A_533], %swap3A_536 {add = true, strides = array<i32>} : memref<200x128xf32, #tpu.memory_space<vmem>>, vector<1x16xf32>,
        %get3A_537 = arith.index_cast %add3A_493 : i32 to index
        %get3A_538 = arith.constant 80 : index
        %get3A_539 = tpu.vector_load %arg7[%get3A_537, %get3A_538] {strides = array<i32>} : memref<200x128xf32, #tpu.memory_space<vmem>>, vector<1x16xf32>,
        %get3A_540 = vector.shape_cast %get3A_539 : vector<1x16xf32> to vector<16xf32>
        %swap3A_541 = arith.index_cast %add3A_493 : i32 to index
        %swap3A_542 = arith.constant 80 : index
        %swap3A_543 = tpu.vector_load %arg9[%swap3A_541, %swap3A_542] {strides = array<i32>} : memref<200x128xf32, #tpu.memory_space<vmem>>, vector<1x16xf32>,
        %swap3A_544 = vector.shape_cast %swap3A_543 : vector<1x16xf32> to vector<16xf32>
        %swap3A_545 = vector.shape_cast %get3A_540 : vector<16xf32> to vector<1x16xf32>
        tpu.vector_store %arg9[%swap3A_541, %swap3A_542], %swap3A_545 {add = true, strides = array<i32>} : memref<200x128xf32, #tpu.memory_space<vmem>>, vector<1x16xf32>,
        %get3A_546 = arith.index_cast %add3A_493 : i32 to index
        %get3A_547 = arith.constant 96 : index
        %get3A_548 = tpu.vector_load %arg7[%get3A_546, %get3A_547] {strides = array<i32>} : memref<200x128xf32, #tpu.memory_space<vmem>>, vector<1x16xf32>,
        %get3A_549 = vector.shape_cast %get3A_548 : vector<1x16xf32> to vector<16xf32>
        %swap3A_550 = arith.index_cast %add3A_493 : i32 to index
        %swap3A_551 = arith.constant 96 : index
        %swap3A_552 = tpu.vector_load %arg9[%swap3A_550, %swap3A_551] {strides = array<i32>} : memref<200x128xf32, #tpu.memory_space<vmem>>, vector<1x16xf32>,
        %swap3A_553 = vector.shape_cast %swap3A_552 : vector<1x16xf32> to vector<16xf32>
        %swap3A_554 = vector.shape_cast %get3A_549 : vector<16xf32> to vector<1x16xf32>
        tpu.vector_store %arg9[%swap3A_550, %swap3A_551], %swap3A_554 {add = true, strides = array<i32>} : memref<200x128xf32, #tpu.memory_space<vmem>>, vector<1x16xf32>,
        %get3A_555 = arith.index_cast %add3A_493 : i32 to index
        %get3A_556 = arith.constant 112 : index
        %get3A_557 = tpu.vector_load %arg7[%get3A_555, %get3A_556] {strides = array<i32>} : memref<200x128xf32, #tpu.memory_space<vmem>>, vector<1x16xf32>,
        %get3A_558 = vector.shape_cast %get3A_557 : vector<1x16xf32> to vector<16xf32>
        %swap3A_559 = arith.index_cast %add3A_493 : i32 to index
        %swap3A_560 = arith.constant 112 : index
        %swap3A_561 = tpu.vector_load %arg9[%swap3A_559, %swap3A_560] {strides = array<i32>} : memref<200x128xf32, #tpu.memory_space<vmem>>, vector<1x16xf32>,
        %swap3A_562 = vector.shape_cast %swap3A_561 : vector<1x16xf32> to vector<16xf32>
        %swap3A_563 = vector.shape_cast %get3A_558 : vector<16xf32> to vector<1x16xf32>
        tpu.vector_store %arg9[%swap3A_559, %swap3A_560], %swap3A_563 {add = true, strides = array<i32>} : memref<200x128xf32, #tpu.memory_space<vmem>>, vector<1x16xf32>,
        %mul3A_564 = arith.constant 2 : i32
        %mul3A_565 = arith.muli %scan3A_489, %mul3A_564 : i32
        %add3A_566 = arith.constant 1 : i32
        %add3A_567 = arith.addi %mul3A_565, %add3A_566 : i32
        %get3A_568 = arith.index_cast %add3A_567 : i32 to index
        %get3A_569 = arith.constant 0 : index
        %get3A_570 = tpu.vector_load %arg7[%get3A_568, %get3A_569] {strides = array<i32>} : memref<200x128xf32, #tpu.memory_space<vmem>>, vector<1x16xf32>,
        %get3A_571 = vector.shape_cast %get3A_570 : vector<1x16xf32> to vector<16xf32>
        %swap3A_572 = arith.index_cast %add3A_567 : i32 to index
        %swap3A_573 = arith.constant 0 : index
        %swap3A_574 = tpu.vector_load %arg9[%swap3A_572, %swap3A_573] {strides = array<i32>} : memref<200x128xf32, #tpu.memory_space<vmem>>, vector<1x16xf32>,
        %swap3A_575 = vector.shape_cast %swap3A_574 : vector<1x16xf32> to vector<16xf32>
        %swap3A_576 = vector.shape_cast %get3A_571 : vector<16xf32> to vector<1x16xf32>
        tpu.vector_store %arg9[%swap3A_572, %swap3A_573], %swap3A_576 {add = true, strides = array<i32>} : memref<200x128xf32, #tpu.memory_space<vmem>>, vector<1x16xf32>,
        %get3A_577 = arith.index_cast %add3A_567 : i32 to index
        %get3A_578 = arith.constant 16 : index
        %get3A_579 = tpu.vector_load %arg7[%get3A_577, %get3A_578] {strides = array<i32>} : memref<200x128xf32, #tpu.memory_space<vmem>>, vector<1x16xf32>,
        %get3A_580 = vector.shape_cast %get3A_579 : vector<1x16xf32> to vector<16xf32>
        %swap3A_581 = arith.index_cast %add3A_567 : i32 to index
        %swap3A_582 = arith.constant 16 : index
        %swap3A_583 = tpu.vector_load %arg9[%swap3A_581, %swap3A_582] {strides = array<i32>} : memref<200x128xf32, #tpu.memory_space<vmem>>, vector<1x16xf32>,
        %swap3A_584 = vector.shape_cast %swap3A_583 : vector<1x16xf32> to vector<16xf32>
        %swap3A_585 = vector.shape_cast %get3A_580 : vector<16xf32> to vector<1x16xf32>
        tpu.vector_store %arg9[%swap3A_581, %swap3A_582], %swap3A_585 {add = true, strides = array<i32>} : memref<200x128xf32, #tpu.memory_space<vmem>>, vector<1x16xf32>,
        %get3A_586 = arith.index_cast %add3A_567 : i32 to index
        %get3A_587 = arith.constant 32 : index
        %get3A_588 = tpu.vector_load %arg7[%get3A_586, %get3A_587] {strides = array<i32>} : memref<200x128xf32, #tpu.memory_space<vmem>>, vector<1x16xf32>,
        %get3A_589 = vector.shape_cast %get3A_588 : vector<1x16xf32> to vector<16xf32>
        %swap3A_590 = arith.index_cast %add3A_567 : i32 to index
        %swap3A_591 = arith.constant 32 : index
        %swap3A_592 = tpu.vector_load %arg9[%swap3A_590, %swap3A_591] {strides = array<i32>} : memref<200x128xf32, #tpu.memory_space<vmem>>, vector<1x16xf32>,
        %swap3A_593 = vector.shape_cast %swap3A_592 : vector<1x16xf32> to vector<16xf32>
        %swap3A_594 = vector.shape_cast %get3A_589 : vector<16xf32> to vector<1x16xf32>
        tpu.vector_store %arg9[%swap3A_590, %swap3A_591], %swap3A_594 {add = true, strides = array<i32>} : memref<200x128xf32, #tpu.memory_space<vmem>>, vector<1x16xf32>,
        %get3A_595 = arith.index_cast %add3A_567 : i32 to index
        %get3A_596 = arith.constant 48 : index
        %get3A_597 = tpu.vector_load %arg7[%get3A_595, %get3A_596] {strides = array<i32>} : memref<200x128xf32, #tpu.memory_space<vmem>>, vector<1x16xf32>,
        %get3A_598 = vector.shape_cast %get3A_597 : vector<1x16xf32> to vector<16xf32>
        %swap3A_599 = arith.index_cast %add3A_567 : i32 to index
        %swap3A_600 = arith.constant 48 : index
        %swap3A_601 = tpu.vector_load %arg9[%swap3A_599, %swap3A_600] {strides = array<i32>} : memref<200x128xf32, #tpu.memory_space<vmem>>, vector<1x16xf32>,
        %swap3A_602 = vector.shape_cast %swap3A_601 : vector<1x16xf32> to vector<16xf32>
        %swap3A_603 = vector.shape_cast %get3A_598 : vector<16xf32> to vector<1x16xf32>
        tpu.vector_store %arg9[%swap3A_599, %swap3A_600], %swap3A_603 {add = true, strides = array<i32>} : memref<200x128xf32, #tpu.memory_space<vmem>>, vector<1x16xf32>,
        %get3A_604 = arith.index_cast %add3A_567 : i32 to index
        %get3A_605 = arith.constant 64 : index
        %get3A_606 = tpu.vector_load %arg7[%get3A_604, %get3A_605] {strides = array<i32>} : memref<200x128xf32, #tpu.memory_space<vmem>>, vector<1x16xf32>,
        %get3A_607 = vector.shape_cast %get3A_606 : vector<1x16xf32> to vector<16xf32>
        %swap3A_608 = arith.index_cast %add3A_567 : i32 to index
        %swap3A_609 = arith.constant 64 : index
        %swap3A_610 = tpu.vector_load %arg9[%swap3A_608, %swap3A_609] {strides = array<i32>} : memref<200x128xf32, #tpu.memory_space<vmem>>, vector<1x16xf32>,
        %swap3A_611 = vector.shape_cast %swap3A_610 : vector<1x16xf32> to vector<16xf32>
        %swap3A_612 = vector.shape_cast %get3A_607 : vector<16xf32> to vector<1x16xf32>
        tpu.vector_store %arg9[%swap3A_608, %swap3A_609], %swap3A_612 {add = true, strides = array<i32>} : memref<200x128xf32, #tpu.memory_space<vmem>>, vector<1x16xf32>,
        %get3A_613 = arith.index_cast %add3A_567 : i32 to index
        %get3A_614 = arith.constant 80 : index
        %get3A_615 = tpu.vector_load %arg7[%get3A_613, %get3A_614] {strides = array<i32>} : memref<200x128xf32, #tpu.memory_space<vmem>>, vector<1x16xf32>,
        %get3A_616 = vector.shape_cast %get3A_615 : vector<1x16xf32> to vector<16xf32>
        %swap3A_617 = arith.index_cast %add3A_567 : i32 to index
        %swap3A_618 = arith.constant 80 : index
        %swap3A_619 = tpu.vector_load %arg9[%swap3A_617, %swap3A_618] {strides = array<i32>} : memref<200x128xf32, #tpu.memory_space<vmem>>, vector<1x16xf32>,
        %swap3A_620 = vector.shape_cast %swap3A_619 : vector<1x16xf32> to vector<16xf32>
        %swap3A_621 = vector.shape_cast %get3A_616 : vector<16xf32> to vector<1x16xf32>
        tpu.vector_store %arg9[%swap3A_617, %swap3A_618], %swap3A_621 {add = true, strides = array<i32>} : memref<200x128xf32, #tpu.memory_space<vmem>>, vector<1x16xf32>,
        %get3A_622 = arith.index_cast %add3A_567 : i32 to index
        %get3A_623 = arith.constant 96 : index
        %get3A_624 = tpu.vector_load %arg7[%get3A_622, %get3A_623] {strides = array<i32>} : memref<200x128xf32, #tpu.memory_space<vmem>>, vector<1x16xf32>,
        %get3A_625 = vector.shape_cast %get3A_624 : vector<1x16xf32> to vector<16xf32>
        %swap3A_626 = arith.index_cast %add3A_567 : i32 to index
        %swap3A_627 = arith.constant 96 : index
        %swap3A_628 = tpu.vector_load %arg9[%swap3A_626, %swap3A_627] {strides = array<i32>} : memref<200x128xf32, #tpu.memory_space<vmem>>, vector<1x16xf32>,
        %swap3A_629 = vector.shape_cast %swap3A_628 : vector<1x16xf32> to vector<16xf32>
        %swap3A_630 = vector.shape_cast %get3A_625 : vector<16xf32> to vector<1x16xf32>
        tpu.vector_store %arg9[%swap3A_626, %swap3A_627], %swap3A_630 {add = true, strides = array<i32>} : memref<200x128xf32, #tpu.memory_space<vmem>>, vector<1x16xf32>,
        %get3A_631 = arith.index_cast %add3A_567 : i32 to index
        %get3A_632 = arith.constant 112 : index
        %get3A_633 = tpu.vector_load %arg7[%get3A_631, %get3A_632] {strides = array<i32>} : memref<200x128xf32, #tpu.memory_space<vmem>>, vector<1x16xf32>,
        %get3A_634 = vector.shape_cast %get3A_633 : vector<1x16xf32> to vector<16xf32>
        %swap3A_635 = arith.index_cast %add3A_567 : i32 to index
        %swap3A_636 = arith.constant 112 : index
        %swap3A_637 = tpu.vector_load %arg9[%swap3A_635, %swap3A_636] {strides = array<i32>} : memref<200x128xf32, #tpu.memory_space<vmem>>, vector<1x16xf32>,
        %swap3A_638 = vector.shape_cast %swap3A_637 : vector<1x16xf32> to vector<16xf32>
        %swap3A_639 = vector.shape_cast %get3A_634 : vector<16xf32> to vector<1x16xf32>
        tpu.vector_store %arg9[%swap3A_635, %swap3A_636], %swap3A_639 {add = true, strides = array<i32>} : memref<200x128xf32, #tpu.memory_space<vmem>>, vector<1x16xf32>,
      }
      %scan3A_412 = arith.constant 100 : i32
      %mul3A_413 = arith.constant 200 : i32
      %mul3A_414 = arith.muli %add3A_356, %mul3A_413 : i32
      %add3A_415 = arith.addi %mul3A_2, %mul3A_414 : i32
      %multiple_of3A_416 = tpu.assume_multiple %add3A_415, 8 : i32
      %dma_start3A_417 = arith.constant 0 : i32
      %dma_start3A_418 = tpu.memref_slice %arg5[%multiple_of3A_416, %dma_start3A_417] : memref<819200x128xf32, #tpu.memory_space<hbm>> -> memref<200x128xf32, #tpu.memory_space<hbm>>
      %dma_start3A_419 = arith.constant 0 : i32
      %dma_start3A_420 = tpu.memref_slice %arg5[%multiple_of3A_416, %dma_start3A_419] : memref<819200x128xf32, #tpu.memory_space<hbm>> -> memref<200x128xf32, #tpu.memory_space<hbm>>
      tpu.enqueue_dma source(%arg9 : memref<200x128xf32, #tpu.memory_space<vmem>>) target(%dma_start3A_420 : memref<200x128xf32, #tpu.memory_space<hbm>>) target_semaphore(%arg15 : memref<!tpu.dma_semaphore, #tpu.memory_space<semaphore_mem>>)
      %mul3A_421 = arith.constant 3 : i32
      %mul3A_422 = arith.muli %scan3A_285, %mul3A_421 : i32
      %add3A_423 = arith.constant 2 : i32
      %add3A_424 = arith.addi %mul3A_422, %add3A_423 : i32
      %add3A_425 = arith.constant 1 : i32
      %add3A_426 = arith.addi %add3A_424, %add3A_425 : i32
      %sub3A_427 = arith.constant 3 : i32
      %sub3A_428 = arith.subi %add3A_426, %sub3A_427 : i32
      %mul3A_429 = arith.constant 200 : i32
      %mul3A_430 = arith.muli %sub3A_428, %mul3A_429 : i32
      %add3A_431 = arith.addi %mul3A_2, %mul3A_430 : i32
      %multiple_of3A_432 = tpu.assume_multiple %add3A_431, 8 : i32
      %dma_wait3A_433 = arith.constant 0 : i32
      %dma_wait3A_434 = tpu.memref_slice %arg5[%multiple_of3A_432, %dma_wait3A_433] : memref<819200x128xf32, #tpu.memory_space<hbm>> -> memref<200x128xf32, #tpu.memory_space<hbm>>
      %dma_wait3A_435 = arith.constant 0 : i32
      %dma_wait3A_436 = tpu.memref_slice %arg5[%multiple_of3A_432, %dma_wait3A_435] : memref<819200x128xf32, #tpu.memory_space<hbm>> -> memref<200x128xf32, #tpu.memory_space<hbm>>
      tpu.wait_dma2 semaphore(%arg14 : memref<!tpu.dma_semaphore, #tpu.memory_space<semaphore_mem>>) src(%arg8 : memref<200x128xf32, #tpu.memory_space<vmem>>) dst(%dma_wait3A_436 : memref<200x128xf32, #tpu.memory_space<hbm>>)
      %mul3A_437 = arith.constant 200 : i32
      %mul3A_438 = arith.muli %add3A_426, %mul3A_437 : i32
      %multiple_of3A_439 = tpu.assume_multiple %mul3A_438, 8 : i32
      %add3A_440 = arith.constant 128 : i32
      %add3A_441 = arith.addi %multiple_of3A_439, %add3A_440 : i32
      %dma_start3A_442 = arith.constant 0 : i32
      %dma_start3A_443 = arith.constant 0 : i32
      %dma_start3A_444 = tpu.memref_slice %arg8[%dma_start3A_442, %dma_start3A_443] : memref<200x128xf32, #tpu.memory_space<vmem>> -> memref<128x128xf32, #tpu.memory_space<vmem>>
      %dma_start3A_445 = tpu.memref_slice %arg6[%multiple_of3A_439] : memref<25600xi32, #tpu.memory_space<vmem>> -> memref<128xi32, #tpu.memory_space<vmem>>
      %dma_start3A_446 = arith.constant 0 : i32
      %dma_start3A_447 = arith.constant 0 : i32
      %dma_start3A_448 = tpu.memref_slice %arg3[%dma_start3A_446, %dma_start3A_447] : memref<1000x128xf32, #tpu.memory_space<hbm>> -> memref<1000x128xf32, #tpu.memory_space<hbm>>
      tpu.enqueue_indirect_dma source(%dma_start3A_448 : memref<1000x128xf32, #tpu.memory_space<hbm>>) target(%dma_start3A_444 : memref<128x128xf32, #tpu.memory_space<vmem>>) offsets(%dma_start3A_445 : memref<128xi32, #tpu.memory_space<vmem>>) semaphore(%arg11 : memref<!tpu.dma_semaphore, #tpu.memory_space<semaphore_mem>>)
      %dma_start3A_449 = arith.constant 128 : i32
      %dma_start3A_450 = arith.constant 0 : i32
      %dma_start3A_451 = tpu.memref_slice %arg8[%dma_start3A_449, %dma_start3A_450] : memref<200x128xf32, #tpu.memory_space<vmem>> -> memref<72x128xf32, #tpu.memory_space<vmem>>
      %dma_start3A_452 = tpu.memref_slice %arg6[%add3A_441] : memref<25600xi32, #tpu.memory_space<vmem>> -> memref<72xi32, #tpu.memory_space<vmem>>
      %dma_start3A_453 = arith.constant 0 : i32
      %dma_start3A_454 = arith.constant 0 : i32
      %dma_start3A_455 = tpu.memref_slice %arg3[%dma_start3A_453, %dma_start3A_454] : memref<1000x128xf32, #tpu.memory_space<hbm>> -> memref<1000x128xf32, #tpu.memory_space<hbm>>
      tpu.enqueue_indirect_dma source(%dma_start3A_455 : memref<1000x128xf32, #tpu.memory_space<hbm>>) target(%dma_start3A_451 : memref<72x128xf32, #tpu.memory_space<vmem>>) offsets(%dma_start3A_452 : memref<72xi32, #tpu.memory_space<vmem>>) semaphore(%arg11 : memref<!tpu.dma_semaphore, #tpu.memory_space<semaphore_mem>>)
      %mul3A_456 = arith.constant 200 : i32
      %mul3A_457 = arith.muli %add3A_424, %mul3A_456 : i32
      %multiple_of3A_458 = tpu.assume_multiple %mul3A_457, 8 : i32
      %add3A_459 = arith.constant 128 : i32
      %add3A_460 = arith.addi %multiple_of3A_458, %add3A_459 : i32
      %dma_wait3A_461 = arith.constant 0 : i32
      %dma_wait3A_462 = arith.constant 0 : i32
      %dma_wait3A_463 = tpu.memref_slice %arg10[%dma_wait3A_461, %dma_wait3A_462] : memref<200x128xf32, #tpu.memory_space<vmem>> -> memref<128x128xf32, #tpu.memory_space<vmem>>
      %dma_wait3A_464 = tpu.memref_slice %arg6[%multiple_of3A_458] : memref<25600xi32, #tpu.memory_space<vmem>> -> memref<128xi32, #tpu.memory_space<vmem>>
      %dma_wait3A_465 = arith.constant 0 : i32
      %dma_wait3A_466 = arith.constant 0 : i32
      %dma_wait3A_467 = tpu.memref_slice %arg3[%dma_wait3A_465, %dma_wait3A_466] : memref<1000x128xf32, #tpu.memory_space<hbm>> -> memref<1000x128xf32, #tpu.memory_space<hbm>>
      tpu.wait_indirect_dma semaphore(%arg13 : memref<!tpu.dma_semaphore, #tpu.memory_space<semaphore_mem>>) src(%dma_wait3A_467 : memref<1000x128xf32, #tpu.memory_space<hbm>>) dst(%dma_wait3A_463 : memref<128x128xf32, #tpu.memory_space<vmem>>)
      %dma_wait3A_468 = arith.constant 128 : i32
      %dma_wait3A_469 = arith.constant 0 : i32
      %dma_wait3A_470 = tpu.memref_slice %arg10[%dma_wait3A_468, %dma_wait3A_469] : memref<200x128xf32, #tpu.memory_space<vmem>> -> memref<72x128xf32, #tpu.memory_space<vmem>>
      %dma_wait3A_471 = tpu.memref_slice %arg6[%add3A_460] : memref<25600xi32, #tpu.memory_space<vmem>> -> memref<72xi32, #tpu.memory_space<vmem>>
      %dma_wait3A_472 = arith.constant 0 : i32
      %dma_wait3A_473 = arith.constant 0 : i32
      %dma_wait3A_474 = tpu.memref_slice %arg3[%dma_wait3A_472, %dma_wait3A_473] : memref<1000x128xf32, #tpu.memory_space<hbm>> -> memref<1000x128xf32, #tpu.memory_space<hbm>>
      tpu.wait_indirect_dma semaphore(%arg13 : memref<!tpu.dma_semaphore, #tpu.memory_space<semaphore_mem>>) src(%dma_wait3A_474 : memref<1000x128xf32, #tpu.memory_space<hbm>>) dst(%dma_wait3A_470 : memref<72x128xf32, #tpu.memory_space<vmem>>)
      %scan3A_475 = arith.constant 0 : i32
      %scan3A_476 = arith.constant 0 : i32
      %scan3A_477 = arith.constant 100 : i32
      %scan3A_478 = arith.addi %scan3A_476, %scan3A_477 : i32
      %scan3A_479 = arith.constant 1 : i32
      scf.for %scan3A_489 = %scan3A_476 to %scan3A_478 step %scan3A_479  : i32 {
        %mul3A_490 = arith.constant 2 : i32
        %mul3A_491 = arith.muli %scan3A_489, %mul3A_490 : i32
        %add3A_492 = arith.constant 0 : i32
        %add3A_493 = arith.addi %mul3A_491, %add3A_492 : i32
        %get3A = arith.index_cast %add3A_493 : i32 to index
        %get3A_494 = arith.constant 0 : index
        %get3A_495 = tpu.vector_load %arg7[%get3A, %get3A_494] {strides = array<i32>} : memref<200x128xf32, #tpu.memory_space<vmem>>, vector<1x16xf32>,
        %get3A_496 = vector.shape_cast %get3A_495 : vector<1x16xf32> to vector<16xf32>
        %swap3A = arith.index_cast %add3A_493 : i32 to index
        %swap3A_497 = arith.constant 0 : index
        %swap3A_498 = tpu.vector_load %arg10[%swap3A, %swap3A_497] {strides = array<i32>} : memref<200x128xf32, #tpu.memory_space<vmem>>, vector<1x16xf32>,
        %swap3A_499 = vector.shape_cast %swap3A_498 : vector<1x16xf32> to vector<16xf32>
        %swap3A_500 = vector.shape_cast %get3A_496 : vector<16xf32> to vector<1x16xf32>
        tpu.vector_store %arg10[%swap3A, %swap3A_497], %swap3A_500 {add = true, strides = array<i32>} : memref<200x128xf32, #tpu.memory_space<vmem>>, vector<1x16xf32>,
        %get3A_501 = arith.index_cast %add3A_493 : i32 to index
        %get3A_502 = arith.constant 16 : index
        %get3A_503 = tpu.vector_load %arg7[%get3A_501, %get3A_502] {strides = array<i32>} : memref<200x128xf32, #tpu.memory_space<vmem>>, vector<1x16xf32>,
        %get3A_504 = vector.shape_cast %get3A_503 : vector<1x16xf32> to vector<16xf32>
        %swap3A_505 = arith.index_cast %add3A_493 : i32 to index
        %swap3A_506 = arith.constant 16 : index
        %swap3A_507 = tpu.vector_load %arg10[%swap3A_505, %swap3A_506] {strides = array<i32>} : memref<200x128xf32, #tpu.memory_space<vmem>>, vector<1x16xf32>,
        %swap3A_508 = vector.shape_cast %swap3A_507 : vector<1x16xf32> to vector<16xf32>
        %swap3A_509 = vector.shape_cast %get3A_504 : vector<16xf32> to vector<1x16xf32>
        tpu.vector_store %arg10[%swap3A_505, %swap3A_506], %swap3A_509 {add = true, strides = array<i32>} : memref<200x128xf32, #tpu.memory_space<vmem>>, vector<1x16xf32>,
        %get3A_510 = arith.index_cast %add3A_493 : i32 to index
        %get3A_511 = arith.constant 32 : index
        %get3A_512 = tpu.vector_load %arg7[%get3A_510, %get3A_511] {strides = array<i32>} : memref<200x128xf32, #tpu.memory_space<vmem>>, vector<1x16xf32>,
        %get3A_513 = vector.shape_cast %get3A_512 : vector<1x16xf32> to vector<16xf32>
        %swap3A_514 = arith.index_cast %add3A_493 : i32 to index
        %swap3A_515 = arith.constant 32 : index
        %swap3A_516 = tpu.vector_load %arg10[%swap3A_514, %swap3A_515] {strides = array<i32>} : memref<200x128xf32, #tpu.memory_space<vmem>>, vector<1x16xf32>,
        %swap3A_517 = vector.shape_cast %swap3A_516 : vector<1x16xf32> to vector<16xf32>
        %swap3A_518 = vector.shape_cast %get3A_513 : vector<16xf32> to vector<1x16xf32>
        tpu.vector_store %arg10[%swap3A_514, %swap3A_515], %swap3A_518 {add = true, strides = array<i32>} : memref<200x128xf32, #tpu.memory_space<vmem>>, vector<1x16xf32>,
        %get3A_519 = arith.index_cast %add3A_493 : i32 to index
        %get3A_520 = arith.constant 48 : index
        %get3A_521 = tpu.vector_load %arg7[%get3A_519, %get3A_520] {strides = array<i32>} : memref<200x128xf32, #tpu.memory_space<vmem>>, vector<1x16xf32>,
        %get3A_522 = vector.shape_cast %get3A_521 : vector<1x16xf32> to vector<16xf32>
        %swap3A_523 = arith.index_cast %add3A_493 : i32 to index
        %swap3A_524 = arith.constant 48 : index
        %swap3A_525 = tpu.vector_load %arg10[%swap3A_523, %swap3A_524] {strides = array<i32>} : memref<200x128xf32, #tpu.memory_space<vmem>>, vector<1x16xf32>,
        %swap3A_526 = vector.shape_cast %swap3A_525 : vector<1x16xf32> to vector<16xf32>
        %swap3A_527 = vector.shape_cast %get3A_522 : vector<16xf32> to vector<1x16xf32>
        tpu.vector_store %arg10[%swap3A_523, %swap3A_524], %swap3A_527 {add = true, strides = array<i32>} : memref<200x128xf32, #tpu.memory_space<vmem>>, vector<1x16xf32>,
        %get3A_528 = arith.index_cast %add3A_493 : i32 to index
        %get3A_529 = arith.constant 64 : index
        %get3A_530 = tpu.vector_load %arg7[%get3A_528, %get3A_529] {strides = array<i32>} : memref<200x128xf32, #tpu.memory_space<vmem>>, vector<1x16xf32>,
        %get3A_531 = vector.shape_cast %get3A_530 : vector<1x16xf32> to vector<16xf32>
        %swap3A_532 = arith.index_cast %add3A_493 : i32 to index
        %swap3A_533 = arith.constant 64 : index
        %swap3A_534 = tpu.vector_load %arg10[%swap3A_532, %swap3A_533] {strides = array<i32>} : memref<200x128xf32, #tpu.memory_space<vmem>>, vector<1x16xf32>,
        %swap3A_535 = vector.shape_cast %swap3A_534 : vector<1x16xf32> to vector<16xf32>
        %swap3A_536 = vector.shape_cast %get3A_531 : vector<16xf32> to vector<1x16xf32>
        tpu.vector_store %arg10[%swap3A_532, %swap3A_533], %swap3A_536 {add = true, strides = array<i32>} : memref<200x128xf32, #tpu.memory_space<vmem>>, vector<1x16xf32>,
        %get3A_537 = arith.index_cast %add3A_493 : i32 to index
        %get3A_538 = arith.constant 80 : index
        %get3A_539 = tpu.vector_load %arg7[%get3A_537, %get3A_538] {strides = array<i32>} : memref<200x128xf32, #tpu.memory_space<vmem>>, vector<1x16xf32>,
        %get3A_540 = vector.shape_cast %get3A_539 : vector<1x16xf32> to vector<16xf32>
        %swap3A_541 = arith.index_cast %add3A_493 : i32 to index
        %swap3A_542 = arith.constant 80 : index
        %swap3A_543 = tpu.vector_load %arg10[%swap3A_541, %swap3A_542] {strides = array<i32>} : memref<200x128xf32, #tpu.memory_space<vmem>>, vector<1x16xf32>,
        %swap3A_544 = vector.shape_cast %swap3A_543 : vector<1x16xf32> to vector<16xf32>
        %swap3A_545 = vector.shape_cast %get3A_540 : vector<16xf32> to vector<1x16xf32>
        tpu.vector_store %arg10[%swap3A_541, %swap3A_542], %swap3A_545 {add = true, strides = array<i32>} : memref<200x128xf32, #tpu.memory_space<vmem>>, vector<1x16xf32>,
        %get3A_546 = arith.index_cast %add3A_493 : i32 to index
        %get3A_547 = arith.constant 96 : index
        %get3A_548 = tpu.vector_load %arg7[%get3A_546, %get3A_547] {strides = array<i32>} : memref<200x128xf32, #tpu.memory_space<vmem>>, vector<1x16xf32>,
        %get3A_549 = vector.shape_cast %get3A_548 : vector<1x16xf32> to vector<16xf32>
        %swap3A_550 = arith.index_cast %add3A_493 : i32 to index
        %swap3A_551 = arith.constant 96 : index
        %swap3A_552 = tpu.vector_load %arg10[%swap3A_550, %swap3A_551] {strides = array<i32>} : memref<200x128xf32, #tpu.memory_space<vmem>>, vector<1x16xf32>,
        %swap3A_553 = vector.shape_cast %swap3A_552 : vector<1x16xf32> to vector<16xf32>
        %swap3A_554 = vector.shape_cast %get3A_549 : vector<16xf32> to vector<1x16xf32>
        tpu.vector_store %arg10[%swap3A_550, %swap3A_551], %swap3A_554 {add = true, strides = array<i32>} : memref<200x128xf32, #tpu.memory_space<vmem>>, vector<1x16xf32>,
        %get3A_555 = arith.index_cast %add3A_493 : i32 to index
        %get3A_556 = arith.constant 112 : index
        %get3A_557 = tpu.vector_load %arg7[%get3A_555, %get3A_556] {strides = array<i32>} : memref<200x128xf32, #tpu.memory_space<vmem>>, vector<1x16xf32>,
        %get3A_558 = vector.shape_cast %get3A_557 : vector<1x16xf32> to vector<16xf32>
        %swap3A_559 = arith.index_cast %add3A_493 : i32 to index
        %swap3A_560 = arith.constant 112 : index
        %swap3A_561 = tpu.vector_load %arg10[%swap3A_559, %swap3A_560] {strides = array<i32>} : memref<200x128xf32, #tpu.memory_space<vmem>>, vector<1x16xf32>,
        %swap3A_562 = vector.shape_cast %swap3A_561 : vector<1x16xf32> to vector<16xf32>
        %swap3A_563 = vector.shape_cast %get3A_558 : vector<16xf32> to vector<1x16xf32>
        tpu.vector_store %arg10[%swap3A_559, %swap3A_560], %swap3A_563 {add = true, strides = array<i32>} : memref<200x128xf32, #tpu.memory_space<vmem>>, vector<1x16xf32>,
        %mul3A_564 = arith.constant 2 : i32
        %mul3A_565 = arith.muli %scan3A_489, %mul3A_564 : i32
        %add3A_566 = arith.constant 1 : i32
        %add3A_567 = arith.addi %mul3A_565, %add3A_566 : i32
        %get3A_568 = arith.index_cast %add3A_567 : i32 to index
        %get3A_569 = arith.constant 0 : index
        %get3A_570 = tpu.vector_load %arg7[%get3A_568, %get3A_569] {strides = array<i32>} : memref<200x128xf32, #tpu.memory_space<vmem>>, vector<1x16xf32>,
        %get3A_571 = vector.shape_cast %get3A_570 : vector<1x16xf32> to vector<16xf32>
        %swap3A_572 = arith.index_cast %add3A_567 : i32 to index
        %swap3A_573 = arith.constant 0 : index
        %swap3A_574 = tpu.vector_load %arg10[%swap3A_572, %swap3A_573] {strides = array<i32>} : memref<200x128xf32, #tpu.memory_space<vmem>>, vector<1x16xf32>,
        %swap3A_575 = vector.shape_cast %swap3A_574 : vector<1x16xf32> to vector<16xf32>
        %swap3A_576 = vector.shape_cast %get3A_571 : vector<16xf32> to vector<1x16xf32>
        tpu.vector_store %arg10[%swap3A_572, %swap3A_573], %swap3A_576 {add = true, strides = array<i32>} : memref<200x128xf32, #tpu.memory_space<vmem>>, vector<1x16xf32>,
        %get3A_577 = arith.index_cast %add3A_567 : i32 to index
        %get3A_578 = arith.constant 16 : index
        %get3A_579 = tpu.vector_load %arg7[%get3A_577, %get3A_578] {strides = array<i32>} : memref<200x128xf32, #tpu.memory_space<vmem>>, vector<1x16xf32>,
        %get3A_580 = vector.shape_cast %get3A_579 : vector<1x16xf32> to vector<16xf32>
        %swap3A_581 = arith.index_cast %add3A_567 : i32 to index
        %swap3A_582 = arith.constant 16 : index
        %swap3A_583 = tpu.vector_load %arg10[%swap3A_581, %swap3A_582] {strides = array<i32>} : memref<200x128xf32, #tpu.memory_space<vmem>>, vector<1x16xf32>,
        %swap3A_584 = vector.shape_cast %swap3A_583 : vector<1x16xf32> to vector<16xf32>
        %swap3A_585 = vector.shape_cast %get3A_580 : vector<16xf32> to vector<1x16xf32>
        tpu.vector_store %arg10[%swap3A_581, %swap3A_582], %swap3A_585 {add = true, strides = array<i32>} : memref<200x128xf32, #tpu.memory_space<vmem>>, vector<1x16xf32>,
        %get3A_586 = arith.index_cast %add3A_567 : i32 to index
        %get3A_587 = arith.constant 32 : index
        %get3A_588 = tpu.vector_load %arg7[%get3A_586, %get3A_587] {strides = array<i32>} : memref<200x128xf32, #tpu.memory_space<vmem>>, vector<1x16xf32>,
        %get3A_589 = vector.shape_cast %get3A_588 : vector<1x16xf32> to vector<16xf32>
        %swap3A_590 = arith.index_cast %add3A_567 : i32 to index
        %swap3A_591 = arith.constant 32 : index
        %swap3A_592 = tpu.vector_load %arg10[%swap3A_590, %swap3A_591] {strides = array<i32>} : memref<200x128xf32, #tpu.memory_space<vmem>>, vector<1x16xf32>,
        %swap3A_593 = vector.shape_cast %swap3A_592 : vector<1x16xf32> to vector<16xf32>
        %swap3A_594 = vector.shape_cast %get3A_589 : vector<16xf32> to vector<1x16xf32>
        tpu.vector_store %arg10[%swap3A_590, %swap3A_591], %swap3A_594 {add = true, strides = array<i32>} : memref<200x128xf32, #tpu.memory_space<vmem>>, vector<1x16xf32>,
        %get3A_595 = arith.index_cast %add3A_567 : i32 to index
        %get3A_596 = arith.constant 48 : index
        %get3A_597 = tpu.vector_load %arg7[%get3A_595, %get3A_596] {strides = array<i32>} : memref<200x128xf32, #tpu.memory_space<vmem>>, vector<1x16xf32>,
        %get3A_598 = vector.shape_cast %get3A_597 : vector<1x16xf32> to vector<16xf32>
        %swap3A_599 = arith.index_cast %add3A_567 : i32 to index
        %swap3A_600 = arith.constant 48 : index
        %swap3A_601 = tpu.vector_load %arg10[%swap3A_599, %swap3A_600] {strides = array<i32>} : memref<200x128xf32, #tpu.memory_space<vmem>>, vector<1x16xf32>,
        %swap3A_602 = vector.shape_cast %swap3A_601 : vector<1x16xf32> to vector<16xf32>
        %swap3A_603 = vector.shape_cast %get3A_598 : vector<16xf32> to vector<1x16xf32>
        tpu.vector_store %arg10[%swap3A_599, %swap3A_600], %swap3A_603 {add = true, strides = array<i32>} : memref<200x128xf32, #tpu.memory_space<vmem>>, vector<1x16xf32>,
        %get3A_604 = arith.index_cast %add3A_567 : i32 to index
        %get3A_605 = arith.constant 64 : index
        %get3A_606 = tpu.vector_load %arg7[%get3A_604, %get3A_605] {strides = array<i32>} : memref<200x128xf32, #tpu.memory_space<vmem>>, vector<1x16xf32>,
        %get3A_607 = vector.shape_cast %get3A_606 : vector<1x16xf32> to vector<16xf32>
        %swap3A_608 = arith.index_cast %add3A_567 : i32 to index
        %swap3A_609 = arith.constant 64 : index
        %swap3A_610 = tpu.vector_load %arg10[%swap3A_608, %swap3A_609] {strides = array<i32>} : memref<200x128xf32, #tpu.memory_space<vmem>>, vector<1x16xf32>,
        %swap3A_611 = vector.shape_cast %swap3A_610 : vector<1x16xf32> to vector<16xf32>
        %swap3A_612 = vector.shape_cast %get3A_607 : vector<16xf32> to vector<1x16xf32>
        tpu.vector_store %arg10[%swap3A_608, %swap3A_609], %swap3A_612 {add = true, strides = array<i32>} : memref<200x128xf32, #tpu.memory_space<vmem>>, vector<1x16xf32>,
        %get3A_613 = arith.index_cast %add3A_567 : i32 to index
        %get3A_614 = arith.constant 80 : index
        %get3A_615 = tpu.vector_load %arg7[%get3A_613, %get3A_614] {strides = array<i32>} : memref<200x128xf32, #tpu.memory_space<vmem>>, vector<1x16xf32>,
        %get3A_616 = vector.shape_cast %get3A_615 : vector<1x16xf32> to vector<16xf32>
        %swap3A_617 = arith.index_cast %add3A_567 : i32 to index
        %swap3A_618 = arith.constant 80 : index
        %swap3A_619 = tpu.vector_load %arg10[%swap3A_617, %swap3A_618] {strides = array<i32>} : memref<200x128xf32, #tpu.memory_space<vmem>>, vector<1x16xf32>,
        %swap3A_620 = vector.shape_cast %swap3A_619 : vector<1x16xf32> to vector<16xf32>
        %swap3A_621 = vector.shape_cast %get3A_616 : vector<16xf32> to vector<1x16xf32>
        tpu.vector_store %arg10[%swap3A_617, %swap3A_618], %swap3A_621 {add = true, strides = array<i32>} : memref<200x128xf32, #tpu.memory_space<vmem>>, vector<1x16xf32>,
        %get3A_622 = arith.index_cast %add3A_567 : i32 to index
        %get3A_623 = arith.constant 96 : index
        %get3A_624 = tpu.vector_load %arg7[%get3A_622, %get3A_623] {strides = array<i32>} : memref<200x128xf32, #tpu.memory_space<vmem>>, vector<1x16xf32>,
        %get3A_625 = vector.shape_cast %get3A_624 : vector<1x16xf32> to vector<16xf32>
        %swap3A_626 = arith.index_cast %add3A_567 : i32 to index
        %swap3A_627 = arith.constant 96 : index
        %swap3A_628 = tpu.vector_load %arg10[%swap3A_626, %swap3A_627] {strides = array<i32>} : memref<200x128xf32, #tpu.memory_space<vmem>>, vector<1x16xf32>,
        %swap3A_629 = vector.shape_cast %swap3A_628 : vector<1x16xf32> to vector<16xf32>
        %swap3A_630 = vector.shape_cast %get3A_625 : vector<16xf32> to vector<1x16xf32>
        tpu.vector_store %arg10[%swap3A_626, %swap3A_627], %swap3A_630 {add = true, strides = array<i32>} : memref<200x128xf32, #tpu.memory_space<vmem>>, vector<1x16xf32>,
        %get3A_631 = arith.index_cast %add3A_567 : i32 to index
        %get3A_632 = arith.constant 112 : index
        %get3A_633 = tpu.vector_load %arg7[%get3A_631, %get3A_632] {strides = array<i32>} : memref<200x128xf32, #tpu.memory_space<vmem>>, vector<1x16xf32>,
        %get3A_634 = vector.shape_cast %get3A_633 : vector<1x16xf32> to vector<16xf32>
        %swap3A_635 = arith.index_cast %add3A_567 : i32 to index
        %swap3A_636 = arith.constant 112 : index
        %swap3A_637 = tpu.vector_load %arg10[%swap3A_635, %swap3A_636] {strides = array<i32>} : memref<200x128xf32, #tpu.memory_space<vmem>>, vector<1x16xf32>,
        %swap3A_638 = vector.shape_cast %swap3A_637 : vector<1x16xf32> to vector<16xf32>
        %swap3A_639 = vector.shape_cast %get3A_634 : vector<16xf32> to vector<1x16xf32>
        tpu.vector_store %arg10[%swap3A_635, %swap3A_636], %swap3A_639 {add = true, strides = array<i32>} : memref<200x128xf32, #tpu.memory_space<vmem>>, vector<1x16xf32>,
      }
      %scan3A_480 = arith.constant 100 : i32
      %mul3A_481 = arith.constant 200 : i32
      %mul3A_482 = arith.muli %add3A_424, %mul3A_481 : i32
      %add3A_483 = arith.addi %mul3A_2, %mul3A_482 : i32
      %multiple_of3A_484 = tpu.assume_multiple %add3A_483, 8 : i32
      %dma_start3A_485 = arith.constant 0 : i32
      %dma_start3A_486 = tpu.memref_slice %arg5[%multiple_of3A_484, %dma_start3A_485] : memref<819200x128xf32, #tpu.memory_space<hbm>> -> memref<200x128xf32, #tpu.memory_space<hbm>>
      %dma_start3A_487 = arith.constant 0 : i32
      %dma_start3A_488 = tpu.memref_slice %arg5[%multiple_of3A_484, %dma_start3A_487] : memref<819200x128xf32, #tpu.memory_space<hbm>> -> memref<200x128xf32, #tpu.memory_space<hbm>>
      tpu.enqueue_dma source(%arg10 : memref<200x128xf32, #tpu.memory_space<vmem>>) target(%dma_start3A_488 : memref<200x128xf32, #tpu.memory_space<hbm>>) target_semaphore(%arg16 : memref<!tpu.dma_semaphore, #tpu.memory_space<semaphore_mem>>)
    }
    %scan3A_176 = arith.constant 41 : i32
    %add3A_177 = arith.constant 24800 : i32
    %add3A_178 = arith.addi %mul3A_2, %add3A_177 : i32
    %multiple_of3A_179 = tpu.assume_multiple %add3A_178, 8 : i32
    %dma_wait3A_180 = arith.constant 0 : i32
    %dma_wait3A_181 = tpu.memref_slice %arg5[%multiple_of3A_179, %dma_wait3A_180] : memref<819200x128xf32, #tpu.memory_space<hbm>> -> memref<200x128xf32, #tpu.memory_space<hbm>>
    %dma_wait3A_182 = arith.constant 0 : i32
    %dma_wait3A_183 = tpu.memref_slice %arg5[%multiple_of3A_179, %dma_wait3A_182] : memref<819200x128xf32, #tpu.memory_space<hbm>> -> memref<200x128xf32, #tpu.memory_space<hbm>>
    tpu.wait_dma2 semaphore(%arg15 : memref<!tpu.dma_semaphore, #tpu.memory_space<semaphore_mem>>) src(%arg9 : memref<200x128xf32, #tpu.memory_space<vmem>>) dst(%dma_wait3A_183 : memref<200x128xf32, #tpu.memory_space<hbm>>)
    %multiple_of3A_184 = arith.constant 25400 : i32
    %multiple_of3A_185 = tpu.assume_multiple %multiple_of3A_184, 8 : i32
    %add3A_186 = arith.constant 128 : i32
    %add3A_187 = arith.addi %multiple_of3A_185, %add3A_186 : i32
    %dma_start3A_188 = arith.constant 0 : i32
    %dma_start3A_189 = arith.constant 0 : i32
    %dma_start3A_190 = tpu.memref_slice %arg9[%dma_start3A_188, %dma_start3A_189] : memref<200x128xf32, #tpu.memory_space<vmem>> -> memref<128x128xf32, #tpu.memory_space<vmem>>
    %dma_start3A_191 = tpu.memref_slice %arg6[%multiple_of3A_185] : memref<25600xi32, #tpu.memory_space<vmem>> -> memref<128xi32, #tpu.memory_space<vmem>>
    %dma_start3A_192 = arith.constant 0 : i32
    %dma_start3A_193 = arith.constant 0 : i32
    %dma_start3A_194 = tpu.memref_slice %arg3[%dma_start3A_192, %dma_start3A_193] : memref<1000x128xf32, #tpu.memory_space<hbm>> -> memref<1000x128xf32, #tpu.memory_space<hbm>>
    tpu.enqueue_indirect_dma source(%dma_start3A_194 : memref<1000x128xf32, #tpu.memory_space<hbm>>) target(%dma_start3A_190 : memref<128x128xf32, #tpu.memory_space<vmem>>) offsets(%dma_start3A_191 : memref<128xi32, #tpu.memory_space<vmem>>) semaphore(%arg12 : memref<!tpu.dma_semaphore, #tpu.memory_space<semaphore_mem>>)
    %dma_start3A_195 = arith.constant 128 : i32
    %dma_start3A_196 = arith.constant 0 : i32
    %dma_start3A_197 = tpu.memref_slice %arg9[%dma_start3A_195, %dma_start3A_196] : memref<200x128xf32, #tpu.memory_space<vmem>> -> memref<72x128xf32, #tpu.memory_space<vmem>>
    %dma_start3A_198 = tpu.memref_slice %arg6[%add3A_187] : memref<25600xi32, #tpu.memory_space<vmem>> -> memref<72xi32, #tpu.memory_space<vmem>>
    %dma_start3A_199 = arith.constant 0 : i32
    %dma_start3A_200 = arith.constant 0 : i32
    %dma_start3A_201 = tpu.memref_slice %arg3[%dma_start3A_199, %dma_start3A_200] : memref<1000x128xf32, #tpu.memory_space<hbm>> -> memref<1000x128xf32, #tpu.memory_space<hbm>>
    tpu.enqueue_indirect_dma source(%dma_start3A_201 : memref<1000x128xf32, #tpu.memory_space<hbm>>) target(%dma_start3A_197 : memref<72x128xf32, #tpu.memory_space<vmem>>) offsets(%dma_start3A_198 : memref<72xi32, #tpu.memory_space<vmem>>) semaphore(%arg12 : memref<!tpu.dma_semaphore, #tpu.memory_space<semaphore_mem>>)
    %multiple_of3A_202 = arith.constant 25200 : i32
    %multiple_of3A_203 = tpu.assume_multiple %multiple_of3A_202, 8 : i32
    %add3A_204 = arith.constant 128 : i32
    %add3A_205 = arith.addi %multiple_of3A_203, %add3A_204 : i32
    %dma_wait3A_206 = arith.constant 0 : i32
    %dma_wait3A_207 = arith.constant 0 : i32
    %dma_wait3A_208 = tpu.memref_slice %arg8[%dma_wait3A_206, %dma_wait3A_207] : memref<200x128xf32, #tpu.memory_space<vmem>> -> memref<128x128xf32, #tpu.memory_space<vmem>>
    %dma_wait3A_209 = tpu.memref_slice %arg6[%multiple_of3A_203] : memref<25600xi32, #tpu.memory_space<vmem>> -> memref<128xi32, #tpu.memory_space<vmem>>
    %dma_wait3A_210 = arith.constant 0 : i32
    %dma_wait3A_211 = arith.constant 0 : i32
    %dma_wait3A_212 = tpu.memref_slice %arg3[%dma_wait3A_210, %dma_wait3A_211] : memref<1000x128xf32, #tpu.memory_space<hbm>> -> memref<1000x128xf32, #tpu.memory_space<hbm>>
    tpu.wait_indirect_dma semaphore(%arg11 : memref<!tpu.dma_semaphore, #tpu.memory_space<semaphore_mem>>) src(%dma_wait3A_212 : memref<1000x128xf32, #tpu.memory_space<hbm>>) dst(%dma_wait3A_208 : memref<128x128xf32, #tpu.memory_space<vmem>>)
    %dma_wait3A_213 = arith.constant 128 : i32
    %dma_wait3A_214 = arith.constant 0 : i32
    %dma_wait3A_215 = tpu.memref_slice %arg8[%dma_wait3A_213, %dma_wait3A_214] : memref<200x128xf32, #tpu.memory_space<vmem>> -> memref<72x128xf32, #tpu.memory_space<vmem>>
    %dma_wait3A_216 = tpu.memref_slice %arg6[%add3A_205] : memref<25600xi32, #tpu.memory_space<vmem>> -> memref<72xi32, #tpu.memory_space<vmem>>
    %dma_wait3A_217 = arith.constant 0 : i32
    %dma_wait3A_218 = arith.constant 0 : i32
    %dma_wait3A_219 = tpu.memref_slice %arg3[%dma_wait3A_217, %dma_wait3A_218] : memref<1000x128xf32, #tpu.memory_space<hbm>> -> memref<1000x128xf32, #tpu.memory_space<hbm>>
    tpu.wait_indirect_dma semaphore(%arg11 : memref<!tpu.dma_semaphore, #tpu.memory_space<semaphore_mem>>) src(%dma_wait3A_219 : memref<1000x128xf32, #tpu.memory_space<hbm>>) dst(%dma_wait3A_215 : memref<72x128xf32, #tpu.memory_space<vmem>>)
    %scan3A_220 = arith.constant 0 : i32
    %scan3A_221 = arith.constant 0 : i32
    %scan3A_222 = arith.constant 100 : i32
    %scan3A_223 = arith.addi %scan3A_221, %scan3A_222 : i32
    %scan3A_224 = arith.constant 1 : i32
    scf.for %scan3A_285 = %scan3A_221 to %scan3A_223 step %scan3A_224  : i32 {
      %mul3A_286 = arith.constant 2 : i32
      %mul3A_287 = arith.muli %scan3A_285, %mul3A_286 : i32
      %add3A_288 = arith.constant 0 : i32
      %add3A_289 = arith.addi %mul3A_287, %add3A_288 : i32
      %get3A = arith.index_cast %add3A_289 : i32 to index
      %get3A_290 = arith.constant 0 : index
      %get3A_291 = tpu.vector_load %arg7[%get3A, %get3A_290] {strides = array<i32>} : memref<200x128xf32, #tpu.memory_space<vmem>>, vector<1x16xf32>,
      %get3A_292 = vector.shape_cast %get3A_291 : vector<1x16xf32> to vector<16xf32>
      %swap3A = arith.index_cast %add3A_289 : i32 to index
      %swap3A_293 = arith.constant 0 : index
      %swap3A_294 = tpu.vector_load %arg8[%swap3A, %swap3A_293] {strides = array<i32>} : memref<200x128xf32, #tpu.memory_space<vmem>>, vector<1x16xf32>,
      %swap3A_295 = vector.shape_cast %swap3A_294 : vector<1x16xf32> to vector<16xf32>
      %swap3A_296 = vector.shape_cast %get3A_292 : vector<16xf32> to vector<1x16xf32>
      tpu.vector_store %arg8[%swap3A, %swap3A_293], %swap3A_296 {add = true, strides = array<i32>} : memref<200x128xf32, #tpu.memory_space<vmem>>, vector<1x16xf32>,
      %get3A_297 = arith.index_cast %add3A_289 : i32 to index
      %get3A_298 = arith.constant 16 : index
      %get3A_299 = tpu.vector_load %arg7[%get3A_297, %get3A_298] {strides = array<i32>} : memref<200x128xf32, #tpu.memory_space<vmem>>, vector<1x16xf32>,
      %get3A_300 = vector.shape_cast %get3A_299 : vector<1x16xf32> to vector<16xf32>
      %swap3A_301 = arith.index_cast %add3A_289 : i32 to index
      %swap3A_302 = arith.constant 16 : index
      %swap3A_303 = tpu.vector_load %arg8[%swap3A_301, %swap3A_302] {strides = array<i32>} : memref<200x128xf32, #tpu.memory_space<vmem>>, vector<1x16xf32>,
      %swap3A_304 = vector.shape_cast %swap3A_303 : vector<1x16xf32> to vector<16xf32>
      %swap3A_305 = vector.shape_cast %get3A_300 : vector<16xf32> to vector<1x16xf32>
      tpu.vector_store %arg8[%swap3A_301, %swap3A_302], %swap3A_305 {add = true, strides = array<i32>} : memref<200x128xf32, #tpu.memory_space<vmem>>, vector<1x16xf32>,
      %get3A_306 = arith.index_cast %add3A_289 : i32 to index
      %get3A_307 = arith.constant 32 : index
      %get3A_308 = tpu.vector_load %arg7[%get3A_306, %get3A_307] {strides = array<i32>} : memref<200x128xf32, #tpu.memory_space<vmem>>, vector<1x16xf32>,
      %get3A_309 = vector.shape_cast %get3A_308 : vector<1x16xf32> to vector<16xf32>
      %swap3A_310 = arith.index_cast %add3A_289 : i32 to index
      %swap3A_311 = arith.constant 32 : index
      %swap3A_312 = tpu.vector_load %arg8[%swap3A_310, %swap3A_311] {strides = array<i32>} : memref<200x128xf32, #tpu.memory_space<vmem>>, vector<1x16xf32>,
      %swap3A_313 = vector.shape_cast %swap3A_312 : vector<1x16xf32> to vector<16xf32>
      %swap3A_314 = vector.shape_cast %get3A_309 : vector<16xf32> to vector<1x16xf32>
      tpu.vector_store %arg8[%swap3A_310, %swap3A_311], %swap3A_314 {add = true, strides = array<i32>} : memref<200x128xf32, #tpu.memory_space<vmem>>, vector<1x16xf32>,
      %get3A_315 = arith.index_cast %add3A_289 : i32 to index
      %get3A_316 = arith.constant 48 : index
      %get3A_317 = tpu.vector_load %arg7[%get3A_315, %get3A_316] {strides = array<i32>} : memref<200x128xf32, #tpu.memory_space<vmem>>, vector<1x16xf32>,
      %get3A_318 = vector.shape_cast %get3A_317 : vector<1x16xf32> to vector<16xf32>
      %swap3A_319 = arith.index_cast %add3A_289 : i32 to index
      %swap3A_320 = arith.constant 48 : index
      %swap3A_321 = tpu.vector_load %arg8[%swap3A_319, %swap3A_320] {strides = array<i32>} : memref<200x128xf32, #tpu.memory_space<vmem>>, vector<1x16xf32>,
      %swap3A_322 = vector.shape_cast %swap3A_321 : vector<1x16xf32> to vector<16xf32>
      %swap3A_323 = vector.shape_cast %get3A_318 : vector<16xf32> to vector<1x16xf32>
      tpu.vector_store %arg8[%swap3A_319, %swap3A_320], %swap3A_323 {add = true, strides = array<i32>} : memref<200x128xf32, #tpu.memory_space<vmem>>, vector<1x16xf32>,
      %get3A_324 = arith.index_cast %add3A_289 : i32 to index
      %get3A_325 = arith.constant 64 : index
      %get3A_326 = tpu.vector_load %arg7[%get3A_324, %get3A_325] {strides = array<i32>} : memref<200x128xf32, #tpu.memory_space<vmem>>, vector<1x16xf32>,
      %get3A_327 = vector.shape_cast %get3A_326 : vector<1x16xf32> to vector<16xf32>
      %swap3A_328 = arith.index_cast %add3A_289 : i32 to index
      %swap3A_329 = arith.constant 64 : index
      %swap3A_330 = tpu.vector_load %arg8[%swap3A_328, %swap3A_329] {strides = array<i32>} : memref<200x128xf32, #tpu.memory_space<vmem>>, vector<1x16xf32>,
      %swap3A_331 = vector.shape_cast %swap3A_330 : vector<1x16xf32> to vector<16xf32>
      %swap3A_332 = vector.shape_cast %get3A_327 : vector<16xf32> to vector<1x16xf32>
      tpu.vector_store %arg8[%swap3A_328, %swap3A_329], %swap3A_332 {add = true, strides = array<i32>} : memref<200x128xf32, #tpu.memory_space<vmem>>, vector<1x16xf32>,
      %get3A_333 = arith.index_cast %add3A_289 : i32 to index
      %get3A_334 = arith.constant 80 : index
      %get3A_335 = tpu.vector_load %arg7[%get3A_333, %get3A_334] {strides = array<i32>} : memref<200x128xf32, #tpu.memory_space<vmem>>, vector<1x16xf32>,
      %get3A_336 = vector.shape_cast %get3A_335 : vector<1x16xf32> to vector<16xf32>
      %swap3A_337 = arith.index_cast %add3A_289 : i32 to index
      %swap3A_338 = arith.constant 80 : index
      %swap3A_339 = tpu.vector_load %arg8[%swap3A_337, %swap3A_338] {strides = array<i32>} : memref<200x128xf32, #tpu.memory_space<vmem>>, vector<1x16xf32>,
      %swap3A_340 = vector.shape_cast %swap3A_339 : vector<1x16xf32> to vector<16xf32>
      %swap3A_341 = vector.shape_cast %get3A_336 : vector<16xf32> to vector<1x16xf32>
      tpu.vector_store %arg8[%swap3A_337, %swap3A_338], %swap3A_341 {add = true, strides = array<i32>} : memref<200x128xf32, #tpu.memory_space<vmem>>, vector<1x16xf32>,
      %get3A_342 = arith.index_cast %add3A_289 : i32 to index
      %get3A_343 = arith.constant 96 : index
      %get3A_344 = tpu.vector_load %arg7[%get3A_342, %get3A_343] {strides = array<i32>} : memref<200x128xf32, #tpu.memory_space<vmem>>, vector<1x16xf32>,
      %get3A_345 = vector.shape_cast %get3A_344 : vector<1x16xf32> to vector<16xf32>
      %swap3A_346 = arith.index_cast %add3A_289 : i32 to index
      %swap3A_347 = arith.constant 96 : index
      %swap3A_348 = tpu.vector_load %arg8[%swap3A_346, %swap3A_347] {strides = array<i32>} : memref<200x128xf32, #tpu.memory_space<vmem>>, vector<1x16xf32>,
      %swap3A_349 = vector.shape_cast %swap3A_348 : vector<1x16xf32> to vector<16xf32>
      %swap3A_350 = vector.shape_cast %get3A_345 : vector<16xf32> to vector<1x16xf32>
      tpu.vector_store %arg8[%swap3A_346, %swap3A_347], %swap3A_350 {add = true, strides = array<i32>} : memref<200x128xf32, #tpu.memory_space<vmem>>, vector<1x16xf32>,
      %get3A_351 = arith.index_cast %add3A_289 : i32 to index
      %get3A_352 = arith.constant 112 : index
      %get3A_353 = tpu.vector_load %arg7[%get3A_351, %get3A_352] {strides = array<i32>} : memref<200x128xf32, #tpu.memory_space<vmem>>, vector<1x16xf32>,
      %get3A_354 = vector.shape_cast %get3A_353 : vector<1x16xf32> to vector<16xf32>
      %swap3A_355 = arith.index_cast %add3A_289 : i32 to index
      %swap3A_356 = arith.constant 112 : index
      %swap3A_357 = tpu.vector_load %arg8[%swap3A_355, %swap3A_356] {strides = array<i32>} : memref<200x128xf32, #tpu.memory_space<vmem>>, vector<1x16xf32>,
      %swap3A_358 = vector.shape_cast %swap3A_357 : vector<1x16xf32> to vector<16xf32>
      %swap3A_359 = vector.shape_cast %get3A_354 : vector<16xf32> to vector<1x16xf32>
      tpu.vector_store %arg8[%swap3A_355, %swap3A_356], %swap3A_359 {add = true, strides = array<i32>} : memref<200x128xf32, #tpu.memory_space<vmem>>, vector<1x16xf32>,
      %mul3A_360 = arith.constant 2 : i32
      %mul3A_361 = arith.muli %scan3A_285, %mul3A_360 : i32
      %add3A_362 = arith.constant 1 : i32
      %add3A_363 = arith.addi %mul3A_361, %add3A_362 : i32
      %get3A_364 = arith.index_cast %add3A_363 : i32 to index
      %get3A_365 = arith.constant 0 : index
      %get3A_366 = tpu.vector_load %arg7[%get3A_364, %get3A_365] {strides = array<i32>} : memref<200x128xf32, #tpu.memory_space<vmem>>, vector<1x16xf32>,
      %get3A_367 = vector.shape_cast %get3A_366 : vector<1x16xf32> to vector<16xf32>
      %swap3A_368 = arith.index_cast %add3A_363 : i32 to index
      %swap3A_369 = arith.constant 0 : index
      %swap3A_370 = tpu.vector_load %arg8[%swap3A_368, %swap3A_369] {strides = array<i32>} : memref<200x128xf32, #tpu.memory_space<vmem>>, vector<1x16xf32>,
      %swap3A_371 = vector.shape_cast %swap3A_370 : vector<1x16xf32> to vector<16xf32>
      %swap3A_372 = vector.shape_cast %get3A_367 : vector<16xf32> to vector<1x16xf32>
      tpu.vector_store %arg8[%swap3A_368, %swap3A_369], %swap3A_372 {add = true, strides = array<i32>} : memref<200x128xf32, #tpu.memory_space<vmem>>, vector<1x16xf32>,
      %get3A_373 = arith.index_cast %add3A_363 : i32 to index
      %get3A_374 = arith.constant 16 : index
      %get3A_375 = tpu.vector_load %arg7[%get3A_373, %get3A_374] {strides = array<i32>} : memref<200x128xf32, #tpu.memory_space<vmem>>, vector<1x16xf32>,
      %get3A_376 = vector.shape_cast %get3A_375 : vector<1x16xf32> to vector<16xf32>
      %swap3A_377 = arith.index_cast %add3A_363 : i32 to index
      %swap3A_378 = arith.constant 16 : index
      %swap3A_379 = tpu.vector_load %arg8[%swap3A_377, %swap3A_378] {strides = array<i32>} : memref<200x128xf32, #tpu.memory_space<vmem>>, vector<1x16xf32>,
      %swap3A_380 = vector.shape_cast %swap3A_379 : vector<1x16xf32> to vector<16xf32>
      %swap3A_381 = vector.shape_cast %get3A_376 : vector<16xf32> to vector<1x16xf32>
      tpu.vector_store %arg8[%swap3A_377, %swap3A_378], %swap3A_381 {add = true, strides = array<i32>} : memref<200x128xf32, #tpu.memory_space<vmem>>, vector<1x16xf32>,
      %get3A_382 = arith.index_cast %add3A_363 : i32 to index
      %get3A_383 = arith.constant 32 : index
      %get3A_384 = tpu.vector_load %arg7[%get3A_382, %get3A_383] {strides = array<i32>} : memref<200x128xf32, #tpu.memory_space<vmem>>, vector<1x16xf32>,
      %get3A_385 = vector.shape_cast %get3A_384 : vector<1x16xf32> to vector<16xf32>
      %swap3A_386 = arith.index_cast %add3A_363 : i32 to index
      %swap3A_387 = arith.constant 32 : index
      %swap3A_388 = tpu.vector_load %arg8[%swap3A_386, %swap3A_387] {strides = array<i32>} : memref<200x128xf32, #tpu.memory_space<vmem>>, vector<1x16xf32>,
      %swap3A_389 = vector.shape_cast %swap3A_388 : vector<1x16xf32> to vector<16xf32>
      %swap3A_390 = vector.shape_cast %get3A_385 : vector<16xf32> to vector<1x16xf32>
      tpu.vector_store %arg8[%swap3A_386, %swap3A_387], %swap3A_390 {add = true, strides = array<i32>} : memref<200x128xf32, #tpu.memory_space<vmem>>, vector<1x16xf32>,
      %get3A_391 = arith.index_cast %add3A_363 : i32 to index
      %get3A_392 = arith.constant 48 : index
      %get3A_393 = tpu.vector_load %arg7[%get3A_391, %get3A_392] {strides = array<i32>} : memref<200x128xf32, #tpu.memory_space<vmem>>, vector<1x16xf32>,
      %get3A_394 = vector.shape_cast %get3A_393 : vector<1x16xf32> to vector<16xf32>
      %swap3A_395 = arith.index_cast %add3A_363 : i32 to index
      %swap3A_396 = arith.constant 48 : index
      %swap3A_397 = tpu.vector_load %arg8[%swap3A_395, %swap3A_396] {strides = array<i32>} : memref<200x128xf32, #tpu.memory_space<vmem>>, vector<1x16xf32>,
      %swap3A_398 = vector.shape_cast %swap3A_397 : vector<1x16xf32> to vector<16xf32>
      %swap3A_399 = vector.shape_cast %get3A_394 : vector<16xf32> to vector<1x16xf32>
      tpu.vector_store %arg8[%swap3A_395, %swap3A_396], %swap3A_399 {add = true, strides = array<i32>} : memref<200x128xf32, #tpu.memory_space<vmem>>, vector<1x16xf32>,
      %get3A_400 = arith.index_cast %add3A_363 : i32 to index
      %get3A_401 = arith.constant 64 : index
      %get3A_402 = tpu.vector_load %arg7[%get3A_400, %get3A_401] {strides = array<i32>} : memref<200x128xf32, #tpu.memory_space<vmem>>, vector<1x16xf32>,
      %get3A_403 = vector.shape_cast %get3A_402 : vector<1x16xf32> to vector<16xf32>
      %swap3A_404 = arith.index_cast %add3A_363 : i32 to index
      %swap3A_405 = arith.constant 64 : index
      %swap3A_406 = tpu.vector_load %arg8[%swap3A_404, %swap3A_405] {strides = array<i32>} : memref<200x128xf32, #tpu.memory_space<vmem>>, vector<1x16xf32>,
      %swap3A_407 = vector.shape_cast %swap3A_406 : vector<1x16xf32> to vector<16xf32>
      %swap3A_408 = vector.shape_cast %get3A_403 : vector<16xf32> to vector<1x16xf32>
      tpu.vector_store %arg8[%swap3A_404, %swap3A_405], %swap3A_408 {add = true, strides = array<i32>} : memref<200x128xf32, #tpu.memory_space<vmem>>, vector<1x16xf32>,
      %get3A_409 = arith.index_cast %add3A_363 : i32 to index
      %get3A_410 = arith.constant 80 : index
      %get3A_411 = tpu.vector_load %arg7[%get3A_409, %get3A_410] {strides = array<i32>} : memref<200x128xf32, #tpu.memory_space<vmem>>, vector<1x16xf32>,
      %get3A_412 = vector.shape_cast %get3A_411 : vector<1x16xf32> to vector<16xf32>
      %swap3A_413 = arith.index_cast %add3A_363 : i32 to index
      %swap3A_414 = arith.constant 80 : index
      %swap3A_415 = tpu.vector_load %arg8[%swap3A_413, %swap3A_414] {strides = array<i32>} : memref<200x128xf32, #tpu.memory_space<vmem>>, vector<1x16xf32>,
      %swap3A_416 = vector.shape_cast %swap3A_415 : vector<1x16xf32> to vector<16xf32>
      %swap3A_417 = vector.shape_cast %get3A_412 : vector<16xf32> to vector<1x16xf32>
      tpu.vector_store %arg8[%swap3A_413, %swap3A_414], %swap3A_417 {add = true, strides = array<i32>} : memref<200x128xf32, #tpu.memory_space<vmem>>, vector<1x16xf32>,
      %get3A_418 = arith.index_cast %add3A_363 : i32 to index
      %get3A_419 = arith.constant 96 : index
      %get3A_420 = tpu.vector_load %arg7[%get3A_418, %get3A_419] {strides = array<i32>} : memref<200x128xf32, #tpu.memory_space<vmem>>, vector<1x16xf32>,
      %get3A_421 = vector.shape_cast %get3A_420 : vector<1x16xf32> to vector<16xf32>
      %swap3A_422 = arith.index_cast %add3A_363 : i32 to index
      %swap3A_423 = arith.constant 96 : index
      %swap3A_424 = tpu.vector_load %arg8[%swap3A_422, %swap3A_423] {strides = array<i32>} : memref<200x128xf32, #tpu.memory_space<vmem>>, vector<1x16xf32>,
      %swap3A_425 = vector.shape_cast %swap3A_424 : vector<1x16xf32> to vector<16xf32>
      %swap3A_426 = vector.shape_cast %get3A_421 : vector<16xf32> to vector<1x16xf32>
      tpu.vector_store %arg8[%swap3A_422, %swap3A_423], %swap3A_426 {add = true, strides = array<i32>} : memref<200x128xf32, #tpu.memory_space<vmem>>, vector<1x16xf32>,
      %get3A_427 = arith.index_cast %add3A_363 : i32 to index
      %get3A_428 = arith.constant 112 : index
      %get3A_429 = tpu.vector_load %arg7[%get3A_427, %get3A_428] {strides = array<i32>} : memref<200x128xf32, #tpu.memory_space<vmem>>, vector<1x16xf32>,
      %get3A_430 = vector.shape_cast %get3A_429 : vector<1x16xf32> to vector<16xf32>
      %swap3A_431 = arith.index_cast %add3A_363 : i32 to index
      %swap3A_432 = arith.constant 112 : index
      %swap3A_433 = tpu.vector_load %arg8[%swap3A_431, %swap3A_432] {strides = array<i32>} : memref<200x128xf32, #tpu.memory_space<vmem>>, vector<1x16xf32>,
      %swap3A_434 = vector.shape_cast %swap3A_433 : vector<1x16xf32> to vector<16xf32>
      %swap3A_435 = vector.shape_cast %get3A_430 : vector<16xf32> to vector<1x16xf32>
      tpu.vector_store %arg8[%swap3A_431, %swap3A_432], %swap3A_435 {add = true, strides = array<i32>} : memref<200x128xf32, #tpu.memory_space<vmem>>, vector<1x16xf32>,
    }
    %scan3A_225 = arith.constant 100 : i32
    %add3A_226 = arith.constant 25200 : i32
    %add3A_227 = arith.addi %mul3A_2, %add3A_226 : i32
    %multiple_of3A_228 = tpu.assume_multiple %add3A_227, 8 : i32
    %dma_start3A_229 = arith.constant 0 : i32
    %dma_start3A_230 = tpu.memref_slice %arg5[%multiple_of3A_228, %dma_start3A_229] : memref<819200x128xf32, #tpu.memory_space<hbm>> -> memref<200x128xf32, #tpu.memory_space<hbm>>
    %dma_start3A_231 = arith.constant 0 : i32
    %dma_start3A_232 = tpu.memref_slice %arg5[%multiple_of3A_228, %dma_start3A_231] : memref<819200x128xf32, #tpu.memory_space<hbm>> -> memref<200x128xf32, #tpu.memory_space<hbm>>
    tpu.enqueue_dma source(%arg8 : memref<200x128xf32, #tpu.memory_space<vmem>>) target(%dma_start3A_232 : memref<200x128xf32, #tpu.memory_space<hbm>>) target_semaphore(%arg14 : memref<!tpu.dma_semaphore, #tpu.memory_space<semaphore_mem>>)
    %multiple_of3A_233 = arith.constant 25400 : i32
    %multiple_of3A_234 = tpu.assume_multiple %multiple_of3A_233, 8 : i32
    %add3A_235 = arith.constant 128 : i32
    %add3A_236 = arith.addi %multiple_of3A_234, %add3A_235 : i32
    %dma_wait3A_237 = arith.constant 0 : i32
    %dma_wait3A_238 = arith.constant 0 : i32
    %dma_wait3A_239 = tpu.memref_slice %arg9[%dma_wait3A_237, %dma_wait3A_238] : memref<200x128xf32, #tpu.memory_space<vmem>> -> memref<128x128xf32, #tpu.memory_space<vmem>>
    %dma_wait3A_240 = tpu.memref_slice %arg6[%multiple_of3A_234] : memref<25600xi32, #tpu.memory_space<vmem>> -> memref<128xi32, #tpu.memory_space<vmem>>
    %dma_wait3A_241 = arith.constant 0 : i32
    %dma_wait3A_242 = arith.constant 0 : i32
    %dma_wait3A_243 = tpu.memref_slice %arg3[%dma_wait3A_241, %dma_wait3A_242] : memref<1000x128xf32, #tpu.memory_space<hbm>> -> memref<1000x128xf32, #tpu.memory_space<hbm>>
    tpu.wait_indirect_dma semaphore(%arg12 : memref<!tpu.dma_semaphore, #tpu.memory_space<semaphore_mem>>) src(%dma_wait3A_243 : memref<1000x128xf32, #tpu.memory_space<hbm>>) dst(%dma_wait3A_239 : memref<128x128xf32, #tpu.memory_space<vmem>>)
    %dma_wait3A_244 = arith.constant 128 : i32
    %dma_wait3A_245 = arith.constant 0 : i32
    %dma_wait3A_246 = tpu.memref_slice %arg9[%dma_wait3A_244, %dma_wait3A_245] : memref<200x128xf32, #tpu.memory_space<vmem>> -> memref<72x128xf32, #tpu.memory_space<vmem>>
    %dma_wait3A_247 = tpu.memref_slice %arg6[%add3A_236] : memref<25600xi32, #tpu.memory_space<vmem>> -> memref<72xi32, #tpu.memory_space<vmem>>
    %dma_wait3A_248 = arith.constant 0 : i32
    %dma_wait3A_249 = arith.constant 0 : i32
    %dma_wait3A_250 = tpu.memref_slice %arg3[%dma_wait3A_248, %dma_wait3A_249] : memref<1000x128xf32, #tpu.memory_space<hbm>> -> memref<1000x128xf32, #tpu.memory_space<hbm>>
    tpu.wait_indirect_dma semaphore(%arg12 : memref<!tpu.dma_semaphore, #tpu.memory_space<semaphore_mem>>) src(%dma_wait3A_250 : memref<1000x128xf32, #tpu.memory_space<hbm>>) dst(%dma_wait3A_246 : memref<72x128xf32, #tpu.memory_space<vmem>>)
    %scan3A_251 = arith.constant 0 : i32
    %scan3A_252 = arith.constant 0 : i32
    %scan3A_253 = arith.constant 100 : i32
    %scan3A_254 = arith.addi %scan3A_252, %scan3A_253 : i32
    %scan3A_255 = arith.constant 1 : i32
    scf.for %scan3A_285 = %scan3A_252 to %scan3A_254 step %scan3A_255  : i32 {
      %mul3A_286 = arith.constant 2 : i32
      %mul3A_287 = arith.muli %scan3A_285, %mul3A_286 : i32
      %add3A_288 = arith.constant 0 : i32
      %add3A_289 = arith.addi %mul3A_287, %add3A_288 : i32
      %get3A = arith.index_cast %add3A_289 : i32 to index
      %get3A_290 = arith.constant 0 : index
      %get3A_291 = tpu.vector_load %arg7[%get3A, %get3A_290] {strides = array<i32>} : memref<200x128xf32, #tpu.memory_space<vmem>>, vector<1x16xf32>,
      %get3A_292 = vector.shape_cast %get3A_291 : vector<1x16xf32> to vector<16xf32>
      %swap3A = arith.index_cast %add3A_289 : i32 to index
      %swap3A_293 = arith.constant 0 : index
      %swap3A_294 = tpu.vector_load %arg9[%swap3A, %swap3A_293] {strides = array<i32>} : memref<200x128xf32, #tpu.memory_space<vmem>>, vector<1x16xf32>,
      %swap3A_295 = vector.shape_cast %swap3A_294 : vector<1x16xf32> to vector<16xf32>
      %swap3A_296 = vector.shape_cast %get3A_292 : vector<16xf32> to vector<1x16xf32>
      tpu.vector_store %arg9[%swap3A, %swap3A_293], %swap3A_296 {add = true, strides = array<i32>} : memref<200x128xf32, #tpu.memory_space<vmem>>, vector<1x16xf32>,
      %get3A_297 = arith.index_cast %add3A_289 : i32 to index
      %get3A_298 = arith.constant 16 : index
      %get3A_299 = tpu.vector_load %arg7[%get3A_297, %get3A_298] {strides = array<i32>} : memref<200x128xf32, #tpu.memory_space<vmem>>, vector<1x16xf32>,
      %get3A_300 = vector.shape_cast %get3A_299 : vector<1x16xf32> to vector<16xf32>
      %swap3A_301 = arith.index_cast %add3A_289 : i32 to index
      %swap3A_302 = arith.constant 16 : index
      %swap3A_303 = tpu.vector_load %arg9[%swap3A_301, %swap3A_302] {strides = array<i32>} : memref<200x128xf32, #tpu.memory_space<vmem>>, vector<1x16xf32>,
      %swap3A_304 = vector.shape_cast %swap3A_303 : vector<1x16xf32> to vector<16xf32>
      %swap3A_305 = vector.shape_cast %get3A_300 : vector<16xf32> to vector<1x16xf32>
      tpu.vector_store %arg9[%swap3A_301, %swap3A_302], %swap3A_305 {add = true, strides = array<i32>} : memref<200x128xf32, #tpu.memory_space<vmem>>, vector<1x16xf32>,
      %get3A_306 = arith.index_cast %add3A_289 : i32 to index
      %get3A_307 = arith.constant 32 : index
      %get3A_308 = tpu.vector_load %arg7[%get3A_306, %get3A_307] {strides = array<i32>} : memref<200x128xf32, #tpu.memory_space<vmem>>, vector<1x16xf32>,
      %get3A_309 = vector.shape_cast %get3A_308 : vector<1x16xf32> to vector<16xf32>
      %swap3A_310 = arith.index_cast %add3A_289 : i32 to index
      %swap3A_311 = arith.constant 32 : index
      %swap3A_312 = tpu.vector_load %arg9[%swap3A_310, %swap3A_311] {strides = array<i32>} : memref<200x128xf32, #tpu.memory_space<vmem>>, vector<1x16xf32>,
      %swap3A_313 = vector.shape_cast %swap3A_312 : vector<1x16xf32> to vector<16xf32>
      %swap3A_314 = vector.shape_cast %get3A_309 : vector<16xf32> to vector<1x16xf32>
      tpu.vector_store %arg9[%swap3A_310, %swap3A_311], %swap3A_314 {add = true, strides = array<i32>} : memref<200x128xf32, #tpu.memory_space<vmem>>, vector<1x16xf32>,
      %get3A_315 = arith.index_cast %add3A_289 : i32 to index
      %get3A_316 = arith.constant 48 : index
      %get3A_317 = tpu.vector_load %arg7[%get3A_315, %get3A_316] {strides = array<i32>} : memref<200x128xf32, #tpu.memory_space<vmem>>, vector<1x16xf32>,
      %get3A_318 = vector.shape_cast %get3A_317 : vector<1x16xf32> to vector<16xf32>
      %swap3A_319 = arith.index_cast %add3A_289 : i32 to index
      %swap3A_320 = arith.constant 48 : index
      %swap3A_321 = tpu.vector_load %arg9[%swap3A_319, %swap3A_320] {strides = array<i32>} : memref<200x128xf32, #tpu.memory_space<vmem>>, vector<1x16xf32>,
      %swap3A_322 = vector.shape_cast %swap3A_321 : vector<1x16xf32> to vector<16xf32>
      %swap3A_323 = vector.shape_cast %get3A_318 : vector<16xf32> to vector<1x16xf32>
      tpu.vector_store %arg9[%swap3A_319, %swap3A_320], %swap3A_323 {add = true, strides = array<i32>} : memref<200x128xf32, #tpu.memory_space<vmem>>, vector<1x16xf32>,
      %get3A_324 = arith.index_cast %add3A_289 : i32 to index
      %get3A_325 = arith.constant 64 : index
      %get3A_326 = tpu.vector_load %arg7[%get3A_324, %get3A_325] {strides = array<i32>} : memref<200x128xf32, #tpu.memory_space<vmem>>, vector<1x16xf32>,
      %get3A_327 = vector.shape_cast %get3A_326 : vector<1x16xf32> to vector<16xf32>
      %swap3A_328 = arith.index_cast %add3A_289 : i32 to index
      %swap3A_329 = arith.constant 64 : index
      %swap3A_330 = tpu.vector_load %arg9[%swap3A_328, %swap3A_329] {strides = array<i32>} : memref<200x128xf32, #tpu.memory_space<vmem>>, vector<1x16xf32>,
      %swap3A_331 = vector.shape_cast %swap3A_330 : vector<1x16xf32> to vector<16xf32>
      %swap3A_332 = vector.shape_cast %get3A_327 : vector<16xf32> to vector<1x16xf32>
      tpu.vector_store %arg9[%swap3A_328, %swap3A_329], %swap3A_332 {add = true, strides = array<i32>} : memref<200x128xf32, #tpu.memory_space<vmem>>, vector<1x16xf32>,
      %get3A_333 = arith.index_cast %add3A_289 : i32 to index
      %get3A_334 = arith.constant 80 : index
      %get3A_335 = tpu.vector_load %arg7[%get3A_333, %get3A_334] {strides = array<i32>} : memref<200x128xf32, #tpu.memory_space<vmem>>, vector<1x16xf32>,
      %get3A_336 = vector.shape_cast %get3A_335 : vector<1x16xf32> to vector<16xf32>
      %swap3A_337 = arith.index_cast %add3A_289 : i32 to index
      %swap3A_338 = arith.constant 80 : index
      %swap3A_339 = tpu.vector_load %arg9[%swap3A_337, %swap3A_338] {strides = array<i32>} : memref<200x128xf32, #tpu.memory_space<vmem>>, vector<1x16xf32>,
      %swap3A_340 = vector.shape_cast %swap3A_339 : vector<1x16xf32> to vector<16xf32>
      %swap3A_341 = vector.shape_cast %get3A_336 : vector<16xf32> to vector<1x16xf32>
      tpu.vector_store %arg9[%swap3A_337, %swap3A_338], %swap3A_341 {add = true, strides = array<i32>} : memref<200x128xf32, #tpu.memory_space<vmem>>, vector<1x16xf32>,
      %get3A_342 = arith.index_cast %add3A_289 : i32 to index
      %get3A_343 = arith.constant 96 : index
      %get3A_344 = tpu.vector_load %arg7[%get3A_342, %get3A_343] {strides = array<i32>} : memref<200x128xf32, #tpu.memory_space<vmem>>, vector<1x16xf32>,
      %get3A_345 = vector.shape_cast %get3A_344 : vector<1x16xf32> to vector<16xf32>
      %swap3A_346 = arith.index_cast %add3A_289 : i32 to index
      %swap3A_347 = arith.constant 96 : index
      %swap3A_348 = tpu.vector_load %arg9[%swap3A_346, %swap3A_347] {strides = array<i32>} : memref<200x128xf32, #tpu.memory_space<vmem>>, vector<1x16xf32>,
      %swap3A_349 = vector.shape_cast %swap3A_348 : vector<1x16xf32> to vector<16xf32>
      %swap3A_350 = vector.shape_cast %get3A_345 : vector<16xf32> to vector<1x16xf32>
      tpu.vector_store %arg9[%swap3A_346, %swap3A_347], %swap3A_350 {add = true, strides = array<i32>} : memref<200x128xf32, #tpu.memory_space<vmem>>, vector<1x16xf32>,
      %get3A_351 = arith.index_cast %add3A_289 : i32 to index
      %get3A_352 = arith.constant 112 : index
      %get3A_353 = tpu.vector_load %arg7[%get3A_351, %get3A_352] {strides = array<i32>} : memref<200x128xf32, #tpu.memory_space<vmem>>, vector<1x16xf32>,
      %get3A_354 = vector.shape_cast %get3A_353 : vector<1x16xf32> to vector<16xf32>
      %swap3A_355 = arith.index_cast %add3A_289 : i32 to index
      %swap3A_356 = arith.constant 112 : index
      %swap3A_357 = tpu.vector_load %arg9[%swap3A_355, %swap3A_356] {strides = array<i32>} : memref<200x128xf32, #tpu.memory_space<vmem>>, vector<1x16xf32>,
      %swap3A_358 = vector.shape_cast %swap3A_357 : vector<1x16xf32> to vector<16xf32>
      %swap3A_359 = vector.shape_cast %get3A_354 : vector<16xf32> to vector<1x16xf32>
      tpu.vector_store %arg9[%swap3A_355, %swap3A_356], %swap3A_359 {add = true, strides = array<i32>} : memref<200x128xf32, #tpu.memory_space<vmem>>, vector<1x16xf32>,
      %mul3A_360 = arith.constant 2 : i32
      %mul3A_361 = arith.muli %scan3A_285, %mul3A_360 : i32
      %add3A_362 = arith.constant 1 : i32
      %add3A_363 = arith.addi %mul3A_361, %add3A_362 : i32
      %get3A_364 = arith.index_cast %add3A_363 : i32 to index
      %get3A_365 = arith.constant 0 : index
      %get3A_366 = tpu.vector_load %arg7[%get3A_364, %get3A_365] {strides = array<i32>} : memref<200x128xf32, #tpu.memory_space<vmem>>, vector<1x16xf32>,
      %get3A_367 = vector.shape_cast %get3A_366 : vector<1x16xf32> to vector<16xf32>
      %swap3A_368 = arith.index_cast %add3A_363 : i32 to index
      %swap3A_369 = arith.constant 0 : index
      %swap3A_370 = tpu.vector_load %arg9[%swap3A_368, %swap3A_369] {strides = array<i32>} : memref<200x128xf32, #tpu.memory_space<vmem>>, vector<1x16xf32>,
      %swap3A_371 = vector.shape_cast %swap3A_370 : vector<1x16xf32> to vector<16xf32>
      %swap3A_372 = vector.shape_cast %get3A_367 : vector<16xf32> to vector<1x16xf32>
      tpu.vector_store %arg9[%swap3A_368, %swap3A_369], %swap3A_372 {add = true, strides = array<i32>} : memref<200x128xf32, #tpu.memory_space<vmem>>, vector<1x16xf32>,
      %get3A_373 = arith.index_cast %add3A_363 : i32 to index
      %get3A_374 = arith.constant 16 : index
      %get3A_375 = tpu.vector_load %arg7[%get3A_373, %get3A_374] {strides = array<i32>} : memref<200x128xf32, #tpu.memory_space<vmem>>, vector<1x16xf32>,
      %get3A_376 = vector.shape_cast %get3A_375 : vector<1x16xf32> to vector<16xf32>
      %swap3A_377 = arith.index_cast %add3A_363 : i32 to index
      %swap3A_378 = arith.constant 16 : index
      %swap3A_379 = tpu.vector_load %arg9[%swap3A_377, %swap3A_378] {strides = array<i32>} : memref<200x128xf32, #tpu.memory_space<vmem>>, vector<1x16xf32>,
      %swap3A_380 = vector.shape_cast %swap3A_379 : vector<1x16xf32> to vector<16xf32>
      %swap3A_381 = vector.shape_cast %get3A_376 : vector<16xf32> to vector<1x16xf32>
      tpu.vector_store %arg9[%swap3A_377, %swap3A_378], %swap3A_381 {add = true, strides = array<i32>} : memref<200x128xf32, #tpu.memory_space<vmem>>, vector<1x16xf32>,
      %get3A_382 = arith.index_cast %add3A_363 : i32 to index
      %get3A_383 = arith.constant 32 : index
      %get3A_384 = tpu.vector_load %arg7[%get3A_382, %get3A_383] {strides = array<i32>} : memref<200x128xf32, #tpu.memory_space<vmem>>, vector<1x16xf32>,
      %get3A_385 = vector.shape_cast %get3A_384 : vector<1x16xf32> to vector<16xf32>
      %swap3A_386 = arith.index_cast %add3A_363 : i32 to index
      %swap3A_387 = arith.constant 32 : index
      %swap3A_388 = tpu.vector_load %arg9[%swap3A_386, %swap3A_387] {strides = array<i32>} : memref<200x128xf32, #tpu.memory_space<vmem>>, vector<1x16xf32>,
      %swap3A_389 = vector.shape_cast %swap3A_388 : vector<1x16xf32> to vector<16xf32>
      %swap3A_390 = vector.shape_cast %get3A_385 : vector<16xf32> to vector<1x16xf32>
      tpu.vector_store %arg9[%swap3A_386, %swap3A_387], %swap3A_390 {add = true, strides = array<i32>} : memref<200x128xf32, #tpu.memory_space<vmem>>, vector<1x16xf32>,
      %get3A_391 = arith.index_cast %add3A_363 : i32 to index
      %get3A_392 = arith.constant 48 : index
      %get3A_393 = tpu.vector_load %arg7[%get3A_391, %get3A_392] {strides = array<i32>} : memref<200x128xf32, #tpu.memory_space<vmem>>, vector<1x16xf32>,
      %get3A_394 = vector.shape_cast %get3A_393 : vector<1x16xf32> to vector<16xf32>
      %swap3A_395 = arith.index_cast %add3A_363 : i32 to index
      %swap3A_396 = arith.constant 48 : index
      %swap3A_397 = tpu.vector_load %arg9[%swap3A_395, %swap3A_396] {strides = array<i32>} : memref<200x128xf32, #tpu.memory_space<vmem>>, vector<1x16xf32>,
      %swap3A_398 = vector.shape_cast %swap3A_397 : vector<1x16xf32> to vector<16xf32>
      %swap3A_399 = vector.shape_cast %get3A_394 : vector<16xf32> to vector<1x16xf32>
      tpu.vector_store %arg9[%swap3A_395, %swap3A_396], %swap3A_399 {add = true, strides = array<i32>} : memref<200x128xf32, #tpu.memory_space<vmem>>, vector<1x16xf32>,
      %get3A_400 = arith.index_cast %add3A_363 : i32 to index
      %get3A_401 = arith.constant 64 : index
      %get3A_402 = tpu.vector_load %arg7[%get3A_400, %get3A_401] {strides = array<i32>} : memref<200x128xf32, #tpu.memory_space<vmem>>, vector<1x16xf32>,
      %get3A_403 = vector.shape_cast %get3A_402 : vector<1x16xf32> to vector<16xf32>
      %swap3A_404 = arith.index_cast %add3A_363 : i32 to index
      %swap3A_405 = arith.constant 64 : index
      %swap3A_406 = tpu.vector_load %arg9[%swap3A_404, %swap3A_405] {strides = array<i32>} : memref<200x128xf32, #tpu.memory_space<vmem>>, vector<1x16xf32>,
      %swap3A_407 = vector.shape_cast %swap3A_406 : vector<1x16xf32> to vector<16xf32>
      %swap3A_408 = vector.shape_cast %get3A_403 : vector<16xf32> to vector<1x16xf32>
      tpu.vector_store %arg9[%swap3A_404, %swap3A_405], %swap3A_408 {add = true, strides = array<i32>} : memref<200x128xf32, #tpu.memory_space<vmem>>, vector<1x16xf32>,
      %get3A_409 = arith.index_cast %add3A_363 : i32 to index
      %get3A_410 = arith.constant 80 : index
      %get3A_411 = tpu.vector_load %arg7[%get3A_409, %get3A_410] {strides = array<i32>} : memref<200x128xf32, #tpu.memory_space<vmem>>, vector<1x16xf32>,
      %get3A_412 = vector.shape_cast %get3A_411 : vector<1x16xf32> to vector<16xf32>
      %swap3A_413 = arith.index_cast %add3A_363 : i32 to index
      %swap3A_414 = arith.constant 80 : index
      %swap3A_415 = tpu.vector_load %arg9[%swap3A_413, %swap3A_414] {strides = array<i32>} : memref<200x128xf32, #tpu.memory_space<vmem>>, vector<1x16xf32>,
      %swap3A_416 = vector.shape_cast %swap3A_415 : vector<1x16xf32> to vector<16xf32>
      %swap3A_417 = vector.shape_cast %get3A_412 : vector<16xf32> to vector<1x16xf32>
      tpu.vector_store %arg9[%swap3A_413, %swap3A_414], %swap3A_417 {add = true, strides = array<i32>} : memref<200x128xf32, #tpu.memory_space<vmem>>, vector<1x16xf32>,
      %get3A_418 = arith.index_cast %add3A_363 : i32 to index
      %get3A_419 = arith.constant 96 : index
      %get3A_420 = tpu.vector_load %arg7[%get3A_418, %get3A_419] {strides = array<i32>} : memref<200x128xf32, #tpu.memory_space<vmem>>, vector<1x16xf32>,
      %get3A_421 = vector.shape_cast %get3A_420 : vector<1x16xf32> to vector<16xf32>
      %swap3A_422 = arith.index_cast %add3A_363 : i32 to index
      %swap3A_423 = arith.constant 96 : index
      %swap3A_424 = tpu.vector_load %arg9[%swap3A_422, %swap3A_423] {strides = array<i32>} : memref<200x128xf32, #tpu.memory_space<vmem>>, vector<1x16xf32>,
      %swap3A_425 = vector.shape_cast %swap3A_424 : vector<1x16xf32> to vector<16xf32>
      %swap3A_426 = vector.shape_cast %get3A_421 : vector<16xf32> to vector<1x16xf32>
      tpu.vector_store %arg9[%swap3A_422, %swap3A_423], %swap3A_426 {add = true, strides = array<i32>} : memref<200x128xf32, #tpu.memory_space<vmem>>, vector<1x16xf32>,
      %get3A_427 = arith.index_cast %add3A_363 : i32 to index
      %get3A_428 = arith.constant 112 : index
      %get3A_429 = tpu.vector_load %arg7[%get3A_427, %get3A_428] {strides = array<i32>} : memref<200x128xf32, #tpu.memory_space<vmem>>, vector<1x16xf32>,
      %get3A_430 = vector.shape_cast %get3A_429 : vector<1x16xf32> to vector<16xf32>
      %swap3A_431 = arith.index_cast %add3A_363 : i32 to index
      %swap3A_432 = arith.constant 112 : index
      %swap3A_433 = tpu.vector_load %arg9[%swap3A_431, %swap3A_432] {strides = array<i32>} : memref<200x128xf32, #tpu.memory_space<vmem>>, vector<1x16xf32>,
      %swap3A_434 = vector.shape_cast %swap3A_433 : vector<1x16xf32> to vector<16xf32>
      %swap3A_435 = vector.shape_cast %get3A_430 : vector<16xf32> to vector<1x16xf32>
      tpu.vector_store %arg9[%swap3A_431, %swap3A_432], %swap3A_435 {add = true, strides = array<i32>} : memref<200x128xf32, #tpu.memory_space<vmem>>, vector<1x16xf32>,
    }
    %scan3A_256 = arith.constant 100 : i32
    %add3A_257 = arith.constant 25400 : i32
    %add3A_258 = arith.addi %mul3A_2, %add3A_257 : i32
    %multiple_of3A_259 = tpu.assume_multiple %add3A_258, 8 : i32
    %dma_start3A_260 = arith.constant 0 : i32
    %dma_start3A_261 = tpu.memref_slice %arg5[%multiple_of3A_259, %dma_start3A_260] : memref<819200x128xf32, #tpu.memory_space<hbm>> -> memref<200x128xf32, #tpu.memory_space<hbm>>
    %dma_start3A_262 = arith.constant 0 : i32
    %dma_start3A_263 = tpu.memref_slice %arg5[%multiple_of3A_259, %dma_start3A_262] : memref<819200x128xf32, #tpu.memory_space<hbm>> -> memref<200x128xf32, #tpu.memory_space<hbm>>
    tpu.enqueue_dma source(%arg9 : memref<200x128xf32, #tpu.memory_space<vmem>>) target(%dma_start3A_263 : memref<200x128xf32, #tpu.memory_space<hbm>>) target_semaphore(%arg15 : memref<!tpu.dma_semaphore, #tpu.memory_space<semaphore_mem>>)
    %add3A_264 = arith.constant 25000 : i32
    %add3A_265 = arith.addi %mul3A_2, %add3A_264 : i32
    %multiple_of3A_266 = tpu.assume_multiple %add3A_265, 8 : i32
    %dma_wait3A_267 = arith.constant 0 : i32
    %dma_wait3A_268 = tpu.memref_slice %arg5[%multiple_of3A_266, %dma_wait3A_267] : memref<819200x128xf32, #tpu.memory_space<hbm>> -> memref<200x128xf32, #tpu.memory_space<hbm>>
    %dma_wait3A_269 = arith.constant 0 : i32
    %dma_wait3A_270 = tpu.memref_slice %arg5[%multiple_of3A_266, %dma_wait3A_269] : memref<819200x128xf32, #tpu.memory_space<hbm>> -> memref<200x128xf32, #tpu.memory_space<hbm>>
    tpu.wait_dma2 semaphore(%arg16 : memref<!tpu.dma_semaphore, #tpu.memory_space<semaphore_mem>>) src(%arg10 : memref<200x128xf32, #tpu.memory_space<vmem>>) dst(%dma_wait3A_270 : memref<200x128xf32, #tpu.memory_space<hbm>>)
    %add3A_271 = arith.constant 25200 : i32
    %add3A_272 = arith.addi %mul3A_2, %add3A_271 : i32
    %multiple_of3A_273 = tpu.assume_multiple %add3A_272, 8 : i32
    %dma_wait3A_274 = arith.constant 0 : i32
    %dma_wait3A_275 = tpu.memref_slice %arg5[%multiple_of3A_273, %dma_wait3A_274] : memref<819200x128xf32, #tpu.memory_space<hbm>> -> memref<200x128xf32, #tpu.memory_space<hbm>>
    %dma_wait3A_276 = arith.constant 0 : i32
    %dma_wait3A_277 = tpu.memref_slice %arg5[%multiple_of3A_273, %dma_wait3A_276] : memref<819200x128xf32, #tpu.memory_space<hbm>> -> memref<200x128xf32, #tpu.memory_space<hbm>>
    tpu.wait_dma2 semaphore(%arg14 : memref<!tpu.dma_semaphore, #tpu.memory_space<semaphore_mem>>) src(%arg8 : memref<200x128xf32, #tpu.memory_space<vmem>>) dst(%dma_wait3A_277 : memref<200x128xf32, #tpu.memory_space<hbm>>)
    %add3A_278 = arith.constant 25400 : i32
    %add3A_279 = arith.addi %mul3A_2, %add3A_278 : i32
    %multiple_of3A_280 = tpu.assume_multiple %add3A_279, 8 : i32
    %dma_wait3A_281 = arith.constant 0 : i32
    %dma_wait3A_282 = tpu.memref_slice %arg5[%multiple_of3A_280, %dma_wait3A_281] : memref<819200x128xf32, #tpu.memory_space<hbm>> -> memref<200x128xf32, #tpu.memory_space<hbm>>
    %dma_wait3A_283 = arith.constant 0 : i32
    %dma_wait3A_284 = tpu.memref_slice %arg5[%multiple_of3A_280, %dma_wait3A_283] : memref<819200x128xf32, #tpu.memory_space<hbm>> -> memref<200x128xf32, #tpu.memory_space<hbm>>
    tpu.wait_dma2 semaphore(%arg15 : memref<!tpu.dma_semaphore, #tpu.memory_space<semaphore_mem>>) src(%arg9 : memref<200x128xf32, #tpu.memory_space<vmem>>) dst(%dma_wait3A_284 : memref<200x128xf32, #tpu.memory_space<hbm>>)
    return
  }
}

</mosaic_0001>

<sc_bundles>
// kernel: kernel.3.cloned.1.call-start
scs
__scs_entry_jumppad:
0x0: {  	(pc) =	sbr.rel $0x88, $3  }
0x1: {  	(tag) =	ssettag $0x0;
	lr =	simm.s32 $0x1  }
0x2: {  	[smem:$0x3F9E] =	sst lr;
	_ =	strace $0xD0000000  }
0x3: {  	_ = 	snop  }
0x4: {  	_ = 	snop  }
0x5: {  	_ = 	snop  }
0x6: {  	_ = 	snop  }
0x7: {  	_ = 	snop  }
__scs_overlays_trampoline_lowered:
0x8: {  	[smem:$0x3FAD] =	sst s0  }
0x9: {  	[smem:$0x3FAE] =	sst s1  }
0xa: {  	[smem:$0x3FAF] =	sst s2  }
0xb: {  	[smem:$0x3FB0] =	sst s3  }
0xc: {  	[smem:$0x3FB1] =	sst s4  }
0xd: {  	[smem:$0x3FB2] =	sst s5  }
0xe: {  	[smem:$0x3FB3] =	sst s6  }
0xf: {  	[smem:$0x3FB4] =	sst s7  }
0x10: {  	[smem:$0x3FB5] =	sst s8  }
0x11: {  	[smem:$0x3FB6] =	sst s9;
	s0 =	simm.s32 @!p0 $0x0  }
0x12: {  	s1 =	sld [smem:$0x3F9C];
	s0 =	simm.s32 @p0 $0x1  }
0x13: {  	[smem:$0x3FB7] =	sst s0;
	s0 =	simm.s32 @!p1 $0x0  }
0x14: {  	s2 =	sld [smem:$0x3F9B];
	s0 =	simm.s32 @p1 $0x1  }
0x15: {  	[smem:$0x3FB8] =	sst s0;
	s0 =	simm.s32 @!p2 $0x0  }
0x16: {  	s3 =	sld [smem:$0x3FDB];
	s0 =	simm.s32 @p2 $0x1  }
0x17: {  	s4 =	simm.s32 $0x1BF5;
	[smem:$0x3FBA] =	sst s0  }
0x18: {  	s0 =	sld [smem:$0x3F9D];
	_ =	swait.ge [sflag:s4], $0x0  }
0x19: {  	s7 =	sld [smem:$0x3F9E]  }
0x1a: {  	s8 =	sadd.s32 $0xFFFFE003, lr  }
0x1b: {  	s9 =	sadd.s32 $0xFFFFFEF7, lr;
	s5 =	simm.s32 $0xFFFFFFFF;
	p2 =	slt.u32 s8, $0xFFFFF086  }
0x1c: {  	p1 =	slt.u32 s9, $0xF7A;
	s5 =	simm.s32 @!p2 $0x0  }
0x1d: {  	s5 =	simm.s32 @p1 $0x1;
	p0 =	seq.s32 s7, s2  }
0x1e: {  	s7 =	smul.u32 @!p0 $0xF7A, s2;
	p2 =	seq.s32 @!p0 s5, $0x0  }
0x1f: {  	s9 =	smul.u32 $0xF7A, s1;
	s8 =	simm.s32 @!p0 $0x1BF5;
	p2 =	por !p2, p0  }
0x20: {  	[sflag:s8] =	ssyncset.s32 @!p0 $0xFFFFF086;
	s6 =	sadd.s32 @!p0 s3, s7;
	s7 =	simm.s32 @!p0 $0x108  }
0x21: {  	s3 =	sadd.s32 s3, s9;
	s6 =	sadd.s32 @!p0 $0x88, s6;
	s7 =	simm.s32 @p2 $0x1082  }
0x22: {  	[simem:s7], [sflag:s8] =	dma.local @!p0 [hbm:s6], $0xF7A  }
0x23: {  	s9 =	sor.u32 $0xD0000000, s2;
	s6 =	simm.s32 $0x108;
	_ =	swait.ge @!p0 [sflag:s8], $0x0  }
0x24: {  	s3 =	sadd.s32 $0x88, s3;
	s6 =	simm.s32 @!p1 $0x1082;
	[sflag:s4] =	ssyncset.s32 $0xFFFFF086  }
0x25: {  	[simem:s6], [sflag:s4] =	dma.local [hbm:s3], $0xF7A  }
0x26: {  	[smem:$0x3F9E] =	sst s1;
	(tag) =	ssettag s2;
	_ =	strace s9  }
0x27: {  	s1 =	sld [smem:$0x3FAE]  }
0x28: {  	s2 =	sld [smem:$0x3FAF]  }
0x29: {  	s4 =	sld [smem:$0x3FB1]  }
0x2a: {  	p0 =	seq.s32 s5, $0x0;
	s5 =	sld [smem:$0x3FB2]  }
0x2b: {  	s6 =	sld [smem:$0x3FB3]  }
0x2c: {  	s7 =	sld [smem:$0x3FB4]  }
0x2d: {  	s3 =	simm.s32 $0x108;
	s8 =	sld [smem:$0x3FB5]  }
0x2e: {  	s3 =	simm.s32 @!p0 $0x1082;
	s9 =	sld [smem:$0x3FB6]  }
0x2f: {  	lr =	sadd.s32 s0, s3;
	s0 =	sld [smem:$0x3FAD]  }
0x30: {  	s3 =	sld [smem:$0x3FB0]  }
0x31: {  	[smem:$0x3FB9] =	sst s10  }
0x32: {  	s10 =	sld [smem:$0x3FB7];
	_ =	sdelay $0x3  }
0x33: {  	p0 =	seq.s32 s10, $0x1;
	s10 =	sld [smem:$0x3FB9];
	_ =	sdelay $0x3  }
0x34: {  	[smem:$0x3FB9] =	sst s10  }
0x35: {  	s10 =	sld [smem:$0x3FB8];
	_ =	sdelay $0x3  }
0x36: {  	p1 =	seq.s32 s10, $0x1;
	s10 =	sld [smem:$0x3FB9];
	_ =	sdelay $0x3  }
0x37: {  	[smem:$0x3FB9] =	sst s10  }
0x38: {  	s10 =	sld [smem:$0x3FBA]  }
0x39: {  	_ = 	snop;
	(pc) =	sbr.ind lr, $3  }
0x3a: {  	_ = 	snop  }
0x3b: {  	_ = 	snop  }
0x3c: {  	p2 =	seq.s32 s10, $0x1;
	s10 =	sld [smem:$0x3FB9]  }
0x3d: {  	_ =	shalt  }
0x3e: {  	_ =	shalt  }
0x3f: {  	_ =	shalt  }
0x40: {  	_ =	shalt  }
0x41: {  	_ =	shalt  }
0x42: {  	_ =	shalt  }
0x43: {  	_ =	shalt  }
0x44: {  	_ =	shalt  }
0x45: {  	_ =	shalt  }
0x46: {  	_ =	shalt  }
0x47: {  	_ =	shalt  }
0x48: {  	_ =	shalt  }
0x49: {  	_ =	shalt  }
0x4a: {  	_ =	shalt  }
0x4b: {  	_ =	shalt  }
0x4c: {  	_ =	shalt  }
0x4d: {  	_ =	shalt  }
0x4e: {  	_ =	shalt  }
0x4f: {  	_ =	shalt  }
0x50: {  	_ =	shalt  }
0x51: {  	_ =	shalt  }
0x52: {  	_ =	shalt  }
0x53: {  	_ =	shalt  }
0x54: {  	_ =	shalt  }
0x55: {  	_ =	shalt  }
0x56: {  	_ =	shalt  }
0x57: {  	_ =	shalt  }
0x58: {  	_ =	shalt  }
0x59: {  	_ =	shalt  }
0x5a: {  	_ =	shalt  }
0x5b: {  	_ =	shalt  }
0x5c: {  	_ =	shalt  }
0x5d: {  	_ =	shalt  }
0x5e: {  	_ =	shalt  }
0x5f: {  	_ =	shalt  }
0x60: {  	_ =	shalt  }
0x61: {  	_ =	shalt  }
0x62: {  	_ =	shalt  }
0x63: {  	_ =	shalt  }
0x64: {  	_ =	shalt  }
0x65: {  	_ =	shalt  }
0x66: {  	_ =	shalt  }
0x67: {  	_ =	shalt  }
0x68: {  	_ =	shalt  }
0x69: {  	_ =	shalt  }
0x6a: {  	_ =	shalt  }
0x6b: {  	_ =	shalt  }
0x6c: {  	_ =	shalt  }
0x6d: {  	_ =	shalt  }
0x6e: {  	_ =	shalt  }
0x6f: {  	_ =	shalt  }
0x70: {  	_ =	shalt  }
0x71: {  	_ =	shalt  }
0x72: {  	_ =	shalt  }
0x73: {  	_ =	shalt  }
0x74: {  	_ =	shalt  }
0x75: {  	_ =	shalt  }
0x76: {  	_ =	shalt  }
0x77: {  	_ =	shalt  }
0x78: {  	_ =	shalt  }
0x79: {  	_ =	shalt  }
0x7a: {  	_ =	shalt  }
0x7b: {  	_ =	shalt  }
0x7c: {  	_ =	shalt  }
0x7d: {  	_ =	shalt  }
0x7e: {  	_ =	shalt  }
0x7f: {  	_ =	shalt  }
0x80: {  	_ =	shalt  }
0x81: {  	_ =	shalt  }
0x82: {  	_ =	shalt  }
0x83: {  	_ =	shalt  }
0x84: {  	_ =	shalt  }
0x85: {  	_ =	shalt  }
0x86: {  	_ =	shalt  }
0x87: {  	_ =	shalt  }
.Lfunc_end0:
.L_simem_size_0:
called_computation_lowered:
.L_overlay_start_0:
0x88: {  	s2 =	sld [smem:$0x3FD9]  }
0x89: {  	s3 =	sld [smem:$0x3FFE];
	_ =	sdelay $0x1  }
0x8a: {  	s1 =	srdreg.scid  }
0x8b: {  	s0 =	sand.u32 $0x1, s1  }
0x8c: {  	s17 =	sshll.u32 s0, $0xA;
	s2 =	sadd.s32 s3, s2  }
0x8d: {  	s2 =	sadd.s32 s2, s17  }
0x8e: {  	[smem:$0x3FC5] =	sst s2  }
0x8f: {  	_ = 	snop  }
0x90: {  	s2 =	sld [smem:$0x3FC8]  }
0x91: {  	s18 =	sld [smem:$0x3FC7]  }
0x92: {  	s4 =	sld [smem:$0x3FD0];
	(tm) =	ssettm $0x1  }
0x93: {  	s5 =	sld [smem:$0x3FFB];
	_ =	sdelay $0x3  }
0x94: {  	_ =	strace s5  }
0x95: {  	s5 =	sld [smem:$0x3FFC];
	_ =	sdelay $0x3  }
0x96: {  	_ =	strace s5  }
0x97: {  	s5 =	sld [smem:$0x3FFD];
	_ =	sdelay $0x3  }
0x98: {  	_ =	strace s5  }
0x99: {  	_ =	strace $0x8FFFFFFF  }
0x9a: {  	s19 =	sld [smem:$0x3FDB];
	_ =	sdelay $0x1  }
0x9b: {  	s6 =	simm.s32 $_scs_section_size  }
0x9c: {  	s7 =	simm.s32 $_size__tile_overlayer_lowered;
	s8 =	simm.s32 $_tile_overlayer_lowered  }
0x9d: {  	s22 =	simm.s32 $0x1BFF;
	s21 =	sshll.u32 s8, $0x1;
	s5 =	sadd.s32 s6, s19  }
0x9e: {  	s9 =	simm.s32 $0x0;
	s20 =	sshll.u32 s7, $0x1;
	s7 =	sadd.s32 s21, s5  }
0x9f: {  	[timem:s9], [sflag:s22] =	dma.local [hbm:s7], s20  }
0xa0: {  	_ =	swait.ge [sflag:s22], s20  }
0xa1: {  	s6 =	ssub.s32 $0x0, s20;
	[sflag:s22] =	ssyncset.done $0x0  }
0xa2: {  	[sflag:s22] =	ssyncadd.s32 s6;
	_ =	sdelay $0x1  }
0xa3: {  	s23 =	simm.s32 $0x1B8B  }
0xa4: {  	_ =	swait.ge [sflag:s23], $0x1  }
0xa5: {  	[sflag:s23] =	ssyncset.done $0x0  }
0xa6: {  	s25 =	simm.s32 $0x1B8E;
	s24 =	sld [smem:$0x3FFE];
	[sflag:s23] =	ssyncadd.s32 $0xFFFFFFFF  }
0xa7: {  	s26 =	simm.s32 $execute0_lowered;
	[smem:$0x3FD2] =	sst s25  }
0xa8: {  	s7 =	sshll.u32 s26, $0x1;
	_ =	strace $0x80000046;
	[dreg:$0x1] =	wrdreg $0xFFFFFFFF  }
0xa9: {  	s28 =	simm.s32 $_size_execute0_lowered;
	s5 =	sadd.s32 s5, s7;
	[dreg:$0x0] =	wrdreg $0x0  }
0xaa: {  	s7 =	sshll.u32 s28, $0x1;
	[dreg:$0x2] =	wrdreg s5  }
0xab: {  	[dreg:$0x3] =	wrdreg s7  }
0xac: {  	[dreg:$0x4] =	wrdreg $0xC0  }
0xad: {  	_ =	task [dreg:s9], $0x5FFFF  }
0xae: {  	[dreg:$0x1] =	wrdreg $0xFFFFFFFF  }
0xaf: {  	[dreg:$0x0] =	wrdreg $0x60  }
0xb0: {  	[dreg:$0x2] =	wrdreg s24  }
0xb1: {  	[dreg:$0x3] =	wrdreg s2  }
0xb2: {  	[dreg:$0x4] =	wrdreg s18  }
0xb3: {  	[dreg:$0x5] =	wrdreg s4  }
0xb4: {  	[dreg:$0x6] =	wrdreg $0x9  }
0xb5: {  	_ =	task.clear_ibuf [dreg:s9], $0x7FFFF;
	_ =	strace $0x90000046  }
0xb6: {  	s29 =	simm.s32 $0x9;
	_ =	strace $0x80000048  }
0xb7: {  	_ =	swait.ge [sflag:s29], $0x1  }
0xb8: {  	[sflag:s29] =	ssyncadd.s32 $0xFFFFFFFF  }
0xb9: {  	_ =	strace $0x90000048  }
0xba: {  	_ =	sfence  }
0xbb: {  	s30 =	sld [smem:$0x0];
	_ =	sdelay $0x2  }
0xbc: {  	s31 =	sshll.u32 s1, $0xD;
	s1 =	sshrl.u32 s1, $0x2  }
0xbd: {  	s3 =	sand.u32 $0x4000, s31;
	s1 =	sadd.s32 s1, s30  }
0xbe: {  	s0 =	sor.u32 s3, s0;
	s1 =	sshll.u32 s1, $0x11  }
0xbf: {  	s0 =	sor.u32 s1, s0  }
0xc0: {  	s0 =	sadd.s32 $0x8F2B, s0  }
0xc1: {  	[sflag:s0] =	ssyncadd.remote.s32 $0x1  }
0xc2: {  	_ =	sfence.sel $0xFFFF  }
0xc3: {  	[dreg:$0x0] =	wrdreg $0xFFFFFFFF;
	(pc) =	sbr.abs _section_cstart, $3  }
0xc4: {  	[dreg:$0x1] =	wrdreg $0xFFFFFFFF  }
0xc5: {  	_ =	task.clear_ibuf [dreg:s9], $0x2FFFF;
	_ =	strace $0x9FFFFFFF  }
0xc6: {  	(tm) =	ssettm $0x7FFFFFFF  }
0xc7: {  	_ =	shalt  }
tec
execute0_lowered:
.L_overlay_start_1:
0x0: {  	(tag) =	ssettag $0x1  }
0x1: {  	s0 =	rddreg [dreg:$0x0]  }
0x2: {  	s1 =	rddreg [dreg:$0x1]  }
0x3: {  	s2 =	srdreg.scid;
	s3 =	stileid.u32  }
0x4: {  	s4 =	rddreg [dreg:$0x3];
	s5 =	simm.s32 $0x0;
	s14 =	simm.s32 $0x7  }
0x5: {  	s16 =	simm.s32 $0x80;
	s17 =	simm.s32 $0xC800;
	s18 =	simm.s32 $0x48  }
0x6: {  	s19 =	simm.s32 $0x10800;
	s21 =	simm.s32 $0x12C00;
	s23 =	simm.s32 $0x16C00  }
0x7: {  	s24 =	simm.s32 $0x1;
	s29 =	simm.s32 $0x1D000;
	s30 =	simm.s32 $0x2  }
0x8: {  	s31 =	simm.s32 $0x4;
	s2 =	sand.u32 $0x1, s2;
	s3 =	sshll.u32 s3, $0x1  }
0x9: {  	s15 =	simm.s32 $0x5;
	s20 =	simm.s32 $0x6;
	s3 =	sor.u32 s2, s3  }
0xa: {  	s28 =	simm.s32 $0x0;
	s2 =	ssub.s32 $0x2, s2;
	s6 =	smul.u32 $0x6400, s3  }
0xb: {  	[smem:$0x7FF] =	sst s5;
	s7 =	smul.u32 $0x320000, s3;
	s9 =	sshrl.u32 s2, $0x1  }
0xc: {  	_ =	strace $0x80000047;
	s3 =	smul.u32 $0x64000, s3;
	s2 =	ssub.s32 s2, s9  }
0xd: {  	s8 =	sshrl.u32 s6, $0x3;
	s7 =	sshrl.u32 s7, $0x3;
	s13 =	smax.u32 s2, $0x1  }
0xe: {  	s0 =	sadd.s32 s8, s0;
	s8 =	sadd.s32 s4, s3;
	s26 =	sadd.s32 s4, s7  }
0xf: {  	s0 =	sadd.s32 $0x400, s0;
	s3 =	sadd.s32 $0xC80, s8;
	s10 =	sadd.s32 $0x1900, s8  }
0x10: {  	s11 =	sadd.s32 $0x62700, s26;
	s12 =	sadd.s32 $0x63380, s26;
	[dreg:$0x5] =	wrdreg s0  }
0x11: {  	s26 =	simm.s32 $0x19000;
	[dreg:$0x6] =	wrdreg s3;
	s3 =	simm.s32 $0x3  }
.LBB2_1:
0x12: {  	s0 =	rddreg [dreg:$0x5]  }
0x13: {  	[tilespmem:s5], [sflag:$0x7] =	stream.linear.gather [hbm4b:s0+s5], $0x6400, $0x38;
	[tilespmem:$0x1F400] =	vst v63  }
0x14: {  	_ =	swait.ge [sflag:s14], $0x6400  }
0x15: {  	[sflag:s14] =	ssyncset.done $0x0  }
0x16: {  	[sflag:s14] =	ssyncadd.s32 $0xFFFF9C00  }
0x17: {  	s2 =	simm.s32 $0x6400;
	s9 =	rddreg [dreg:$0x2]  }
0x18: {  	[tilespmem:s2], [sflag:$0x7] =	stream.linear.gather [hbm4b:s9+s5], $0x6400, $0x38;
	[tilespmem:$0x1F400] =	vst v63  }
0x19: {  	_ =	swait.ge [sflag:s14], $0x6400  }
0x1a: {  	[sflag:s14] =	ssyncset.done $0x0  }
0x1b: {  	[sflag:s14] =	ssyncadd.s32 $0xFFFF9C00  }
0x1c: {  	[tilespmem:s17], [sflag:$0x1] =	stream.indirect.gather [hbm4b:s1+s16], $0x80, s5, s16, $0xb8;
	[tilespmem:$0x1F400] =	vst v63  }
0x1d: {  	_ = 	snop  }
0x1e: {  	[tilespmem:s19], [sflag:$0x1] =	stream.indirect.gather [hbm4b:s1+s18], $0x80, s16, s18, $0xb8;
	[tilespmem:$0x1F400] =	vst v63  }
0x1f: {  	s22 =	simm.s32 $0xC8  }
0x20: {  	[tilespmem:s21], [sflag:$0x2] =	stream.indirect.gather [hbm4b:s1+s16], $0x80, s22, s16, $0xb8;
	[tilespmem:$0x1F400] =	vst v63  }
0x21: {  	s25 =	simm.s32 $0x148  }
0x22: {  	[tilespmem:s23], [sflag:$0x2] =	stream.indirect.gather [hbm4b:s1+s18], $0x80, s25, s18, $0xb8;
	[tilespmem:$0x1F400] =	vst v63  }
0x23: {  	_ =	swait.ge [sflag:s24], $0x4000  }
0x24: {  	[sflag:s24] =	ssyncset.done $0x0  }
0x25: {  	[sflag:s24] =	ssyncadd.s32 $0xFFFFC000  }
0x26: {  	_ =	swait.ge [sflag:s24], $0x2400  }
0x27: {  	[sflag:s24] =	ssyncset.done $0x0  }
0x28: {  	s0 =	simm.s32 $0x0;
	s2 =	simm.s32 $0x400;
	[sflag:s24] =	ssyncadd.s32 $0xFFFFDC00  }
.LBB2_2:
0x29: {  	p0 =	sne.s32 s2, $0x18C00;
	v0 =	vld [tilespmem:s0+$0x64F0]  }
0x2a: {  	v1 =	vld [tilespmem:s0+$0x6400]  }
0x2b: {  	v2 =	vld [tilespmem:s0+$0x6410]  }
0x2c: {  	v3 =	vld [tilespmem:s0+$0x6420]  }
0x2d: {  	v4 =	vld [tilespmem:s0+$0x6430]  }
0x2e: {  	[tilespmem:s0+$0xC8F0] =	vst.add.f32.msk $0xffff, v0  }
0x2f: {  	v0 =	vld [tilespmem:s0+$0x6440]  }
0x30: {  	v5 =	vld [tilespmem:s0+$0x6450]  }
0x31: {  	v6 =	vld [tilespmem:s0+$0x6460]  }
0x32: {  	v7 =	vld [tilespmem:s0+$0x6470]  }
0x33: {  	v8 =	vld [tilespmem:s0+$0x6480]  }
0x34: {  	v9 =	vld [tilespmem:s0+$0x6490]  }
0x35: {  	v10 =	vld [tilespmem:s0+$0x64A0]  }
0x36: {  	v11 =	vld [tilespmem:s0+$0x64B0]  }
0x37: {  	v12 =	vld [tilespmem:s0+$0x64C0]  }
0x38: {  	v13 =	vld [tilespmem:s0+$0x64D0]  }
0x39: {  	v14 =	vld [tilespmem:s0+$0x64E0]  }
0x3a: {  	[tilespmem:s0+$0xC800] =	vst.add.f32.msk $0xffff, v1  }
0x3b: {  	[tilespmem:s0+$0xC810] =	vst.add.f32.msk $0xffff, v2  }
0x3c: {  	[tilespmem:s0+$0xC820] =	vst.add.f32.msk $0xffff, v3  }
0x3d: {  	[tilespmem:s0+$0xC830] =	vst.add.f32.msk $0xffff, v4  }
0x3e: {  	[tilespmem:s0+$0xC840] =	vst.add.f32.msk $0xffff, v0  }
0x3f: {  	[tilespmem:s0+$0xC850] =	vst.add.f32.msk $0xffff, v5  }
0x40: {  	[tilespmem:s0+$0xC860] =	vst.add.f32.msk $0xffff, v6  }
0x41: {  	[tilespmem:s0+$0xC870] =	vst.add.f32.msk $0xffff, v7  }
0x42: {  	[tilespmem:s0+$0xC880] =	vst.add.f32.msk $0xffff, v8  }
0x43: {  	[tilespmem:s0+$0xC890] =	vst.add.f32.msk $0xffff, v9  }
.Ltmp0:
0x44: {  	[tilespmem:s0+$0xC8A0] =	vst.add.f32.msk $0xffff, v10;
	(pc) =	sbr.rel @p0 .LBB2_2-.Ltmp0, $4  }
0x45: {  	[tilespmem:s0+$0xC8B0] =	vst.add.f32.msk $0xffff, v11  }
0x46: {  	[tilespmem:s0+$0xC8C0] =	vst.add.f32.msk $0xffff, v12  }
0x47: {  	[tilespmem:s0+$0xC8D0] =	vst.add.f32.msk $0xffff, v13  }
0x48: {  	[tilespmem:s0+$0xC8E0] =	vst.add.f32.msk $0xffff, v14;
	s0 =	sshra.s32 s2, $0x2;
	s2 =	sadd.s32 $0x400, s2  }
0x49: {  	v0 =	vld [tilespmem:s0+$0x64F0]  }
0x4a: {  	v1 =	vld [tilespmem:s0+$0x6400]  }
0x4b: {  	v2 =	vld [tilespmem:s0+$0x6410]  }
0x4c: {  	v3 =	vld [tilespmem:s0+$0x6420]  }
0x4d: {  	v4 =	vld [tilespmem:s0+$0x6430]  }
0x4e: {  	v63 =	vld [tilespmem:s0+$0x6440]  }
0x4f: {  	v5 =	vld [tilespmem:s0+$0x6450]  }
0x50: {  	v6 =	vld [tilespmem:s0+$0x6460]  }
0x51: {  	v7 =	vld [tilespmem:s0+$0x6470]  }
0x52: {  	v8 =	vld [tilespmem:s0+$0x6480]  }
0x53: {  	v9 =	vld [tilespmem:s0+$0x6490]  }
0x54: {  	v10 =	vld [tilespmem:s0+$0x64A0]  }
0x55: {  	v11 =	vld [tilespmem:s0+$0x64B0]  }
0x56: {  	v12 =	vld [tilespmem:s0+$0x64C0]  }
0x57: {  	v13 =	vld [tilespmem:s0+$0x64D0]  }
0x58: {  	v14 =	vld [tilespmem:s0+$0x64E0]  }
0x59: {  	[tilespmem:s0+$0xC8F0] =	vst.add.f32.msk $0xffff, v0  }
0x5a: {  	[tilespmem:s0+$0xC800] =	vst.add.f32.msk $0xffff, v1  }
0x5b: {  	[tilespmem:s0+$0xC810] =	vst.add.f32.msk $0xffff, v2  }
0x5c: {  	[tilespmem:s0+$0xC820] =	vst.add.f32.msk $0xffff, v3  }
0x5d: {  	[tilespmem:s0+$0xC830] =	vst.add.f32.msk $0xffff, v4  }
0x5e: {  	[tilespmem:s0+$0xC840] =	vst.add.f32.msk $0xffff, v63  }
0x5f: {  	[tilespmem:s0+$0xC850] =	vst.add.f32.msk $0xffff, v5  }
0x60: {  	[tilespmem:s0+$0xC860] =	vst.add.f32.msk $0xffff, v6  }
0x61: {  	[tilespmem:s0+$0xC870] =	vst.add.f32.msk $0xffff, v7  }
0x62: {  	[tilespmem:s0+$0xC880] =	vst.add.f32.msk $0xffff, v8  }
0x63: {  	[tilespmem:s0+$0xC890] =	vst.add.f32.msk $0xffff, v9  }
0x64: {  	[tilespmem:s0+$0xC8A0] =	vst.add.f32.msk $0xffff, v10  }
0x65: {  	[tilespmem:s0+$0xC8B0] =	vst.add.f32.msk $0xffff, v11  }
0x66: {  	[tilespmem:s0+$0xC8C0] =	vst.add.f32.msk $0xffff, v12  }
0x67: {  	[tilespmem:s0+$0xC8D0] =	vst.add.f32.msk $0xffff, v13  }
0x68: {  	s9 =	simm.s32 $0x0;
	[tilespmem:s0+$0xC8E0] =	vst.add.f32.msk $0xffff, v14  }
0x69: {  	[hbm4b:s8+s9] =	stream.linear.scatter [tilespmem:s17], [sflag:$0x4], $0x6400, $0x38;
	[tilespmem:$0x1F400] =	vst v63  }
0x6a: {  	s22 =	simm.s32 $0x190  }
0x6b: {  	[tilespmem:s26], [sflag:$0x3] =	stream.indirect.gather [hbm4b:s1+s16], $0x80, s22, s16, $0xb8;
	[tilespmem:$0x1F400] =	vst v63  }
0x6c: {  	s25 =	simm.s32 $0x210  }
0x6d: {  	[tilespmem:s29], [sflag:$0x3] =	stream.indirect.gather [hbm4b:s1+s18], $0x80, s25, s18, $0xb8;
	[tilespmem:$0x1F400] =	vst v63  }
0x6e: {  	_ =	swait.ge [sflag:s30], $0x4000  }
0x6f: {  	[sflag:s30] =	ssyncset.done $0x0  }
0x70: {  	[sflag:s30] =	ssyncadd.s32 $0xFFFFC000  }
0x71: {  	_ =	swait.ge [sflag:s30], $0x2400  }
0x72: {  	[sflag:s30] =	ssyncset.done $0x0  }
0x73: {  	s2 =	simm.s32 $0x400;
	s0 =	simm.s32 $0x0;
	[sflag:s30] =	ssyncadd.s32 $0xFFFFDC00  }
.LBB2_4:
0x74: {  	p0 =	sne.s32 s2, $0x18C00;
	v0 =	vld [tilespmem:s0+$0x64F0]  }
0x75: {  	v1 =	vld [tilespmem:s0+$0x6400]  }
0x76: {  	v2 =	vld [tilespmem:s0+$0x6410]  }
0x77: {  	v3 =	vld [tilespmem:s0+$0x6420]  }
0x78: {  	v4 =	vld [tilespmem:s0+$0x6430]  }
0x79: {  	[tilespmem:s0+$0x12CF0] =	vst.add.f32.msk $0xffff, v0  }
0x7a: {  	v0 =	vld [tilespmem:s0+$0x6440]  }
0x7b: {  	v5 =	vld [tilespmem:s0+$0x6450]  }
0x7c: {  	v6 =	vld [tilespmem:s0+$0x6460]  }
0x7d: {  	v7 =	vld [tilespmem:s0+$0x6470]  }
0x7e: {  	v8 =	vld [tilespmem:s0+$0x6480]  }
0x7f: {  	v9 =	vld [tilespmem:s0+$0x6490]  }
0x80: {  	v10 =	vld [tilespmem:s0+$0x64A0]  }
0x81: {  	v11 =	vld [tilespmem:s0+$0x64B0]  }
0x82: {  	v12 =	vld [tilespmem:s0+$0x64C0]  }
0x83: {  	v13 =	vld [tilespmem:s0+$0x64D0]  }
0x84: {  	v14 =	vld [tilespmem:s0+$0x64E0]  }
0x85: {  	[tilespmem:s0+$0x12C00] =	vst.add.f32.msk $0xffff, v1  }
0x86: {  	[tilespmem:s0+$0x12C10] =	vst.add.f32.msk $0xffff, v2  }
0x87: {  	[tilespmem:s0+$0x12C20] =	vst.add.f32.msk $0xffff, v3  }
0x88: {  	[tilespmem:s0+$0x12C30] =	vst.add.f32.msk $0xffff, v4  }
0x89: {  	[tilespmem:s0+$0x12C40] =	vst.add.f32.msk $0xffff, v0  }
0x8a: {  	[tilespmem:s0+$0x12C50] =	vst.add.f32.msk $0xffff, v5  }
0x8b: {  	[tilespmem:s0+$0x12C60] =	vst.add.f32.msk $0xffff, v6  }
0x8c: {  	[tilespmem:s0+$0x12C70] =	vst.add.f32.msk $0xffff, v7  }
0x8d: {  	[tilespmem:s0+$0x12C80] =	vst.add.f32.msk $0xffff, v8  }
0x8e: {  	[tilespmem:s0+$0x12C90] =	vst.add.f32.msk $0xffff, v9  }
.Ltmp1:
0x8f: {  	[tilespmem:s0+$0x12CA0] =	vst.add.f32.msk $0xffff, v10;
	(pc) =	sbr.rel @p0 .LBB2_4-.Ltmp1, $4  }
0x90: {  	[tilespmem:s0+$0x12CB0] =	vst.add.f32.msk $0xffff, v11  }
0x91: {  	[tilespmem:s0+$0x12CC0] =	vst.add.f32.msk $0xffff, v12  }
0x92: {  	[tilespmem:s0+$0x12CD0] =	vst.add.f32.msk $0xffff, v13  }
0x93: {  	[tilespmem:s0+$0x12CE0] =	vst.add.f32.msk $0xffff, v14;
	s0 =	sshra.s32 s2, $0x2;
	s2 =	sadd.s32 $0x400, s2  }
0x94: {  	v0 =	vld [tilespmem:s0+$0x64F0]  }
0x95: {  	v1 =	vld [tilespmem:s0+$0x6400]  }
0x96: {  	v2 =	vld [tilespmem:s0+$0x6410]  }
0x97: {  	v3 =	vld [tilespmem:s0+$0x6420]  }
0x98: {  	v4 =	vld [tilespmem:s0+$0x6430]  }
0x99: {  	v63 =	vld [tilespmem:s0+$0x6440]  }
0x9a: {  	v5 =	vld [tilespmem:s0+$0x6450]  }
0x9b: {  	v6 =	vld [tilespmem:s0+$0x6460]  }
0x9c: {  	v7 =	vld [tilespmem:s0+$0x6470]  }
0x9d: {  	v8 =	vld [tilespmem:s0+$0x6480]  }
0x9e: {  	v9 =	vld [tilespmem:s0+$0x6490]  }
0x9f: {  	v10 =	vld [tilespmem:s0+$0x64A0]  }
0xa0: {  	v11 =	vld [tilespmem:s0+$0x64B0]  }
0xa1: {  	v12 =	vld [tilespmem:s0+$0x64C0]  }
0xa2: {  	v13 =	vld [tilespmem:s0+$0x64D0]  }
0xa3: {  	v14 =	vld [tilespmem:s0+$0x64E0]  }
0xa4: {  	[tilespmem:s0+$0x12CF0] =	vst.add.f32.msk $0xffff, v0  }
0xa5: {  	[tilespmem:s0+$0x12C00] =	vst.add.f32.msk $0xffff, v1  }
0xa6: {  	[tilespmem:s0+$0x12C10] =	vst.add.f32.msk $0xffff, v2  }
0xa7: {  	[tilespmem:s0+$0x12C20] =	vst.add.f32.msk $0xffff, v3  }
0xa8: {  	[tilespmem:s0+$0x12C30] =	vst.add.f32.msk $0xffff, v4  }
0xa9: {  	[tilespmem:s0+$0x12C40] =	vst.add.f32.msk $0xffff, v63  }
0xaa: {  	[tilespmem:s0+$0x12C50] =	vst.add.f32.msk $0xffff, v5  }
0xab: {  	[tilespmem:s0+$0x12C60] =	vst.add.f32.msk $0xffff, v6  }
0xac: {  	[tilespmem:s0+$0x12C70] =	vst.add.f32.msk $0xffff, v7  }
0xad: {  	[tilespmem:s0+$0x12C80] =	vst.add.f32.msk $0xffff, v8  }
0xae: {  	[tilespmem:s0+$0x12C90] =	vst.add.f32.msk $0xffff, v9  }
0xaf: {  	[tilespmem:s0+$0x12CA0] =	vst.add.f32.msk $0xffff, v10  }
0xb0: {  	[tilespmem:s0+$0x12CB0] =	vst.add.f32.msk $0xffff, v11  }
0xb1: {  	[tilespmem:s0+$0x12CC0] =	vst.add.f32.msk $0xffff, v12  }
0xb2: {  	[tilespmem:s0+$0x12CD0] =	vst.add.f32.msk $0xffff, v13  }
0xb3: {  	s9 =	simm.s32 $0x0;
	s2 =	rddreg [dreg:$0x6];
	[tilespmem:s0+$0x12CE0] =	vst.add.f32.msk $0xffff, v14  }
0xb4: {  	[hbm4b:s2+s9] =	stream.linear.scatter [tilespmem:s21], [sflag:$0x5], $0x6400, $0x38;
	[tilespmem:$0x1F400] =	vst v63  }
0xb5: {  	_ =	swait.ge [sflag:s31], $0x6400  }
0xb6: {  	[sflag:s31] =	ssyncset.done $0x0  }
0xb7: {  	s22 =	simm.s32 $0x258;
	[sflag:s31] =	ssyncadd.s32 $0xFFFF9C00  }
0xb8: {  	[tilespmem:s17], [sflag:$0x1] =	stream.indirect.gather [hbm4b:s1+s16], $0x80, s22, s16, $0xb8;
	[tilespmem:$0x1F400] =	vst v63  }
0xb9: {  	s25 =	simm.s32 $0x2D8  }
0xba: {  	[tilespmem:s19], [sflag:$0x1] =	stream.indirect.gather [hbm4b:s1+s18], $0x80, s25, s18, $0xb8;
	[tilespmem:$0x1F400] =	vst v63  }
0xbb: {  	_ =	swait.ge [sflag:s3], $0x4000  }
0xbc: {  	[sflag:s3] =	ssyncset.done $0x0  }
0xbd: {  	[sflag:s3] =	ssyncadd.s32 $0xFFFFC000  }
0xbe: {  	_ =	swait.ge [sflag:s3], $0x2400  }
0xbf: {  	[sflag:s3] =	ssyncset.done $0x0  }
0xc0: {  	s0 =	simm.s32 $0x0;
	s2 =	simm.s32 $0x400;
	[sflag:s3] =	ssyncadd.s32 $0xFFFFDC00  }
.LBB2_6:
0xc1: {  	p0 =	sne.s32 s2, $0x18C00;
	v0 =	vld [tilespmem:s0+$0x64F0]  }
0xc2: {  	v1 =	vld [tilespmem:s0+$0x6400]  }
0xc3: {  	v2 =	vld [tilespmem:s0+$0x6410]  }
0xc4: {  	v3 =	vld [tilespmem:s0+$0x6420]  }
0xc5: {  	v4 =	vld [tilespmem:s0+$0x6430]  }
0xc6: {  	[tilespmem:s0+$0x190F0] =	vst.add.f32.msk $0xffff, v0  }
0xc7: {  	v0 =	vld [tilespmem:s0+$0x6440]  }
0xc8: {  	v5 =	vld [tilespmem:s0+$0x6450]  }
0xc9: {  	v6 =	vld [tilespmem:s0+$0x6460]  }
0xca: {  	v7 =	vld [tilespmem:s0+$0x6470]  }
0xcb: {  	v8 =	vld [tilespmem:s0+$0x6480]  }
0xcc: {  	v9 =	vld [tilespmem:s0+$0x6490]  }
0xcd: {  	v10 =	vld [tilespmem:s0+$0x64A0]  }
0xce: {  	v11 =	vld [tilespmem:s0+$0x64B0]  }
0xcf: {  	v12 =	vld [tilespmem:s0+$0x64C0]  }
0xd0: {  	v13 =	vld [tilespmem:s0+$0x64D0]  }
0xd1: {  	v14 =	vld [tilespmem:s0+$0x64E0]  }
0xd2: {  	[tilespmem:s0+$0x19000] =	vst.add.f32.msk $0xffff, v1  }
0xd3: {  	[tilespmem:s0+$0x19010] =	vst.add.f32.msk $0xffff, v2  }
0xd4: {  	[tilespmem:s0+$0x19020] =	vst.add.f32.msk $0xffff, v3  }
0xd5: {  	[tilespmem:s0+$0x19030] =	vst.add.f32.msk $0xffff, v4  }
0xd6: {  	[tilespmem:s0+$0x19040] =	vst.add.f32.msk $0xffff, v0  }
0xd7: {  	[tilespmem:s0+$0x19050] =	vst.add.f32.msk $0xffff, v5  }
0xd8: {  	[tilespmem:s0+$0x19060] =	vst.add.f32.msk $0xffff, v6  }
0xd9: {  	[tilespmem:s0+$0x19070] =	vst.add.f32.msk $0xffff, v7  }
0xda: {  	[tilespmem:s0+$0x19080] =	vst.add.f32.msk $0xffff, v8  }
0xdb: {  	[tilespmem:s0+$0x19090] =	vst.add.f32.msk $0xffff, v9  }
.Ltmp2:
0xdc: {  	[tilespmem:s0+$0x190A0] =	vst.add.f32.msk $0xffff, v10;
	(pc) =	sbr.rel @p0 .LBB2_6-.Ltmp2, $4  }
0xdd: {  	[tilespmem:s0+$0x190B0] =	vst.add.f32.msk $0xffff, v11  }
0xde: {  	[tilespmem:s0+$0x190C0] =	vst.add.f32.msk $0xffff, v12  }
0xdf: {  	[tilespmem:s0+$0x190D0] =	vst.add.f32.msk $0xffff, v13  }
0xe0: {  	[tilespmem:s0+$0x190E0] =	vst.add.f32.msk $0xffff, v14;
	s0 =	sshra.s32 s2, $0x2;
	s2 =	sadd.s32 $0x400, s2  }
0xe1: {  	v0 =	vld [tilespmem:s0+$0x64F0]  }
0xe2: {  	v1 =	vld [tilespmem:s0+$0x6400]  }
0xe3: {  	v2 =	vld [tilespmem:s0+$0x6410]  }
0xe4: {  	v3 =	vld [tilespmem:s0+$0x6420]  }
0xe5: {  	v4 =	vld [tilespmem:s0+$0x6430]  }
0xe6: {  	v63 =	vld [tilespmem:s0+$0x6440]  }
0xe7: {  	v5 =	vld [tilespmem:s0+$0x6450]  }
0xe8: {  	v6 =	vld [tilespmem:s0+$0x6460]  }
0xe9: {  	v7 =	vld [tilespmem:s0+$0x6470]  }
0xea: {  	v8 =	vld [tilespmem:s0+$0x6480]  }
0xeb: {  	v9 =	vld [tilespmem:s0+$0x6490]  }
0xec: {  	v10 =	vld [tilespmem:s0+$0x64A0]  }
0xed: {  	v11 =	vld [tilespmem:s0+$0x64B0]  }
0xee: {  	v12 =	vld [tilespmem:s0+$0x64C0]  }
0xef: {  	v13 =	vld [tilespmem:s0+$0x64D0]  }
0xf0: {  	v14 =	vld [tilespmem:s0+$0x64E0]  }
0xf1: {  	[tilespmem:s0+$0x190F0] =	vst.add.f32.msk $0xffff, v0  }
0xf2: {  	[tilespmem:s0+$0x19000] =	vst.add.f32.msk $0xffff, v1  }
0xf3: {  	[tilespmem:s0+$0x19010] =	vst.add.f32.msk $0xffff, v2  }
0xf4: {  	[tilespmem:s0+$0x19020] =	vst.add.f32.msk $0xffff, v3  }
0xf5: {  	[tilespmem:s0+$0x19030] =	vst.add.f32.msk $0xffff, v4  }
0xf6: {  	[tilespmem:s0+$0x19040] =	vst.add.f32.msk $0xffff, v63  }
0xf7: {  	[tilespmem:s0+$0x19050] =	vst.add.f32.msk $0xffff, v5  }
0xf8: {  	[tilespmem:s0+$0x19060] =	vst.add.f32.msk $0xffff, v6  }
0xf9: {  	[tilespmem:s0+$0x19070] =	vst.add.f32.msk $0xffff, v7  }
0xfa: {  	[tilespmem:s0+$0x19080] =	vst.add.f32.msk $0xffff, v8  }
0xfb: {  	[tilespmem:s0+$0x19090] =	vst.add.f32.msk $0xffff, v9  }
0xfc: {  	[tilespmem:s0+$0x190A0] =	vst.add.f32.msk $0xffff, v10  }
0xfd: {  	[tilespmem:s0+$0x190B0] =	vst.add.f32.msk $0xffff, v11  }
0xfe: {  	[tilespmem:s0+$0x190C0] =	vst.add.f32.msk $0xffff, v12  }
0xff: {  	[tilespmem:s0+$0x190D0] =	vst.add.f32.msk $0xffff, v13  }
0x100: {  	s2 =	simm.s32 $0x1;
	[tilespmem:s0+$0x190E0] =	vst.add.f32.msk $0xffff, v14  }
0x101: {  	[hbm4b:s10+s5] =	stream.linear.scatter [tilespmem:s26], [sflag:$0x6], $0x6400, $0x38;
	[tilespmem:$0x1F400] =	vst v63  }
.LBB2_8:
0x102: {  	_ =	swait.ge [sflag:s15], $0x6400;
	s0 =	smul.u32 $0x258, s2  }
0x103: {  	[sflag:s15] =	ssyncset.done $0x0  }
0x104: {  	[sflag:s15] =	ssyncadd.s32 $0xFFFF9C00;
	s22 =	sadd.s32 $0xC8, s0  }
0x105: {  	[tilespmem:s21], [sflag:$0x2] =	stream.indirect.gather [hbm4b:s1+s16], $0x80, s22, s16, $0xb8;
	[tilespmem:$0x1F400] =	vst v63  }
0x106: {  	s7 =	sadd.s32 $0x148, s0  }
0x107: {  	[tilespmem:s23], [sflag:$0x2] =	stream.indirect.gather [hbm4b:s1+s18], $0x80, s7, s18, $0xb8;
	[tilespmem:$0x1F400] =	vst v63  }
0x108: {  	_ =	swait.ge [sflag:s24], $0x4000  }
0x109: {  	[sflag:s24] =	ssyncset.done $0x0  }
0x10a: {  	[sflag:s24] =	ssyncadd.s32 $0xFFFFC000  }
0x10b: {  	_ =	swait.ge [sflag:s24], $0x2400  }
0x10c: {  	[sflag:s24] =	ssyncset.done $0x0  }
0x10d: {  	s25 =	simm.s32 $0x0;
	s7 =	simm.s32 $0x400;
	[sflag:s24] =	ssyncadd.s32 $0xFFFFDC00  }
.LBB2_9:
0x10e: {  	p0 =	sne.s32 s7, $0x18C00;
	v0 =	vld [tilespmem:s25+$0x64F0]  }
0x10f: {  	v1 =	vld [tilespmem:s25+$0x6400]  }
0x110: {  	v2 =	vld [tilespmem:s25+$0x6410]  }
0x111: {  	v3 =	vld [tilespmem:s25+$0x6420]  }
0x112: {  	v4 =	vld [tilespmem:s25+$0x6430]  }
0x113: {  	[tilespmem:s25+$0xC8F0] =	vst.add.f32.msk $0xffff, v0  }
0x114: {  	v0 =	vld [tilespmem:s25+$0x6440]  }
0x115: {  	v5 =	vld [tilespmem:s25+$0x6450]  }
0x116: {  	v6 =	vld [tilespmem:s25+$0x6460]  }
0x117: {  	v7 =	vld [tilespmem:s25+$0x6470]  }
0x118: {  	v8 =	vld [tilespmem:s25+$0x6480]  }
0x119: {  	v9 =	vld [tilespmem:s25+$0x6490]  }
0x11a: {  	v10 =	vld [tilespmem:s25+$0x64A0]  }
0x11b: {  	v11 =	vld [tilespmem:s25+$0x64B0]  }
0x11c: {  	v12 =	vld [tilespmem:s25+$0x64C0]  }
0x11d: {  	v13 =	vld [tilespmem:s25+$0x64D0]  }
0x11e: {  	v14 =	vld [tilespmem:s25+$0x64E0]  }
0x11f: {  	[tilespmem:s25+$0xC800] =	vst.add.f32.msk $0xffff, v1  }
0x120: {  	[tilespmem:s25+$0xC810] =	vst.add.f32.msk $0xffff, v2  }
0x121: {  	[tilespmem:s25+$0xC820] =	vst.add.f32.msk $0xffff, v3  }
0x122: {  	[tilespmem:s25+$0xC830] =	vst.add.f32.msk $0xffff, v4  }
0x123: {  	[tilespmem:s25+$0xC840] =	vst.add.f32.msk $0xffff, v0  }
0x124: {  	[tilespmem:s25+$0xC850] =	vst.add.f32.msk $0xffff, v5  }
0x125: {  	[tilespmem:s25+$0xC860] =	vst.add.f32.msk $0xffff, v6  }
0x126: {  	[tilespmem:s25+$0xC870] =	vst.add.f32.msk $0xffff, v7  }
0x127: {  	[tilespmem:s25+$0xC880] =	vst.add.f32.msk $0xffff, v8  }
0x128: {  	[tilespmem:s25+$0xC890] =	vst.add.f32.msk $0xffff, v9  }
.Ltmp3:
0x129: {  	[tilespmem:s25+$0xC8A0] =	vst.add.f32.msk $0xffff, v10;
	(pc) =	sbr.rel @p0 .LBB2_9-.Ltmp3, $4  }
0x12a: {  	[tilespmem:s25+$0xC8B0] =	vst.add.f32.msk $0xffff, v11  }
0x12b: {  	[tilespmem:s25+$0xC8C0] =	vst.add.f32.msk $0xffff, v12  }
0x12c: {  	[tilespmem:s25+$0xC8D0] =	vst.add.f32.msk $0xffff, v13  }
0x12d: {  	[tilespmem:s25+$0xC8E0] =	vst.add.f32.msk $0xffff, v14;
	s25 =	sshra.s32 s7, $0x2;
	s7 =	sadd.s32 $0x400, s7  }
0x12e: {  	v0 =	vld [tilespmem:s25+$0x64F0]  }
0x12f: {  	v1 =	vld [tilespmem:s25+$0x6400]  }
0x130: {  	v2 =	vld [tilespmem:s25+$0x6410]  }
0x131: {  	v3 =	vld [tilespmem:s25+$0x6420]  }
0x132: {  	v4 =	vld [tilespmem:s25+$0x6430]  }
0x133: {  	v63 =	vld [tilespmem:s25+$0x6440]  }
0x134: {  	v5 =	vld [tilespmem:s25+$0x6450]  }
0x135: {  	v6 =	vld [tilespmem:s25+$0x6460]  }
0x136: {  	v7 =	vld [tilespmem:s25+$0x6470]  }
0x137: {  	v8 =	vld [tilespmem:s25+$0x6480]  }
0x138: {  	v9 =	vld [tilespmem:s25+$0x6490]  }
0x139: {  	v10 =	vld [tilespmem:s25+$0x64A0]  }
0x13a: {  	v11 =	vld [tilespmem:s25+$0x64B0]  }
0x13b: {  	v12 =	vld [tilespmem:s25+$0x64C0]  }
0x13c: {  	v13 =	vld [tilespmem:s25+$0x64D0]  }
0x13d: {  	v14 =	vld [tilespmem:s25+$0x64E0]  }
0x13e: {  	[tilespmem:s25+$0xC8F0] =	vst.add.f32.msk $0xffff, v0  }
0x13f: {  	[tilespmem:s25+$0xC800] =	vst.add.f32.msk $0xffff, v1  }
0x140: {  	[tilespmem:s25+$0xC810] =	vst.add.f32.msk $0xffff, v2  }
0x141: {  	[tilespmem:s25+$0xC820] =	vst.add.f32.msk $0xffff, v3  }
0x142: {  	[tilespmem:s25+$0xC830] =	vst.add.f32.msk $0xffff, v4  }
0x143: {  	[tilespmem:s25+$0xC840] =	vst.add.f32.msk $0xffff, v63  }
0x144: {  	[tilespmem:s25+$0xC850] =	vst.add.f32.msk $0xffff, v5  }
0x145: {  	[tilespmem:s25+$0xC860] =	vst.add.f32.msk $0xffff, v6  }
0x146: {  	[tilespmem:s25+$0xC870] =	vst.add.f32.msk $0xffff, v7  }
0x147: {  	[tilespmem:s25+$0xC880] =	vst.add.f32.msk $0xffff, v8  }
0x148: {  	[tilespmem:s25+$0xC890] =	vst.add.f32.msk $0xffff, v9  }
0x149: {  	[tilespmem:s25+$0xC8A0] =	vst.add.f32.msk $0xffff, v10  }
0x14a: {  	[tilespmem:s25+$0xC8B0] =	vst.add.f32.msk $0xffff, v11  }
0x14b: {  	s7 =	sadd.s32 s6, s0;
	[tilespmem:s25+$0xC8C0] =	vst.add.f32.msk $0xffff, v12  }
0x14c: {  	s7 =	sshll.u32 s7, $0x4;
	[tilespmem:s25+$0xC8D0] =	vst.add.f32.msk $0xffff, v13  }
0x14d: {  	s9 =	simm.s32 $0x0;
	s7 =	sadd.s32 s4, s7;
	[tilespmem:s25+$0xC8E0] =	vst.add.f32.msk $0xffff, v14  }
0x14e: {  	[hbm4b:s7+s9] =	stream.linear.scatter [tilespmem:s17], [sflag:$0x4], $0x6400, $0x38;
	[tilespmem:$0x1F400] =	vst v63  }
0x14f: {  	_ =	swait.ge [sflag:s20], $0x6400  }
0x150: {  	[sflag:s20] =	ssyncset.done $0x0  }
0x151: {  	s25 =	sadd.s32 $0x190, s0;
	[sflag:s20] =	ssyncadd.s32 $0xFFFF9C00  }
0x152: {  	[tilespmem:s26], [sflag:$0x3] =	stream.indirect.gather [hbm4b:s1+s16], $0x80, s25, s16, $0xb8;
	[tilespmem:$0x1F400] =	vst v63  }
0x153: {  	s9 =	sadd.s32 $0x210, s0  }
0x154: {  	[tilespmem:s29], [sflag:$0x3] =	stream.indirect.gather [hbm4b:s1+s18], $0x80, s9, s18, $0xb8;
	[tilespmem:$0x1F400] =	vst v63  }
0x155: {  	_ =	swait.ge [sflag:s30], $0x4000  }
0x156: {  	[sflag:s30] =	ssyncset.done $0x0  }
0x157: {  	[sflag:s30] =	ssyncadd.s32 $0xFFFFC000  }
0x158: {  	_ =	swait.ge [sflag:s30], $0x2400  }
0x159: {  	[sflag:s30] =	ssyncset.done $0x0  }
0x15a: {  	s7 =	simm.s32 $0x0;
	s9 =	simm.s32 $0x400;
	[sflag:s30] =	ssyncadd.s32 $0xFFFFDC00  }
.LBB2_11:
0x15b: {  	p0 =	sne.s32 s9, $0x18C00;
	v0 =	vld [tilespmem:s7+$0x64F0]  }
0x15c: {  	v1 =	vld [tilespmem:s7+$0x6400]  }
0x15d: {  	v2 =	vld [tilespmem:s7+$0x6410]  }
0x15e: {  	v3 =	vld [tilespmem:s7+$0x6420]  }
0x15f: {  	v4 =	vld [tilespmem:s7+$0x6430]  }
0x160: {  	[tilespmem:s7+$0x12CF0] =	vst.add.f32.msk $0xffff, v0  }
0x161: {  	v0 =	vld [tilespmem:s7+$0x6440]  }
0x162: {  	v5 =	vld [tilespmem:s7+$0x6450]  }
0x163: {  	v6 =	vld [tilespmem:s7+$0x6460]  }
0x164: {  	v7 =	vld [tilespmem:s7+$0x6470]  }
0x165: {  	v8 =	vld [tilespmem:s7+$0x6480]  }
0x166: {  	v9 =	vld [tilespmem:s7+$0x6490]  }
0x167: {  	v10 =	vld [tilespmem:s7+$0x64A0]  }
0x168: {  	v11 =	vld [tilespmem:s7+$0x64B0]  }
0x169: {  	v12 =	vld [tilespmem:s7+$0x64C0]  }
0x16a: {  	v13 =	vld [tilespmem:s7+$0x64D0]  }
0x16b: {  	v14 =	vld [tilespmem:s7+$0x64E0]  }
0x16c: {  	[tilespmem:s7+$0x12C00] =	vst.add.f32.msk $0xffff, v1  }
0x16d: {  	[tilespmem:s7+$0x12C10] =	vst.add.f32.msk $0xffff, v2  }
0x16e: {  	[tilespmem:s7+$0x12C20] =	vst.add.f32.msk $0xffff, v3  }
0x16f: {  	[tilespmem:s7+$0x12C30] =	vst.add.f32.msk $0xffff, v4  }
0x170: {  	[tilespmem:s7+$0x12C40] =	vst.add.f32.msk $0xffff, v0  }
0x171: {  	[tilespmem:s7+$0x12C50] =	vst.add.f32.msk $0xffff, v5  }
0x172: {  	[tilespmem:s7+$0x12C60] =	vst.add.f32.msk $0xffff, v6  }
0x173: {  	[tilespmem:s7+$0x12C70] =	vst.add.f32.msk $0xffff, v7  }
0x174: {  	[tilespmem:s7+$0x12C80] =	vst.add.f32.msk $0xffff, v8  }
0x175: {  	[tilespmem:s7+$0x12C90] =	vst.add.f32.msk $0xffff, v9  }
.Ltmp4:
0x176: {  	[tilespmem:s7+$0x12CA0] =	vst.add.f32.msk $0xffff, v10;
	(pc) =	sbr.rel @p0 .LBB2_11-.Ltmp4, $4  }
0x177: {  	[tilespmem:s7+$0x12CB0] =	vst.add.f32.msk $0xffff, v11  }
0x178: {  	[tilespmem:s7+$0x12CC0] =	vst.add.f32.msk $0xffff, v12  }
0x179: {  	[tilespmem:s7+$0x12CD0] =	vst.add.f32.msk $0xffff, v13  }
0x17a: {  	[tilespmem:s7+$0x12CE0] =	vst.add.f32.msk $0xffff, v14;
	s7 =	sshra.s32 s9, $0x2;
	s9 =	sadd.s32 $0x400, s9  }
0x17b: {  	v0 =	vld [tilespmem:s7+$0x64F0]  }
0x17c: {  	v1 =	vld [tilespmem:s7+$0x6400]  }
0x17d: {  	v2 =	vld [tilespmem:s7+$0x6410]  }
0x17e: {  	v3 =	vld [tilespmem:s7+$0x6420]  }
0x17f: {  	v4 =	vld [tilespmem:s7+$0x6430]  }
0x180: {  	v63 =	vld [tilespmem:s7+$0x6440]  }
0x181: {  	v5 =	vld [tilespmem:s7+$0x6450]  }
0x182: {  	v6 =	vld [tilespmem:s7+$0x6460]  }
0x183: {  	v7 =	vld [tilespmem:s7+$0x6470]  }
0x184: {  	v8 =	vld [tilespmem:s7+$0x6480]  }
0x185: {  	v9 =	vld [tilespmem:s7+$0x6490]  }
0x186: {  	v10 =	vld [tilespmem:s7+$0x64A0]  }
0x187: {  	v11 =	vld [tilespmem:s7+$0x64B0]  }
0x188: {  	v12 =	vld [tilespmem:s7+$0x64C0]  }
0x189: {  	v13 =	vld [tilespmem:s7+$0x64D0]  }
0x18a: {  	v14 =	vld [tilespmem:s7+$0x64E0]  }
0x18b: {  	[tilespmem:s7+$0x12CF0] =	vst.add.f32.msk $0xffff, v0  }
0x18c: {  	[tilespmem:s7+$0x12C00] =	vst.add.f32.msk $0xffff, v1  }
0x18d: {  	[tilespmem:s7+$0x12C10] =	vst.add.f32.msk $0xffff, v2  }
0x18e: {  	[tilespmem:s7+$0x12C20] =	vst.add.f32.msk $0xffff, v3  }
0x18f: {  	[tilespmem:s7+$0x12C30] =	vst.add.f32.msk $0xffff, v4  }
0x190: {  	[tilespmem:s7+$0x12C40] =	vst.add.f32.msk $0xffff, v63  }
0x191: {  	[tilespmem:s7+$0x12C50] =	vst.add.f32.msk $0xffff, v5  }
0x192: {  	[tilespmem:s7+$0x12C60] =	vst.add.f32.msk $0xffff, v6  }
0x193: {  	[tilespmem:s7+$0x12C70] =	vst.add.f32.msk $0xffff, v7  }
0x194: {  	[tilespmem:s7+$0x12C80] =	vst.add.f32.msk $0xffff, v8  }
0x195: {  	[tilespmem:s7+$0x12C90] =	vst.add.f32.msk $0xffff, v9  }
0x196: {  	[tilespmem:s7+$0x12CA0] =	vst.add.f32.msk $0xffff, v10  }
0x197: {  	[tilespmem:s7+$0x12CB0] =	vst.add.f32.msk $0xffff, v11  }
0x198: {  	s9 =	sadd.s32 s6, s22;
	[tilespmem:s7+$0x12CC0] =	vst.add.f32.msk $0xffff, v12  }
0x199: {  	s9 =	sshll.u32 s9, $0x4;
	[tilespmem:s7+$0x12CD0] =	vst.add.f32.msk $0xffff, v13  }
0x19a: {  	s22 =	simm.s32 $0x0;
	s9 =	sadd.s32 s4, s9;
	[tilespmem:s7+$0x12CE0] =	vst.add.f32.msk $0xffff, v14  }
0x19b: {  	[hbm4b:s9+s22] =	stream.linear.scatter [tilespmem:s21], [sflag:$0x5], $0x6400, $0x38;
	[tilespmem:$0x1F400] =	vst v63  }
0x19c: {  	_ =	swait.ge [sflag:s31], $0x6400  }
0x19d: {  	[sflag:s31] =	ssyncset.done $0x0  }
0x19e: {  	s9 =	sadd.s32 $0x258, s0;
	[sflag:s31] =	ssyncadd.s32 $0xFFFF9C00  }
0x19f: {  	[tilespmem:s17], [sflag:$0x1] =	stream.indirect.gather [hbm4b:s1+s16], $0x80, s9, s16, $0xb8;
	[tilespmem:$0x1F400] =	vst v63  }
0x1a0: {  	s22 =	sadd.s32 $0x2D8, s0  }
0x1a1: {  	[tilespmem:s19], [sflag:$0x1] =	stream.indirect.gather [hbm4b:s1+s18], $0x80, s22, s18, $0xb8;
	[tilespmem:$0x1F400] =	vst v63  }
0x1a2: {  	_ =	swait.ge [sflag:s3], $0x4000  }
0x1a3: {  	[sflag:s3] =	ssyncset.done $0x0  }
0x1a4: {  	[sflag:s3] =	ssyncadd.s32 $0xFFFFC000  }
0x1a5: {  	_ =	swait.ge [sflag:s3], $0x2400  }
0x1a6: {  	[sflag:s3] =	ssyncset.done $0x0  }
0x1a7: {  	s7 =	simm.s32 $0x400;
	s0 =	simm.s32 $0x0;
	[sflag:s3] =	ssyncadd.s32 $0xFFFFDC00  }
.LBB2_13:
0x1a8: {  	p0 =	sne.s32 s7, $0x18C00;
	v0 =	vld [tilespmem:s0+$0x64F0]  }
0x1a9: {  	v1 =	vld [tilespmem:s0+$0x6400]  }
0x1aa: {  	v2 =	vld [tilespmem:s0+$0x6410]  }
0x1ab: {  	v3 =	vld [tilespmem:s0+$0x6420]  }
0x1ac: {  	v4 =	vld [tilespmem:s0+$0x6430]  }
0x1ad: {  	[tilespmem:s0+$0x190F0] =	vst.add.f32.msk $0xffff, v0  }
0x1ae: {  	v0 =	vld [tilespmem:s0+$0x6440]  }
0x1af: {  	v5 =	vld [tilespmem:s0+$0x6450]  }
0x1b0: {  	v6 =	vld [tilespmem:s0+$0x6460]  }
0x1b1: {  	v7 =	vld [tilespmem:s0+$0x6470]  }
0x1b2: {  	v8 =	vld [tilespmem:s0+$0x6480]  }
0x1b3: {  	v9 =	vld [tilespmem:s0+$0x6490]  }
0x1b4: {  	v10 =	vld [tilespmem:s0+$0x64A0]  }
0x1b5: {  	v11 =	vld [tilespmem:s0+$0x64B0]  }
0x1b6: {  	v12 =	vld [tilespmem:s0+$0x64C0]  }
0x1b7: {  	v13 =	vld [tilespmem:s0+$0x64D0]  }
0x1b8: {  	v14 =	vld [tilespmem:s0+$0x64E0]  }
0x1b9: {  	[tilespmem:s0+$0x19000] =	vst.add.f32.msk $0xffff, v1  }
0x1ba: {  	[tilespmem:s0+$0x19010] =	vst.add.f32.msk $0xffff, v2  }
0x1bb: {  	[tilespmem:s0+$0x19020] =	vst.add.f32.msk $0xffff, v3  }
0x1bc: {  	[tilespmem:s0+$0x19030] =	vst.add.f32.msk $0xffff, v4  }
0x1bd: {  	[tilespmem:s0+$0x19040] =	vst.add.f32.msk $0xffff, v0  }
0x1be: {  	[tilespmem:s0+$0x19050] =	vst.add.f32.msk $0xffff, v5  }
0x1bf: {  	[tilespmem:s0+$0x19060] =	vst.add.f32.msk $0xffff, v6  }
0x1c0: {  	[tilespmem:s0+$0x19070] =	vst.add.f32.msk $0xffff, v7  }
0x1c1: {  	[tilespmem:s0+$0x19080] =	vst.add.f32.msk $0xffff, v8  }
0x1c2: {  	[tilespmem:s0+$0x19090] =	vst.add.f32.msk $0xffff, v9  }
.Ltmp5:
0x1c3: {  	[tilespmem:s0+$0x190A0] =	vst.add.f32.msk $0xffff, v10;
	(pc) =	sbr.rel @p0 .LBB2_13-.Ltmp5, $4  }
0x1c4: {  	[tilespmem:s0+$0x190B0] =	vst.add.f32.msk $0xffff, v11  }
0x1c5: {  	[tilespmem:s0+$0x190C0] =	vst.add.f32.msk $0xffff, v12  }
0x1c6: {  	[tilespmem:s0+$0x190D0] =	vst.add.f32.msk $0xffff, v13  }
0x1c7: {  	[tilespmem:s0+$0x190E0] =	vst.add.f32.msk $0xffff, v14;
	s0 =	sshra.s32 s7, $0x2;
	s7 =	sadd.s32 $0x400, s7  }
0x1c8: {  	v0 =	vld [tilespmem:s0+$0x64F0]  }
0x1c9: {  	v1 =	vld [tilespmem:s0+$0x6400]  }
0x1ca: {  	v2 =	vld [tilespmem:s0+$0x6410]  }
0x1cb: {  	v3 =	vld [tilespmem:s0+$0x6420]  }
0x1cc: {  	v4 =	vld [tilespmem:s0+$0x6430]  }
0x1cd: {  	v63 =	vld [tilespmem:s0+$0x6440]  }
0x1ce: {  	v5 =	vld [tilespmem:s0+$0x6450]  }
0x1cf: {  	v6 =	vld [tilespmem:s0+$0x6460]  }
0x1d0: {  	v7 =	vld [tilespmem:s0+$0x6470]  }
0x1d1: {  	v8 =	vld [tilespmem:s0+$0x6480]  }
0x1d2: {  	v9 =	vld [tilespmem:s0+$0x6490]  }
0x1d3: {  	v10 =	vld [tilespmem:s0+$0x64A0]  }
0x1d4: {  	v11 =	vld [tilespmem:s0+$0x64B0]  }
0x1d5: {  	v12 =	vld [tilespmem:s0+$0x64C0]  }
0x1d6: {  	v13 =	vld [tilespmem:s0+$0x64D0]  }
0x1d7: {  	v14 =	vld [tilespmem:s0+$0x64E0]  }
0x1d8: {  	[tilespmem:s0+$0x190F0] =	vst.add.f32.msk $0xffff, v0  }
0x1d9: {  	[tilespmem:s0+$0x19000] =	vst.add.f32.msk $0xffff, v1  }
0x1da: {  	[tilespmem:s0+$0x19010] =	vst.add.f32.msk $0xffff, v2  }
0x1db: {  	[tilespmem:s0+$0x19020] =	vst.add.f32.msk $0xffff, v3  }
0x1dc: {  	[tilespmem:s0+$0x19030] =	vst.add.f32.msk $0xffff, v4  }
0x1dd: {  	[tilespmem:s0+$0x19040] =	vst.add.f32.msk $0xffff, v63  }
0x1de: {  	[tilespmem:s0+$0x19050] =	vst.add.f32.msk $0xffff, v5  }
0x1df: {  	[tilespmem:s0+$0x19060] =	vst.add.f32.msk $0xffff, v6  }
0x1e0: {  	[tilespmem:s0+$0x19070] =	vst.add.f32.msk $0xffff, v7  }
0x1e1: {  	[tilespmem:s0+$0x19080] =	vst.add.f32.msk $0xffff, v8  }
0x1e2: {  	s2 =	sadd.s32 $0x1, s2;
	[tilespmem:s0+$0x19090] =	vst.add.f32.msk $0xffff, v9  }
0x1e3: {  	p0 =	sne.s32 s2, $0x2A;
	[tilespmem:s0+$0x190A0] =	vst.add.f32.msk $0xffff, v10  }
.Ltmp6:
0x1e4: {  	[tilespmem:s0+$0x190B0] =	vst.add.f32.msk $0xffff, v11;
	(pc) =	sbr.rel @p0 .LBB2_8-.Ltmp6, $4  }
0x1e5: {  	s7 =	sadd.s32 s6, s25;
	[tilespmem:s0+$0x190C0] =	vst.add.f32.msk $0xffff, v12  }
0x1e6: {  	s7 =	sshll.u32 s7, $0x4;
	[tilespmem:s0+$0x190D0] =	vst.add.f32.msk $0xffff, v13  }
0x1e7: {  	s25 =	sadd.s32 s4, s7;
	[tilespmem:s0+$0x190E0] =	vst.add.f32.msk $0xffff, v14  }
0x1e8: {  	[hbm4b:s25+s5] =	stream.linear.scatter [tilespmem:s26], [sflag:$0x6], $0x6400, $0x38;
	[tilespmem:$0x1F400] =	vst v63  }
0x1e9: {  	_ =	swait.ge [sflag:s15], $0x6400  }
0x1ea: {  	[sflag:s15] =	ssyncset.done $0x0  }
0x1eb: {  	s0 =	simm.s32 $0x6338;
	[sflag:s15] =	ssyncadd.s32 $0xFFFF9C00  }
0x1ec: {  	[tilespmem:s21], [sflag:$0x2] =	stream.indirect.gather [hbm4b:s1+s16], $0x80, s0, s16, $0xb8;
	[tilespmem:$0x1F400] =	vst v63  }
0x1ed: {  	s25 =	simm.s32 $0x63B8  }
0x1ee: {  	[tilespmem:s23], [sflag:$0x2] =	stream.indirect.gather [hbm4b:s1+s18], $0x80, s25, s18, $0xb8;
	[tilespmem:$0x1F400] =	vst v63  }
0x1ef: {  	_ =	swait.ge [sflag:s24], $0x4000  }
0x1f0: {  	[sflag:s24] =	ssyncset.done $0x0  }
0x1f1: {  	[sflag:s24] =	ssyncadd.s32 $0xFFFFC000  }
0x1f2: {  	_ =	swait.ge [sflag:s24], $0x2400  }
0x1f3: {  	[sflag:s24] =	ssyncset.done $0x0  }
0x1f4: {  	s2 =	simm.s32 $0x400;
	s0 =	simm.s32 $0x0;
	[sflag:s24] =	ssyncadd.s32 $0xFFFFDC00  }
.LBB2_16:
0x1f5: {  	p0 =	sne.s32 s2, $0x18C00;
	v0 =	vld [tilespmem:s0+$0x64F0]  }
0x1f6: {  	v1 =	vld [tilespmem:s0+$0x6400]  }
0x1f7: {  	v2 =	vld [tilespmem:s0+$0x6410]  }
0x1f8: {  	v3 =	vld [tilespmem:s0+$0x6420]  }
0x1f9: {  	v4 =	vld [tilespmem:s0+$0x6430]  }
0x1fa: {  	[tilespmem:s0+$0xC8F0] =	vst.add.f32.msk $0xffff, v0  }
0x1fb: {  	v0 =	vld [tilespmem:s0+$0x6440]  }
0x1fc: {  	v5 =	vld [tilespmem:s0+$0x6450]  }
0x1fd: {  	v6 =	vld [tilespmem:s0+$0x6460]  }
0x1fe: {  	v7 =	vld [tilespmem:s0+$0x6470]  }
0x1ff: {  	v8 =	vld [tilespmem:s0+$0x6480]  }
0x200: {  	v9 =	vld [tilespmem:s0+$0x6490]  }
0x201: {  	v10 =	vld [tilespmem:s0+$0x64A0]  }
0x202: {  	v11 =	vld [tilespmem:s0+$0x64B0]  }
0x203: {  	v12 =	vld [tilespmem:s0+$0x64C0]  }
0x204: {  	v13 =	vld [tilespmem:s0+$0x64D0]  }
0x205: {  	v14 =	vld [tilespmem:s0+$0x64E0]  }
0x206: {  	[tilespmem:s0+$0xC800] =	vst.add.f32.msk $0xffff, v1  }
0x207: {  	[tilespmem:s0+$0xC810] =	vst.add.f32.msk $0xffff, v2  }
0x208: {  	[tilespmem:s0+$0xC820] =	vst.add.f32.msk $0xffff, v3  }
0x209: {  	[tilespmem:s0+$0xC830] =	vst.add.f32.msk $0xffff, v4  }
0x20a: {  	[tilespmem:s0+$0xC840] =	vst.add.f32.msk $0xffff, v0  }
0x20b: {  	[tilespmem:s0+$0xC850] =	vst.add.f32.msk $0xffff, v5  }
0x20c: {  	[tilespmem:s0+$0xC860] =	vst.add.f32.msk $0xffff, v6  }
0x20d: {  	[tilespmem:s0+$0xC870] =	vst.add.f32.msk $0xffff, v7  }
0x20e: {  	[tilespmem:s0+$0xC880] =	vst.add.f32.msk $0xffff, v8  }
0x20f: {  	[tilespmem:s0+$0xC890] =	vst.add.f32.msk $0xffff, v9  }
.Ltmp7:
0x210: {  	[tilespmem:s0+$0xC8A0] =	vst.add.f32.msk $0xffff, v10;
	(pc) =	sbr.rel @p0 .LBB2_16-.Ltmp7, $4  }
0x211: {  	[tilespmem:s0+$0xC8B0] =	vst.add.f32.msk $0xffff, v11  }
0x212: {  	[tilespmem:s0+$0xC8C0] =	vst.add.f32.msk $0xffff, v12  }
0x213: {  	[tilespmem:s0+$0xC8D0] =	vst.add.f32.msk $0xffff, v13  }
0x214: {  	[tilespmem:s0+$0xC8E0] =	vst.add.f32.msk $0xffff, v14;
	s0 =	sshra.s32 s2, $0x2;
	s2 =	sadd.s32 $0x400, s2  }
0x215: {  	v0 =	vld [tilespmem:s0+$0x64F0]  }
0x216: {  	v1 =	vld [tilespmem:s0+$0x6400]  }
0x217: {  	v2 =	vld [tilespmem:s0+$0x6410]  }
0x218: {  	v3 =	vld [tilespmem:s0+$0x6420]  }
0x219: {  	v4 =	vld [tilespmem:s0+$0x6430]  }
0x21a: {  	v63 =	vld [tilespmem:s0+$0x6440]  }
0x21b: {  	v5 =	vld [tilespmem:s0+$0x6450]  }
0x21c: {  	v6 =	vld [tilespmem:s0+$0x6460]  }
0x21d: {  	v7 =	vld [tilespmem:s0+$0x6470]  }
0x21e: {  	v8 =	vld [tilespmem:s0+$0x6480]  }
0x21f: {  	v9 =	vld [tilespmem:s0+$0x6490]  }
0x220: {  	v10 =	vld [tilespmem:s0+$0x64A0]  }
0x221: {  	v11 =	vld [tilespmem:s0+$0x64B0]  }
0x222: {  	v12 =	vld [tilespmem:s0+$0x64C0]  }
0x223: {  	v13 =	vld [tilespmem:s0+$0x64D0]  }
0x224: {  	v14 =	vld [tilespmem:s0+$0x64E0]  }
0x225: {  	[tilespmem:s0+$0xC8F0] =	vst.add.f32.msk $0xffff, v0  }
0x226: {  	[tilespmem:s0+$0xC800] =	vst.add.f32.msk $0xffff, v1  }
0x227: {  	[tilespmem:s0+$0xC810] =	vst.add.f32.msk $0xffff, v2  }
0x228: {  	[tilespmem:s0+$0xC820] =	vst.add.f32.msk $0xffff, v3  }
0x229: {  	[tilespmem:s0+$0xC830] =	vst.add.f32.msk $0xffff, v4  }
0x22a: {  	[tilespmem:s0+$0xC840] =	vst.add.f32.msk $0xffff, v63  }
0x22b: {  	[tilespmem:s0+$0xC850] =	vst.add.f32.msk $0xffff, v5  }
0x22c: {  	[tilespmem:s0+$0xC860] =	vst.add.f32.msk $0xffff, v6  }
0x22d: {  	[tilespmem:s0+$0xC870] =	vst.add.f32.msk $0xffff, v7  }
0x22e: {  	[tilespmem:s0+$0xC880] =	vst.add.f32.msk $0xffff, v8  }
0x22f: {  	[tilespmem:s0+$0xC890] =	vst.add.f32.msk $0xffff, v9  }
0x230: {  	[tilespmem:s0+$0xC8A0] =	vst.add.f32.msk $0xffff, v10  }
0x231: {  	[tilespmem:s0+$0xC8B0] =	vst.add.f32.msk $0xffff, v11  }
0x232: {  	[tilespmem:s0+$0xC8C0] =	vst.add.f32.msk $0xffff, v12  }
0x233: {  	[tilespmem:s0+$0xC8D0] =	vst.add.f32.msk $0xffff, v13  }
0x234: {  	s25 =	simm.s32 $0x0;
	[tilespmem:s0+$0xC8E0] =	vst.add.f32.msk $0xffff, v14  }
0x235: {  	[hbm4b:s11+s25] =	stream.linear.scatter [tilespmem:s17], [sflag:$0x4], $0x6400, $0x38;
	[tilespmem:$0x1F400] =	vst v63  }
0x236: {  	_ =	swait.ge [sflag:s30], $0x4000  }
0x237: {  	[sflag:s30] =	ssyncset.done $0x0  }
0x238: {  	[sflag:s30] =	ssyncadd.s32 $0xFFFFC000  }
0x239: {  	_ =	swait.ge [sflag:s30], $0x2400  }
0x23a: {  	[sflag:s30] =	ssyncset.done $0x0  }
0x23b: {  	s2 =	simm.s32 $0x400;
	s0 =	simm.s32 $0x0;
	[sflag:s30] =	ssyncadd.s32 $0xFFFFDC00  }
.LBB2_18:
0x23c: {  	p0 =	sne.s32 s2, $0x18C00;
	v0 =	vld [tilespmem:s0+$0x64F0]  }
0x23d: {  	v1 =	vld [tilespmem:s0+$0x6400]  }
0x23e: {  	v2 =	vld [tilespmem:s0+$0x6410]  }
0x23f: {  	v3 =	vld [tilespmem:s0+$0x6420]  }
0x240: {  	v4 =	vld [tilespmem:s0+$0x6430]  }
0x241: {  	[tilespmem:s0+$0x12CF0] =	vst.add.f32.msk $0xffff, v0  }
0x242: {  	v0 =	vld [tilespmem:s0+$0x6440]  }
0x243: {  	v5 =	vld [tilespmem:s0+$0x6450]  }
0x244: {  	v6 =	vld [tilespmem:s0+$0x6460]  }
0x245: {  	v7 =	vld [tilespmem:s0+$0x6470]  }
0x246: {  	v8 =	vld [tilespmem:s0+$0x6480]  }
0x247: {  	v9 =	vld [tilespmem:s0+$0x6490]  }
0x248: {  	v10 =	vld [tilespmem:s0+$0x64A0]  }
0x249: {  	v11 =	vld [tilespmem:s0+$0x64B0]  }
0x24a: {  	v12 =	vld [tilespmem:s0+$0x64C0]  }
0x24b: {  	v13 =	vld [tilespmem:s0+$0x64D0]  }
0x24c: {  	v14 =	vld [tilespmem:s0+$0x64E0]  }
0x24d: {  	[tilespmem:s0+$0x12C00] =	vst.add.f32.msk $0xffff, v1  }
0x24e: {  	[tilespmem:s0+$0x12C10] =	vst.add.f32.msk $0xffff, v2  }
0x24f: {  	[tilespmem:s0+$0x12C20] =	vst.add.f32.msk $0xffff, v3  }
0x250: {  	[tilespmem:s0+$0x12C30] =	vst.add.f32.msk $0xffff, v4  }
0x251: {  	[tilespmem:s0+$0x12C40] =	vst.add.f32.msk $0xffff, v0  }
0x252: {  	[tilespmem:s0+$0x12C50] =	vst.add.f32.msk $0xffff, v5  }
0x253: {  	[tilespmem:s0+$0x12C60] =	vst.add.f32.msk $0xffff, v6  }
0x254: {  	[tilespmem:s0+$0x12C70] =	vst.add.f32.msk $0xffff, v7  }
0x255: {  	[tilespmem:s0+$0x12C80] =	vst.add.f32.msk $0xffff, v8  }
0x256: {  	[tilespmem:s0+$0x12C90] =	vst.add.f32.msk $0xffff, v9  }
.Ltmp8:
0x257: {  	[tilespmem:s0+$0x12CA0] =	vst.add.f32.msk $0xffff, v10;
	(pc) =	sbr.rel @p0 .LBB2_18-.Ltmp8, $4  }
0x258: {  	[tilespmem:s0+$0x12CB0] =	vst.add.f32.msk $0xffff, v11  }
0x259: {  	[tilespmem:s0+$0x12CC0] =	vst.add.f32.msk $0xffff, v12  }
0x25a: {  	[tilespmem:s0+$0x12CD0] =	vst.add.f32.msk $0xffff, v13  }
0x25b: {  	[tilespmem:s0+$0x12CE0] =	vst.add.f32.msk $0xffff, v14;
	s0 =	sshra.s32 s2, $0x2;
	s2 =	sadd.s32 $0x400, s2  }
0x25c: {  	v0 =	vld [tilespmem:s0+$0x64F0]  }
0x25d: {  	v1 =	vld [tilespmem:s0+$0x6400]  }
0x25e: {  	v2 =	vld [tilespmem:s0+$0x6410]  }
0x25f: {  	v3 =	vld [tilespmem:s0+$0x6420]  }
0x260: {  	v4 =	vld [tilespmem:s0+$0x6430]  }
0x261: {  	v63 =	vld [tilespmem:s0+$0x6440]  }
0x262: {  	v5 =	vld [tilespmem:s0+$0x6450]  }
0x263: {  	v6 =	vld [tilespmem:s0+$0x6460]  }
0x264: {  	v7 =	vld [tilespmem:s0+$0x6470]  }
0x265: {  	v8 =	vld [tilespmem:s0+$0x6480]  }
0x266: {  	v9 =	vld [tilespmem:s0+$0x6490]  }
0x267: {  	v10 =	vld [tilespmem:s0+$0x64A0]  }
0x268: {  	v11 =	vld [tilespmem:s0+$0x64B0]  }
0x269: {  	v12 =	vld [tilespmem:s0+$0x64C0]  }
0x26a: {  	v13 =	vld [tilespmem:s0+$0x64D0]  }
0x26b: {  	v14 =	vld [tilespmem:s0+$0x64E0]  }
0x26c: {  	[tilespmem:s0+$0x12CF0] =	vst.add.f32.msk $0xffff, v0  }
0x26d: {  	[tilespmem:s0+$0x12C00] =	vst.add.f32.msk $0xffff, v1  }
0x26e: {  	[tilespmem:s0+$0x12C10] =	vst.add.f32.msk $0xffff, v2  }
0x26f: {  	[tilespmem:s0+$0x12C20] =	vst.add.f32.msk $0xffff, v3  }
0x270: {  	[tilespmem:s0+$0x12C30] =	vst.add.f32.msk $0xffff, v4  }
0x271: {  	[tilespmem:s0+$0x12C40] =	vst.add.f32.msk $0xffff, v63  }
0x272: {  	[tilespmem:s0+$0x12C50] =	vst.add.f32.msk $0xffff, v5  }
0x273: {  	[tilespmem:s0+$0x12C60] =	vst.add.f32.msk $0xffff, v6  }
0x274: {  	[tilespmem:s0+$0x12C70] =	vst.add.f32.msk $0xffff, v7  }
0x275: {  	[tilespmem:s0+$0x12C80] =	vst.add.f32.msk $0xffff, v8  }
0x276: {  	[tilespmem:s0+$0x12C90] =	vst.add.f32.msk $0xffff, v9  }
0x277: {  	[tilespmem:s0+$0x12CA0] =	vst.add.f32.msk $0xffff, v10  }
0x278: {  	[tilespmem:s0+$0x12CB0] =	vst.add.f32.msk $0xffff, v11  }
0x279: {  	[tilespmem:s0+$0x12CC0] =	vst.add.f32.msk $0xffff, v12  }
0x27a: {  	[tilespmem:s0+$0x12CD0] =	vst.add.f32.msk $0xffff, v13  }
0x27b: {  	[tilespmem:s0+$0x12CE0] =	vst.add.f32.msk $0xffff, v14  }
0x27c: {  	[hbm4b:s12+s5] =	stream.linear.scatter [tilespmem:s21], [sflag:$0x5], $0x6400, $0x38;
	[tilespmem:$0x1F400] =	vst v63  }
0x27d: {  	_ =	swait.ge [sflag:s20], $0x6400  }
0x27e: {  	[sflag:s20] =	ssyncset.done $0x0  }
0x27f: {  	s28 =	sadd.s32 $0x1, s28;
	[sflag:s20] =	ssyncadd.s32 $0xFFFF9C00  }
0x280: {  	p0 =	sne.s32 s28, s13;
	_ =	swait.ge [sflag:s31], $0x6400  }
.Ltmp9:
0x281: {  	[sflag:s31] =	ssyncset.done $0x0;
	(pc) =	sbr.rel @p0 .LBB2_1-.Ltmp9, $4  }
0x282: {  	[sflag:s31] =	ssyncadd.s32 $0xFFFF9C00  }
0x283: {  	_ =	swait.ge [sflag:s15], $0x6400  }
0x284: {  	[sflag:s15] =	ssyncset.done $0x0  }
0x285: {  	[sflag:s15] =	ssyncadd.s32 $0xFFFF9C00  }
0x286: {  	_ =	sfence.sel $0x180000  }
0x287: {  	[bflag:$0x0] =	sbarrier.arrive $0xFFFF  }
0x288: {  	_ =	strace $0x90000047  }
0x289: {  	s0 =	stileid.u32;
	[bflag:$0x2] =	sbarrier.arrive $0xFFFF  }
0x28a: {  	p0 =	sne.s32 s0, $0x0;
	s0 =	rddreg [dreg:$0x4]  }
0x28b: {  	s0 =	sadd.s32 @!p0 $0x100000, s0  }
0x28c: {  	[sflag:s0] =	ssyncadd.tile.s32 @!p0 $0x1;
	_ =	shalt  }
.Lfunc_end2:
_tile_overlayer_lowered:
.L_overlay_start_2:
0x28d: {  	(tag) =	ssettag $0x2  }
0x28e: {  	s0 =	rddreg [dreg:$0x0];
	s2 =	stileid.u32  }
0x28f: {  	s1 =	rddreg [dreg:$0x1];
	p0 =	sne.s32 s2, $0x0  }
0x290: {  	s3 =	rddreg [dreg:$0x2];
	[bflag:$0x3] =	sbarrier.arrive $0xFFFF;
	s2 =	simm.s32 @!p0 $0x1C07  }
0x291: {  	[timem:s3], [sflag:s2] =	dma.local @!p0 [hbm:s0], s1  }
0x292: {  	s0 =	simm.s32 @!p0 $0x7  }
0x293: {  	_ =	swait.ge @!p0 [sflag:s0], s1  }
0x294: {  	s1 =	ssub.s32 @!p0 $0x0, s1;
	[sflag:s0] =	ssyncset.done @!p0 $0x0  }
0x295: {  	[sflag:s0] =	ssyncadd.s32 @!p0 s1  }
0x296: {  	[bflag:$0x3] =	sbarrier.arrive $0xFFFF  }
0x297: {  	_ =	shalt  }

</sc_bundles>
